<compile_context>
chip_gen: v7x
topology: tpu7x:2x2x1
jax: 0.10.2.dev20260603
libtpu: 0.0.44.dev20260713+nightly
codegen_flags: <defaults>
</compile_context>

<pallas_src>
import functools

import jax
import jax.numpy as jnp
from jax import lax
from jax.experimental import pallas as pl
from jax.experimental.pallas import tpu as pltpu
from jax.experimental.pallas import tpu_sc as plsc

_BB = 8
_NB_SC = 8


def _tc_body(x_ref, der_ref, out_ref):
    for i in range(_BB):
        xb = jnp.broadcast_to(x_ref[0, i], (8, x_ref.shape[-1]))
        y = lax.dot_general(
            xb, der_ref[i],
            dimension_numbers=(((1,), (1,)), ((), ())),
            preferred_element_type=jnp.float32,
        )
        y0 = y[0]
        out_ref[0, i] = y0 * y0


def _tc_call(x3, der_t, nb_tc):
    D = x3.shape[-1]
    RT = der_t.shape[1]
    return pl.pallas_call(
        _tc_body,
        grid=(nb_tc // _BB,),
        in_specs=[
            pl.BlockSpec((1, _BB, D), lambda b: (b, 0, 0)),
            pl.BlockSpec((_BB, RT, D), lambda b: (b, 0, 0)),
        ],
        out_specs=pl.BlockSpec((1, _BB, RT), lambda b: (b, 0, 0)),
        out_shape=jax.ShapeDtypeStruct((nb_tc // _BB, _BB, RT), jnp.float32),
    )(x3, der_t)


def _sc_call(x, der_t, nb):
    B, RT, D = der_t.shape
    spb = 32 // nb
    rows = RT // spb
    b0 = B - nb
    mesh = plsc.VectorSubcoreMesh(core_axis_name="c", subcore_axis_name="s")

    @functools.partial(
        pl.kernel,
        out_type=jax.ShapeDtypeStruct((nb, RT), jnp.float32),
        mesh=mesh,
        scratch_types=[
            pltpu.VMEM((rows, D), jnp.float32),
            pltpu.VMEM((D,), jnp.float32),
            pltpu.VMEM((rows,), jnp.float32),
        ],
    )
    def sck(x_hbm, der_hbm, out_hbm, buf, xrow, orow):
        c = lax.axis_index("c")
        s = lax.axis_index("s")
        w = s * 2 + c
        bl = w // spb
        b = b0 + bl
        r0 = (w % spb) * rows
        pltpu.sync_copy(x_hbm.at[b], xrow)
        pltpu.sync_copy(der_hbm.at[b, pl.ds(r0, rows)], buf)
        iotav = lax.iota(jnp.int32, 16)
        xv = [xrow[pl.ds(v * 16, 16)] for v in range(D // 16)]

        def grp(g, tok):
            acc = jnp.zeros((16,), jnp.float32)
            for l in range(16):
                r = g * 16 + l
                p = buf[r, pl.ds(0, 16)] * xv[0]
                for v in range(1, D // 16):
                    p = p + buf[r, pl.ds(v * 16, 16)] * xv[v]
                for k in (1, 2, 4, 8):
                    p = p + jnp.take(p, jnp.bitwise_xor(iotav, k))
                acc = jnp.where(iotav == l, p, acc)
            orow[pl.ds(g * 16, 16)] = acc * acc
            return tok

        lax.fori_loop(0, rows // 16, grp, 0)
        pltpu.sync_copy(orow, out_hbm.at[bl, pl.ds(r0, rows)])

    return sck(x, der_t)


def kernel(x, der_desc_wrt_pos):
    B, A, D, T = der_desc_wrt_pos.shape
    RT = T * A
    der_t = der_desc_wrt_pos.transpose(0, 3, 1, 2).reshape(B, RT, D)
    nb_tc = B - _NB_SC
    x3 = x[:nb_tc].reshape(nb_tc // _BB, _BB, D)
    out_tc = _tc_call(x3, der_t, nb_tc).reshape(nb_tc, RT)
    out_sc = _sc_call(x, der_t, _NB_SC)
    out = jnp.concatenate([out_tc, out_sc], axis=0)
    return out.reshape(B, T, A).transpose(0, 2, 1).reshape(B, A * T)

# --- scband reference (transcript-rebuilt; emitter-appended) ---
"""Pipeline reference for scband-smart-derivatives-58325655880107 (READ-ONLY COPY).

The authoritative reference and input builder live on the scoring server;
editing this copy changes nothing except your own understanding.
"""

import jax, jax.numpy as jnp
import numpy as np


def setup_inputs(seed: int = 0) -> dict:
    key = jax.random.key(seed)
    k1, k2 = jax.random.split(key)
    x = jax.random.normal(k1, (32, 128), dtype=jnp.float32)
    # derivatives of descriptors wrt positions: fully dense and strictly nonzero
    # (uniform in [0.05, 1.0)) so that nonzero() covers every atom/dim slot,
    # matching the module's requirement that all atoms are used.
    der = jax.random.uniform(k2, (32, 512, 128, 3), dtype=jnp.float32, minval=0.05, maxval=1.0)
    return {"x": x, "der_desc_wrt_pos": der}


def reference(x, der_desc_wrt_pos):
    der = der_desc_wrt_pos
    B, A, D, _ = der.shape
    flat = der.reshape(-1)
    total = flat.shape[0]
    # _create_nonzero_left: indices of nonzero elements (row-major flat order,
    # identical ordering to torch.nonzero(as_tuple=True))
    nz = jnp.nonzero(flat, size=total)[0]
    left = flat[nz]
    dim_ind = nz % 3
    rem = nz // 3
    des_ind = rem % D
    rem2 = rem // D
    atom_ind = rem2 % A
    batch_ind = rem2 // A
    # _get_scatter_indices
    not_shifted = atom_ind * 3 + dim_ind
    batch_elements = jax.ops.segment_sum(jnp.ones_like(batch_ind), batch_ind, num_segments=B)
    batch_elements = batch_elements.at[0].add(-1)
    cs = jnp.cumsum(batch_elements)
    batch_pointers = jnp.concatenate([jnp.zeros((1,), dtype=cs.dtype), cs[:-1]])
    markers = not_shifted[batch_pointers]
    cumulative_markers = jnp.cumsum(markers) + jnp.arange(B, dtype=markers.dtype)
    batch_shift = cumulative_markers[batch_ind]
    shifted = not_shifted + batch_shift
    # forward: _create_right, multiply, _compute_square_modulus
    right = x[batch_ind, des_ind]
    src = left * right
    out = jax.ops.segment_sum(src, shifted, num_segments=B * A * 3)
    out = out ** 2
    return out.reshape(B, A * 3)

if __name__ == "__main__":
    import jax
    _d = setup_inputs()
    print(jax.jit(kernel)(*tuple(_d.values())))

</pallas_src>

<mosaic_0001>
#map = affine_map<(d0, d1) -> (0, 0)>
#map1 = affine_map<(d0, d1) -> (0, 0, 0)>
module attributes {stable_mosaic.version = 14 : i64} {
  func.func @sck(%arg0: i32, %arg1: i32, %arg2: memref<32x128xf32, #tpu.memory_space<hbm>>, %arg3: memref<32x1536x128xf32, #tpu.memory_space<hbm>>, %arg4: memref<8x1536xf32, #tpu.memory_space<hbm>>, %arg5: memref<384x128xf32, #tpu.memory_space<vmem>>, %arg6: memref<128xf32, #tpu.memory_space<vmem>>, %arg7: memref<384xf32, #tpu.memory_space<vmem>>) attributes {dimension_semantics = [#tpu.dimension_semantics<core_parallel>, #tpu.dimension_semantics<subcore_parallel>], iteration_bounds = array<i64: 2, 16>, scalar_prefetch = 0 : i64, scratch_operands = 3 : i64, tpu.core_type = #tpu.core_type<sc_vector_subcore>, window_params = [{transform_indices = #map}, {transform_indices = #map1}, {transform_indices = #map}]} {
    %mul3A = arith.constant 2 : i32
    %mul3A_0 = arith.muli %arg1, %mul3A : i32
    %add3A = arith.addi %mul3A_0, %arg0 : i32
    %jit3A = arith.constant 4 : i32
    %div3A = arith.divsi %add3A, %jit3A : i32
    %sign3A = arith.constant 0 : i32
    %sign3A_1 = arith.cmpi sgt, %add3A, %sign3A : i32
    %sign3A_2 = arith.extui %sign3A_1 : i1 to i32
    %sign3A_3 = arith.constant 0 : i32
    %sign3A_4 = arith.cmpi slt, %add3A, %sign3A_3 : i32
    %sign3A_5 = arith.extui %sign3A_4 : i1 to i32
    %sign3A_6 = arith.subi %sign3A_2, %sign3A_5 : i32
    %sign3A_7 = arith.constant 0 : i32
    %sign3A_8 = arith.cmpi sgt, %jit3A, %sign3A_7 : i32
    %sign3A_9 = arith.extui %sign3A_8 : i1 to i32
    %sign3A_10 = arith.constant 0 : i32
    %sign3A_11 = arith.cmpi slt, %jit3A, %sign3A_10 : i32
    %sign3A_12 = arith.extui %sign3A_11 : i1 to i32
    %sign3A_13 = arith.subi %sign3A_9, %sign3A_12 : i32
    %ne3A = arith.cmpi ne, %sign3A_6, %sign3A_13 : i32
    %rem3A = arith.remsi %add3A, %jit3A : i32
    %ne3A_14 = arith.constant 0 : i32
    %ne3A_15 = arith.cmpi ne, %rem3A, %ne3A_14 : i32
    %and3A = arith.andi %ne3A, %ne3A_15 : i1
    %sub3A = arith.constant 1 : i32
    %sub3A_16 = arith.subi %div3A, %sub3A : i32
    %select_n3A = arith.select %and3A, %sub3A_16, %div3A : i32
    %add3A_17 = arith.constant 24 : i32
    %add3A_18 = arith.addi %add3A_17, %select_n3A : i32
    %jit3A_19 = arith.constant 4 : i32
    %eq3A = arith.constant 0 : i32
    %eq3A_20 = arith.cmpi eq, %jit3A_19, %eq3A : i32
    %jit3A_21 = arith.constant 1 : i32
    %select_n3A_22 = arith.select %eq3A_20, %jit3A_21, %jit3A_19 : i32
    %rem3A_23 = arith.remsi %add3A, %select_n3A_22 : i32
    %ne3A_24 = arith.constant 0 : i32
    %ne3A_25 = arith.cmpi ne, %rem3A_23, %ne3A_24 : i32
    %lt3A = arith.constant 0 : i32
    %lt3A_26 = arith.cmpi slt, %rem3A_23, %lt3A : i32
    %lt3A_27 = arith.constant 0 : i32
    %lt3A_28 = arith.cmpi slt, %select_n3A_22, %lt3A_27 : i32
    %ne3A_29 = arith.xori %lt3A_26, %lt3A_28 : i1
    %and3A_30 = arith.andi %ne3A_29, %ne3A_25 : i1
    %add3A_31 = arith.addi %rem3A_23, %select_n3A_22 : i32
    %select_n3A_32 = arith.select %and3A_30, %add3A_31, %rem3A_23 : i32
    %mul3A_33 = arith.constant 384 : i32
    %mul3A_34 = arith.muli %select_n3A_32, %mul3A_33 : i32
    "tpu.region"() ({
      %run_scoped3A = tpu.sem_alloc : memref<!tpu.dma_semaphore, #tpu.memory_space<semaphore_mem>>
      %dma_start3A = arith.constant 0 : i32
      %dma_start3A_63 = tpu.memref_slice %arg2[%add3A_18, %dma_start3A] : memref<32x128xf32, #tpu.memory_space<hbm>> -> memref<1x128xf32, #tpu.memory_space<hbm>>
      %dma_start3A_64 = tpu.memref_squeeze %dma_start3A_63 : memref<1x128xf32, #tpu.memory_space<hbm>> -> memref<128xf32, #tpu.memory_space<hbm>>
      %dma_start3A_65 = arith.constant 0 : i32
      %dma_start3A_66 = tpu.memref_slice %arg2[%add3A_18, %dma_start3A_65] : memref<32x128xf32, #tpu.memory_space<hbm>> -> memref<1x128xf32, #tpu.memory_space<hbm>>
      %dma_start3A_67 = tpu.memref_squeeze %dma_start3A_66 : memref<1x128xf32, #tpu.memory_space<hbm>> -> memref<128xf32, #tpu.memory_space<hbm>>
      tpu.enqueue_dma source(%dma_start3A_67 : memref<128xf32, #tpu.memory_space<hbm>>) target(%arg6 : memref<128xf32, #tpu.memory_space<vmem>>) target_semaphore(%run_scoped3A : memref<!tpu.dma_semaphore, #tpu.memory_space<semaphore_mem>>)
      %dma_wait3A = arith.constant 0 : i32
      %dma_wait3A_68 = tpu.memref_slice %arg2[%add3A_18, %dma_wait3A] : memref<32x128xf32, #tpu.memory_space<hbm>> -> memref<1x128xf32, #tpu.memory_space<hbm>>
      %dma_wait3A_69 = tpu.memref_squeeze %dma_wait3A_68 : memref<1x128xf32, #tpu.memory_space<hbm>> -> memref<128xf32, #tpu.memory_space<hbm>>
      %dma_wait3A_70 = arith.constant 0 : i32
      %dma_wait3A_71 = tpu.memref_slice %arg2[%add3A_18, %dma_wait3A_70] : memref<32x128xf32, #tpu.memory_space<hbm>> -> memref<1x128xf32, #tpu.memory_space<hbm>>
      %dma_wait3A_72 = tpu.memref_squeeze %dma_wait3A_71 : memref<1x128xf32, #tpu.memory_space<hbm>> -> memref<128xf32, #tpu.memory_space<hbm>>
      tpu.wait_dma2 semaphore(%run_scoped3A : memref<!tpu.dma_semaphore, #tpu.memory_space<semaphore_mem>>) src(%dma_wait3A_72 : memref<128xf32, #tpu.memory_space<hbm>>) dst(%arg6 : memref<128xf32, #tpu.memory_space<vmem>>)
      tpu.yield
    }) : () -> ()
    "tpu.region"() ({
      %run_scoped3A = tpu.sem_alloc : memref<!tpu.dma_semaphore, #tpu.memory_space<semaphore_mem>>
      %dma_start3A = arith.constant 0 : i32
      %dma_start3A_63 = tpu.memref_slice %arg3[%add3A_18, %mul3A_34, %dma_start3A] : memref<32x1536x128xf32, #tpu.memory_space<hbm>> -> memref<1x384x128xf32, #tpu.memory_space<hbm>>
      %dma_start3A_64 = tpu.memref_squeeze %dma_start3A_63 : memref<1x384x128xf32, #tpu.memory_space<hbm>> -> memref<384x128xf32, #tpu.memory_space<hbm>>
      %dma_start3A_65 = arith.constant 0 : i32
      %dma_start3A_66 = tpu.memref_slice %arg3[%add3A_18, %mul3A_34, %dma_start3A_65] : memref<32x1536x128xf32, #tpu.memory_space<hbm>> -> memref<1x384x128xf32, #tpu.memory_space<hbm>>
      %dma_start3A_67 = tpu.memref_squeeze %dma_start3A_66 : memref<1x384x128xf32, #tpu.memory_space<hbm>> -> memref<384x128xf32, #tpu.memory_space<hbm>>
      tpu.enqueue_dma source(%dma_start3A_67 : memref<384x128xf32, #tpu.memory_space<hbm>>) target(%arg5 : memref<384x128xf32, #tpu.memory_space<vmem>>) target_semaphore(%run_scoped3A : memref<!tpu.dma_semaphore, #tpu.memory_space<semaphore_mem>>)
      %dma_wait3A = arith.constant 0 : i32
      %dma_wait3A_68 = tpu.memref_slice %arg3[%add3A_18, %mul3A_34, %dma_wait3A] : memref<32x1536x128xf32, #tpu.memory_space<hbm>> -> memref<1x384x128xf32, #tpu.memory_space<hbm>>
      %dma_wait3A_69 = tpu.memref_squeeze %dma_wait3A_68 : memref<1x384x128xf32, #tpu.memory_space<hbm>> -> memref<384x128xf32, #tpu.memory_space<hbm>>
      %dma_wait3A_70 = arith.constant 0 : i32
      %dma_wait3A_71 = tpu.memref_slice %arg3[%add3A_18, %mul3A_34, %dma_wait3A_70] : memref<32x1536x128xf32, #tpu.memory_space<hbm>> -> memref<1x384x128xf32, #tpu.memory_space<hbm>>
      %dma_wait3A_72 = tpu.memref_squeeze %dma_wait3A_71 : memref<1x384x128xf32, #tpu.memory_space<hbm>> -> memref<384x128xf32, #tpu.memory_space<hbm>>
      tpu.wait_dma2 semaphore(%run_scoped3A : memref<!tpu.dma_semaphore, #tpu.memory_space<semaphore_mem>>) src(%dma_wait3A_72 : memref<384x128xf32, #tpu.memory_space<hbm>>) dst(%arg5 : memref<384x128xf32, #tpu.memory_space<vmem>>)
      tpu.yield
    }) : () -> ()
    %iota3A = tpu.iota {dimensions = array<i32: 0>} : vector<16xi32>
    %get3A = arith.constant 0 : index
    %get3A_35 = tpu.vector_load %arg6[%get3A] {strides = array<i32>} : memref<128xf32, #tpu.memory_space<vmem>>, vector<16xf32>,
    %get3A_36 = vector.shape_cast %get3A_35 : vector<16xf32> to vector<16xf32>
    %get3A_37 = arith.constant 16 : index
    %get3A_38 = tpu.vector_load %arg6[%get3A_37] {strides = array<i32>} : memref<128xf32, #tpu.memory_space<vmem>>, vector<16xf32>,
    %get3A_39 = vector.shape_cast %get3A_38 : vector<16xf32> to vector<16xf32>
    %get3A_40 = arith.constant 32 : index
    %get3A_41 = tpu.vector_load %arg6[%get3A_40] {strides = array<i32>} : memref<128xf32, #tpu.memory_space<vmem>>, vector<16xf32>,
    %get3A_42 = vector.shape_cast %get3A_41 : vector<16xf32> to vector<16xf32>
    %get3A_43 = arith.constant 48 : index
    %get3A_44 = tpu.vector_load %arg6[%get3A_43] {strides = array<i32>} : memref<128xf32, #tpu.memory_space<vmem>>, vector<16xf32>,
    %get3A_45 = vector.shape_cast %get3A_44 : vector<16xf32> to vector<16xf32>
    %get3A_46 = arith.constant 64 : index
    %get3A_47 = tpu.vector_load %arg6[%get3A_46] {strides = array<i32>} : memref<128xf32, #tpu.memory_space<vmem>>, vector<16xf32>,
    %get3A_48 = vector.shape_cast %get3A_47 : vector<16xf32> to vector<16xf32>
    %get3A_49 = arith.constant 80 : index
    %get3A_50 = tpu.vector_load %arg6[%get3A_49] {strides = array<i32>} : memref<128xf32, #tpu.memory_space<vmem>>, vector<16xf32>,
    %get3A_51 = vector.shape_cast %get3A_50 : vector<16xf32> to vector<16xf32>
    %get3A_52 = arith.constant 96 : index
    %get3A_53 = tpu.vector_load %arg6[%get3A_52] {strides = array<i32>} : memref<128xf32, #tpu.memory_space<vmem>>, vector<16xf32>,
    %get3A_54 = vector.shape_cast %get3A_53 : vector<16xf32> to vector<16xf32>
    %get3A_55 = arith.constant 112 : index
    %get3A_56 = tpu.vector_load %arg6[%get3A_55] {strides = array<i32>} : memref<128xf32, #tpu.memory_space<vmem>>, vector<16xf32>,
    %get3A_57 = vector.shape_cast %get3A_56 : vector<16xf32> to vector<16xf32>
    %scan3A = arith.constant 0 : i32
    %scan3A_58 = arith.constant 0 : i32
    %scan3A_59 = arith.constant 24 : i32
    %scan3A_60 = arith.addi %scan3A_58, %scan3A_59 : i32
    %scan3A_61 = arith.constant 1 : i32
    scf.for %scan3A_63 = %scan3A_58 to %scan3A_60 step %scan3A_61  : i32 {
      %broadcast_in_dim3A = arith.constant 0.000000e+00 : f32
      %broadcast_in_dim3A_64 = vector.broadcast %broadcast_in_dim3A : f32 to vector<16xf32>
      %mul3A_65 = arith.constant 16 : i32
      %mul3A_66 = arith.muli %scan3A_63, %mul3A_65 : i32
      %add3A_67 = arith.constant 0 : i32
      %add3A_68 = arith.addi %mul3A_66, %add3A_67 : i32
      %get3A_69 = arith.index_cast %add3A_68 : i32 to index
      %get3A_70 = arith.constant 0 : index
      %get3A_71 = tpu.vector_load %arg5[%get3A_69, %get3A_70] {strides = array<i32>} : memref<384x128xf32, #tpu.memory_space<vmem>>, vector<1x16xf32>,
      %get3A_72 = vector.shape_cast %get3A_71 : vector<1x16xf32> to vector<16xf32>
      %mul3A_73 = arith.mulf %get3A_72, %get3A_36 : vector<16xf32>
      %get3A_74 = arith.index_cast %add3A_68 : i32 to index
      %get3A_75 = arith.constant 16 : index
      %get3A_76 = tpu.vector_load %arg5[%get3A_74, %get3A_75] {strides = array<i32>} : memref<384x128xf32, #tpu.memory_space<vmem>>, vector<1x16xf32>,
      %get3A_77 = vector.shape_cast %get3A_76 : vector<1x16xf32> to vector<16xf32>
      %mul3A_78 = arith.mulf %get3A_77, %get3A_39 : vector<16xf32>
      %add3A_79 = arith.addf %mul3A_73, %mul3A_78 : vector<16xf32>
      %get3A_80 = arith.index_cast %add3A_68 : i32 to index
      %get3A_81 = arith.constant 32 : index
      %get3A_82 = tpu.vector_load %arg5[%get3A_80, %get3A_81] {strides = array<i32>} : memref<384x128xf32, #tpu.memory_space<vmem>>, vector<1x16xf32>,
      %get3A_83 = vector.shape_cast %get3A_82 : vector<1x16xf32> to vector<16xf32>
      %mul3A_84 = arith.mulf %get3A_83, %get3A_42 : vector<16xf32>
      %add3A_85 = arith.addf %add3A_79, %mul3A_84 : vector<16xf32>
      %get3A_86 = arith.index_cast %add3A_68 : i32 to index
      %get3A_87 = arith.constant 48 : index
      %get3A_88 = tpu.vector_load %arg5[%get3A_86, %get3A_87] {strides = array<i32>} : memref<384x128xf32, #tpu.memory_space<vmem>>, vector<1x16xf32>,
      %get3A_89 = vector.shape_cast %get3A_88 : vector<1x16xf32> to vector<16xf32>
      %mul3A_90 = arith.mulf %get3A_89, %get3A_45 : vector<16xf32>
      %add3A_91 = arith.addf %add3A_85, %mul3A_90 : vector<16xf32>
      %get3A_92 = arith.index_cast %add3A_68 : i32 to index
      %get3A_93 = arith.constant 64 : index
      %get3A_94 = tpu.vector_load %arg5[%get3A_92, %get3A_93] {strides = array<i32>} : memref<384x128xf32, #tpu.memory_space<vmem>>, vector<1x16xf32>,
      %get3A_95 = vector.shape_cast %get3A_94 : vector<1x16xf32> to vector<16xf32>
      %mul3A_96 = arith.mulf %get3A_95, %get3A_48 : vector<16xf32>
      %add3A_97 = arith.addf %add3A_91, %mul3A_96 : vector<16xf32>
      %get3A_98 = arith.index_cast %add3A_68 : i32 to index
      %get3A_99 = arith.constant 80 : index
      %get3A_100 = tpu.vector_load %arg5[%get3A_98, %get3A_99] {strides = array<i32>} : memref<384x128xf32, #tpu.memory_space<vmem>>, vector<1x16xf32>,
      %get3A_101 = vector.shape_cast %get3A_100 : vector<1x16xf32> to vector<16xf32>
      %mul3A_102 = arith.mulf %get3A_101, %get3A_51 : vector<16xf32>
      %add3A_103 = arith.addf %add3A_97, %mul3A_102 : vector<16xf32>
      %get3A_104 = arith.index_cast %add3A_68 : i32 to index
      %get3A_105 = arith.constant 96 : index
      %get3A_106 = tpu.vector_load %arg5[%get3A_104, %get3A_105] {strides = array<i32>} : memref<384x128xf32, #tpu.memory_space<vmem>>, vector<1x16xf32>,
      %get3A_107 = vector.shape_cast %get3A_106 : vector<1x16xf32> to vector<16xf32>
      %mul3A_108 = arith.mulf %get3A_107, %get3A_54 : vector<16xf32>
      %add3A_109 = arith.addf %add3A_103, %mul3A_108 : vector<16xf32>
      %get3A_110 = arith.index_cast %add3A_68 : i32 to index
      %get3A_111 = arith.constant 112 : index
      %get3A_112 = tpu.vector_load %arg5[%get3A_110, %get3A_111] {strides = array<i32>} : memref<384x128xf32, #tpu.memory_space<vmem>>, vector<1x16xf32>,
      %get3A_113 = vector.shape_cast %get3A_112 : vector<1x16xf32> to vector<16xf32>
      %mul3A_114 = arith.mulf %get3A_113, %get3A_57 : vector<16xf32>
      %add3A_115 = arith.addf %add3A_109, %mul3A_114 : vector<16xf32>
      %xor3A = arith.constant 1 : i32
      %xor3A_116 = vector.broadcast %xor3A : i32 to vector<16xi32>
      %xor3A_117 = arith.xori %iota3A, %xor3A_116 : vector<16xi32>
      %lt3A_118 = arith.constant 0 : i32
      %lt3A_119 = vector.broadcast %lt3A_118 : i32 to vector<16xi32>
      %lt3A_120 = arith.cmpi slt, %xor3A_117, %lt3A_119 : vector<16xi32>
      %add3A_121 = arith.constant 16 : i32
      %add3A_122 = vector.broadcast %add3A_121 : i32 to vector<16xi32>
      %add3A_123 = arith.addi %xor3A_117, %add3A_122 : vector<16xi32>
      %select_n3A_124 = arith.select %lt3A_120, %add3A_123, %xor3A_117 : vector<16xi1>, vector<16xi32>
      %broadcast_in_dim3A_125 = vector.shape_cast %select_n3A_124 : vector<16xi32> to vector<16x1xi32>
      %gather3A = vector.shape_cast %broadcast_in_dim3A_125 : vector<16x1xi32> to vector<16xi32>
      %gather3A_126 = tpu.dynamic_gather %add3A_115[%gather3A] in [0] : vector<16xf32>, vector<16xi32> -> vector<16xf32>
      %add3A_127 = arith.addf %add3A_115, %gather3A_126 : vector<16xf32>
      %xor3A_128 = arith.constant 2 : i32
      %xor3A_129 = vector.broadcast %xor3A_128 : i32 to vector<16xi32>
      %xor3A_130 = arith.xori %iota3A, %xor3A_129 : vector<16xi32>
      %lt3A_131 = arith.constant 0 : i32
      %lt3A_132 = vector.broadcast %lt3A_131 : i32 to vector<16xi32>
      %lt3A_133 = arith.cmpi slt, %xor3A_130, %lt3A_132 : vector<16xi32>
      %add3A_134 = arith.constant 16 : i32
      %add3A_135 = vector.broadcast %add3A_134 : i32 to vector<16xi32>
      %add3A_136 = arith.addi %xor3A_130, %add3A_135 : vector<16xi32>
      %select_n3A_137 = arith.select %lt3A_133, %add3A_136, %xor3A_130 : vector<16xi1>, vector<16xi32>
      %broadcast_in_dim3A_138 = vector.shape_cast %select_n3A_137 : vector<16xi32> to vector<16x1xi32>
      %gather3A_139 = vector.shape_cast %broadcast_in_dim3A_138 : vector<16x1xi32> to vector<16xi32>
      %gather3A_140 = tpu.dynamic_gather %add3A_127[%gather3A_139] in [0] : vector<16xf32>, vector<16xi32> -> vector<16xf32>
      %add3A_141 = arith.addf %add3A_127, %gather3A_140 : vector<16xf32>
      %xor3A_142 = arith.constant 4 : i32
      %xor3A_143 = vector.broadcast %xor3A_142 : i32 to vector<16xi32>
      %xor3A_144 = arith.xori %iota3A, %xor3A_143 : vector<16xi32>
      %lt3A_145 = arith.constant 0 : i32
      %lt3A_146 = vector.broadcast %lt3A_145 : i32 to vector<16xi32>
      %lt3A_147 = arith.cmpi slt, %xor3A_144, %lt3A_146 : vector<16xi32>
      %add3A_148 = arith.constant 16 : i32
      %add3A_149 = vector.broadcast %add3A_148 : i32 to vector<16xi32>
      %add3A_150 = arith.addi %xor3A_144, %add3A_149 : vector<16xi32>
      %select_n3A_151 = arith.select %lt3A_147, %add3A_150, %xor3A_144 : vector<16xi1>, vector<16xi32>
      %broadcast_in_dim3A_152 = vector.shape_cast %select_n3A_151 : vector<16xi32> to vector<16x1xi32>
      %gather3A_153 = vector.shape_cast %broadcast_in_dim3A_152 : vector<16x1xi32> to vector<16xi32>
      %gather3A_154 = tpu.dynamic_gather %add3A_141[%gather3A_153] in [0] : vector<16xf32>, vector<16xi32> -> vector<16xf32>
      %add3A_155 = arith.addf %add3A_141, %gather3A_154 : vector<16xf32>
      %xor3A_156 = arith.constant 8 : i32
      %xor3A_157 = vector.broadcast %xor3A_156 : i32 to vector<16xi32>
      %xor3A_158 = arith.xori %iota3A, %xor3A_157 : vector<16xi32>
      %lt3A_159 = arith.constant 0 : i32
      %lt3A_160 = vector.broadcast %lt3A_159 : i32 to vector<16xi32>
      %lt3A_161 = arith.cmpi slt, %xor3A_158, %lt3A_160 : vector<16xi32>
      %add3A_162 = arith.constant 16 : i32
      %add3A_163 = vector.broadcast %add3A_162 : i32 to vector<16xi32>
      %add3A_164 = arith.addi %xor3A_158, %add3A_163 : vector<16xi32>
      %select_n3A_165 = arith.select %lt3A_161, %add3A_164, %xor3A_158 : vector<16xi1>, vector<16xi32>
      %broadcast_in_dim3A_166 = vector.shape_cast %select_n3A_165 : vector<16xi32> to vector<16x1xi32>
      %gather3A_167 = vector.shape_cast %broadcast_in_dim3A_166 : vector<16x1xi32> to vector<16xi32>
      %gather3A_168 = tpu.dynamic_gather %add3A_155[%gather3A_167] in [0] : vector<16xf32>, vector<16xi32> -> vector<16xf32>
      %add3A_169 = arith.addf %add3A_155, %gather3A_168 : vector<16xf32>
      %eq3A_170 = arith.constant 0 : i32
      %eq3A_171 = vector.broadcast %eq3A_170 : i32 to vector<16xi32>
      %eq3A_172 = arith.cmpi eq, %iota3A, %eq3A_171 : vector<16xi32>
      %select_n3A_173 = arith.select %eq3A_172, %add3A_169, %broadcast_in_dim3A_64 : vector<16xi1>, vector<16xf32>
      %mul3A_174 = arith.constant 16 : i32
      %mul3A_175 = arith.muli %scan3A_63, %mul3A_174 : i32
      %add3A_176 = arith.constant 1 : i32
      %add3A_177 = arith.addi %mul3A_175, %add3A_176 : i32
      %get3A_178 = arith.index_cast %add3A_177 : i32 to index
      %get3A_179 = arith.constant 0 : index
      %get3A_180 = tpu.vector_load %arg5[%get3A_178, %get3A_179] {strides = array<i32>} : memref<384x128xf32, #tpu.memory_space<vmem>>, vector<1x16xf32>,
      %get3A_181 = vector.shape_cast %get3A_180 : vector<1x16xf32> to vector<16xf32>
      %mul3A_182 = arith.mulf %get3A_181, %get3A_36 : vector<16xf32>
      %get3A_183 = arith.index_cast %add3A_177 : i32 to index
      %get3A_184 = arith.constant 16 : index
      %get3A_185 = tpu.vector_load %arg5[%get3A_183, %get3A_184] {strides = array<i32>} : memref<384x128xf32, #tpu.memory_space<vmem>>, vector<1x16xf32>,
      %get3A_186 = vector.shape_cast %get3A_185 : vector<1x16xf32> to vector<16xf32>
      %mul3A_187 = arith.mulf %get3A_186, %get3A_39 : vector<16xf32>
      %add3A_188 = arith.addf %mul3A_182, %mul3A_187 : vector<16xf32>
      %get3A_189 = arith.index_cast %add3A_177 : i32 to index
      %get3A_190 = arith.constant 32 : index
      %get3A_191 = tpu.vector_load %arg5[%get3A_189, %get3A_190] {strides = array<i32>} : memref<384x128xf32, #tpu.memory_space<vmem>>, vector<1x16xf32>,
      %get3A_192 = vector.shape_cast %get3A_191 : vector<1x16xf32> to vector<16xf32>
      %mul3A_193 = arith.mulf %get3A_192, %get3A_42 : vector<16xf32>
      %add3A_194 = arith.addf %add3A_188, %mul3A_193 : vector<16xf32>
      %get3A_195 = arith.index_cast %add3A_177 : i32 to index
      %get3A_196 = arith.constant 48 : index
      %get3A_197 = tpu.vector_load %arg5[%get3A_195, %get3A_196] {strides = array<i32>} : memref<384x128xf32, #tpu.memory_space<vmem>>, vector<1x16xf32>,
      %get3A_198 = vector.shape_cast %get3A_197 : vector<1x16xf32> to vector<16xf32>
      %mul3A_199 = arith.mulf %get3A_198, %get3A_45 : vector<16xf32>
      %add3A_200 = arith.addf %add3A_194, %mul3A_199 : vector<16xf32>
      %get3A_201 = arith.index_cast %add3A_177 : i32 to index
      %get3A_202 = arith.constant 64 : index
      %get3A_203 = tpu.vector_load %arg5[%get3A_201, %get3A_202] {strides = array<i32>} : memref<384x128xf32, #tpu.memory_space<vmem>>, vector<1x16xf32>,
      %get3A_204 = vector.shape_cast %get3A_203 : vector<1x16xf32> to vector<16xf32>
      %mul3A_205 = arith.mulf %get3A_204, %get3A_48 : vector<16xf32>
      %add3A_206 = arith.addf %add3A_200, %mul3A_205 : vector<16xf32>
      %get3A_207 = arith.index_cast %add3A_177 : i32 to index
      %get3A_208 = arith.constant 80 : index
      %get3A_209 = tpu.vector_load %arg5[%get3A_207, %get3A_208] {strides = array<i32>} : memref<384x128xf32, #tpu.memory_space<vmem>>, vector<1x16xf32>,
      %get3A_210 = vector.shape_cast %get3A_209 : vector<1x16xf32> to vector<16xf32>
      %mul3A_211 = arith.mulf %get3A_210, %get3A_51 : vector<16xf32>
      %add3A_212 = arith.addf %add3A_206, %mul3A_211 : vector<16xf32>
      %get3A_213 = arith.index_cast %add3A_177 : i32 to index
      %get3A_214 = arith.constant 96 : index
      %get3A_215 = tpu.vector_load %arg5[%get3A_213, %get3A_214] {strides = array<i32>} : memref<384x128xf32, #tpu.memory_space<vmem>>, vector<1x16xf32>,
      %get3A_216 = vector.shape_cast %get3A_215 : vector<1x16xf32> to vector<16xf32>
      %mul3A_217 = arith.mulf %get3A_216, %get3A_54 : vector<16xf32>
      %add3A_218 = arith.addf %add3A_212, %mul3A_217 : vector<16xf32>
      %get3A_219 = arith.index_cast %add3A_177 : i32 to index
      %get3A_220 = arith.constant 112 : index
      %get3A_221 = tpu.vector_load %arg5[%get3A_219, %get3A_220] {strides = array<i32>} : memref<384x128xf32, #tpu.memory_space<vmem>>, vector<1x16xf32>,
      %get3A_222 = vector.shape_cast %get3A_221 : vector<1x16xf32> to vector<16xf32>
      %mul3A_223 = arith.mulf %get3A_222, %get3A_57 : vector<16xf32>
      %add3A_224 = arith.addf %add3A_218, %mul3A_223 : vector<16xf32>
      %xor3A_225 = arith.constant 1 : i32
      %xor3A_226 = vector.broadcast %xor3A_225 : i32 to vector<16xi32>
      %xor3A_227 = arith.xori %iota3A, %xor3A_226 : vector<16xi32>
      %lt3A_228 = arith.constant 0 : i32
      %lt3A_229 = vector.broadcast %lt3A_228 : i32 to vector<16xi32>
      %lt3A_230 = arith.cmpi slt, %xor3A_227, %lt3A_229 : vector<16xi32>
      %add3A_231 = arith.constant 16 : i32
      %add3A_232 = vector.broadcast %add3A_231 : i32 to vector<16xi32>
      %add3A_233 = arith.addi %xor3A_227, %add3A_232 : vector<16xi32>
      %select_n3A_234 = arith.select %lt3A_230, %add3A_233, %xor3A_227 : vector<16xi1>, vector<16xi32>
      %broadcast_in_dim3A_235 = vector.shape_cast %select_n3A_234 : vector<16xi32> to vector<16x1xi32>
      %gather3A_236 = vector.shape_cast %broadcast_in_dim3A_235 : vector<16x1xi32> to vector<16xi32>
      %gather3A_237 = tpu.dynamic_gather %add3A_224[%gather3A_236] in [0] : vector<16xf32>, vector<16xi32> -> vector<16xf32>
      %add3A_238 = arith.addf %add3A_224, %gather3A_237 : vector<16xf32>
      %xor3A_239 = arith.constant 2 : i32
      %xor3A_240 = vector.broadcast %xor3A_239 : i32 to vector<16xi32>
      %xor3A_241 = arith.xori %iota3A, %xor3A_240 : vector<16xi32>
      %lt3A_242 = arith.constant 0 : i32
      %lt3A_243 = vector.broadcast %lt3A_242 : i32 to vector<16xi32>
      %lt3A_244 = arith.cmpi slt, %xor3A_241, %lt3A_243 : vector<16xi32>
      %add3A_245 = arith.constant 16 : i32
      %add3A_246 = vector.broadcast %add3A_245 : i32 to vector<16xi32>
      %add3A_247 = arith.addi %xor3A_241, %add3A_246 : vector<16xi32>
      %select_n3A_248 = arith.select %lt3A_244, %add3A_247, %xor3A_241 : vector<16xi1>, vector<16xi32>
      %broadcast_in_dim3A_249 = vector.shape_cast %select_n3A_248 : vector<16xi32> to vector<16x1xi32>
      %gather3A_250 = vector.shape_cast %broadcast_in_dim3A_249 : vector<16x1xi32> to vector<16xi32>
      %gather3A_251 = tpu.dynamic_gather %add3A_238[%gather3A_250] in [0] : vector<16xf32>, vector<16xi32> -> vector<16xf32>
      %add3A_252 = arith.addf %add3A_238, %gather3A_251 : vector<16xf32>
      %xor3A_253 = arith.constant 4 : i32
      %xor3A_254 = vector.broadcast %xor3A_253 : i32 to vector<16xi32>
      %xor3A_255 = arith.xori %iota3A, %xor3A_254 : vector<16xi32>
      %lt3A_256 = arith.constant 0 : i32
      %lt3A_257 = vector.broadcast %lt3A_256 : i32 to vector<16xi32>
      %lt3A_258 = arith.cmpi slt, %xor3A_255, %lt3A_257 : vector<16xi32>
      %add3A_259 = arith.constant 16 : i32
      %add3A_260 = vector.broadcast %add3A_259 : i32 to vector<16xi32>
      %add3A_261 = arith.addi %xor3A_255, %add3A_260 : vector<16xi32>
      %select_n3A_262 = arith.select %lt3A_258, %add3A_261, %xor3A_255 : vector<16xi1>, vector<16xi32>
      %broadcast_in_dim3A_263 = vector.shape_cast %select_n3A_262 : vector<16xi32> to vector<16x1xi32>
      %gather3A_264 = vector.shape_cast %broadcast_in_dim3A_263 : vector<16x1xi32> to vector<16xi32>
      %gather3A_265 = tpu.dynamic_gather %add3A_252[%gather3A_264] in [0] : vector<16xf32>, vector<16xi32> -> vector<16xf32>
      %add3A_266 = arith.addf %add3A_252, %gather3A_265 : vector<16xf32>
      %xor3A_267 = arith.constant 8 : i32
      %xor3A_268 = vector.broadcast %xor3A_267 : i32 to vector<16xi32>
      %xor3A_269 = arith.xori %iota3A, %xor3A_268 : vector<16xi32>
      %lt3A_270 = arith.constant 0 : i32
      %lt3A_271 = vector.broadcast %lt3A_270 : i32 to vector<16xi32>
      %lt3A_272 = arith.cmpi slt, %xor3A_269, %lt3A_271 : vector<16xi32>
      %add3A_273 = arith.constant 16 : i32
      %add3A_274 = vector.broadcast %add3A_273 : i32 to vector<16xi32>
      %add3A_275 = arith.addi %xor3A_269, %add3A_274 : vector<16xi32>
      %select_n3A_276 = arith.select %lt3A_272, %add3A_275, %xor3A_269 : vector<16xi1>, vector<16xi32>
      %broadcast_in_dim3A_277 = vector.shape_cast %select_n3A_276 : vector<16xi32> to vector<16x1xi32>
      %gather3A_278 = vector.shape_cast %broadcast_in_dim3A_277 : vector<16x1xi32> to vector<16xi32>
      %gather3A_279 = tpu.dynamic_gather %add3A_266[%gather3A_278] in [0] : vector<16xf32>, vector<16xi32> -> vector<16xf32>
      %add3A_280 = arith.addf %add3A_266, %gather3A_279 : vector<16xf32>
      %eq3A_281 = arith.constant 1 : i32
      %eq3A_282 = vector.broadcast %eq3A_281 : i32 to vector<16xi32>
      %eq3A_283 = arith.cmpi eq, %iota3A, %eq3A_282 : vector<16xi32>
      %select_n3A_284 = arith.select %eq3A_283, %add3A_280, %select_n3A_173 : vector<16xi1>, vector<16xf32>
      %mul3A_285 = arith.constant 16 : i32
      %mul3A_286 = arith.muli %scan3A_63, %mul3A_285 : i32
      %add3A_287 = arith.constant 2 : i32
      %add3A_288 = arith.addi %mul3A_286, %add3A_287 : i32
      %get3A_289 = arith.index_cast %add3A_288 : i32 to index
      %get3A_290 = arith.constant 0 : index
      %get3A_291 = tpu.vector_load %arg5[%get3A_289, %get3A_290] {strides = array<i32>} : memref<384x128xf32, #tpu.memory_space<vmem>>, vector<1x16xf32>,
      %get3A_292 = vector.shape_cast %get3A_291 : vector<1x16xf32> to vector<16xf32>
      %mul3A_293 = arith.mulf %get3A_292, %get3A_36 : vector<16xf32>
      %get3A_294 = arith.index_cast %add3A_288 : i32 to index
      %get3A_295 = arith.constant 16 : index
      %get3A_296 = tpu.vector_load %arg5[%get3A_294, %get3A_295] {strides = array<i32>} : memref<384x128xf32, #tpu.memory_space<vmem>>, vector<1x16xf32>,
      %get3A_297 = vector.shape_cast %get3A_296 : vector<1x16xf32> to vector<16xf32>
      %mul3A_298 = arith.mulf %get3A_297, %get3A_39 : vector<16xf32>
      %add3A_299 = arith.addf %mul3A_293, %mul3A_298 : vector<16xf32>
      %get3A_300 = arith.index_cast %add3A_288 : i32 to index
      %get3A_301 = arith.constant 32 : index
      %get3A_302 = tpu.vector_load %arg5[%get3A_300, %get3A_301] {strides = array<i32>} : memref<384x128xf32, #tpu.memory_space<vmem>>, vector<1x16xf32>,
      %get3A_303 = vector.shape_cast %get3A_302 : vector<1x16xf32> to vector<16xf32>
      %mul3A_304 = arith.mulf %get3A_303, %get3A_42 : vector<16xf32>
      %add3A_305 = arith.addf %add3A_299, %mul3A_304 : vector<16xf32>
      %get3A_306 = arith.index_cast %add3A_288 : i32 to index
      %get3A_307 = arith.constant 48 : index
      %get3A_308 = tpu.vector_load %arg5[%get3A_306, %get3A_307] {strides = array<i32>} : memref<384x128xf32, #tpu.memory_space<vmem>>, vector<1x16xf32>,
      %get3A_309 = vector.shape_cast %get3A_308 : vector<1x16xf32> to vector<16xf32>
      %mul3A_310 = arith.mulf %get3A_309, %get3A_45 : vector<16xf32>
      %add3A_311 = arith.addf %add3A_305, %mul3A_310 : vector<16xf32>
      %get3A_312 = arith.index_cast %add3A_288 : i32 to index
      %get3A_313 = arith.constant 64 : index
      %get3A_314 = tpu.vector_load %arg5[%get3A_312, %get3A_313] {strides = array<i32>} : memref<384x128xf32, #tpu.memory_space<vmem>>, vector<1x16xf32>,
      %get3A_315 = vector.shape_cast %get3A_314 : vector<1x16xf32> to vector<16xf32>
      %mul3A_316 = arith.mulf %get3A_315, %get3A_48 : vector<16xf32>
      %add3A_317 = arith.addf %add3A_311, %mul3A_316 : vector<16xf32>
      %get3A_318 = arith.index_cast %add3A_288 : i32 to index
      %get3A_319 = arith.constant 80 : index
      %get3A_320 = tpu.vector_load %arg5[%get3A_318, %get3A_319] {strides = array<i32>} : memref<384x128xf32, #tpu.memory_space<vmem>>, vector<1x16xf32>,
      %get3A_321 = vector.shape_cast %get3A_320 : vector<1x16xf32> to vector<16xf32>
      %mul3A_322 = arith.mulf %get3A_321, %get3A_51 : vector<16xf32>
      %add3A_323 = arith.addf %add3A_317, %mul3A_322 : vector<16xf32>
      %get3A_324 = arith.index_cast %add3A_288 : i32 to index
      %get3A_325 = arith.constant 96 : index
      %get3A_326 = tpu.vector_load %arg5[%get3A_324, %get3A_325] {strides = array<i32>} : memref<384x128xf32, #tpu.memory_space<vmem>>, vector<1x16xf32>,
      %get3A_327 = vector.shape_cast %get3A_326 : vector<1x16xf32> to vector<16xf32>
      %mul3A_328 = arith.mulf %get3A_327, %get3A_54 : vector<16xf32>
      %add3A_329 = arith.addf %add3A_323, %mul3A_328 : vector<16xf32>
      %get3A_330 = arith.index_cast %add3A_288 : i32 to index
      %get3A_331 = arith.constant 112 : index
      %get3A_332 = tpu.vector_load %arg5[%get3A_330, %get3A_331] {strides = array<i32>} : memref<384x128xf32, #tpu.memory_space<vmem>>, vector<1x16xf32>,
      %get3A_333 = vector.shape_cast %get3A_332 : vector<1x16xf32> to vector<16xf32>
      %mul3A_334 = arith.mulf %get3A_333, %get3A_57 : vector<16xf32>
      %add3A_335 = arith.addf %add3A_329, %mul3A_334 : vector<16xf32>
      %xor3A_336 = arith.constant 1 : i32
      %xor3A_337 = vector.broadcast %xor3A_336 : i32 to vector<16xi32>
      %xor3A_338 = arith.xori %iota3A, %xor3A_337 : vector<16xi32>
      %lt3A_339 = arith.constant 0 : i32
      %lt3A_340 = vector.broadcast %lt3A_339 : i32 to vector<16xi32>
      %lt3A_341 = arith.cmpi slt, %xor3A_338, %lt3A_340 : vector<16xi32>
      %add3A_342 = arith.constant 16 : i32
      %add3A_343 = vector.broadcast %add3A_342 : i32 to vector<16xi32>
      %add3A_344 = arith.addi %xor3A_338, %add3A_343 : vector<16xi32>
      %select_n3A_345 = arith.select %lt3A_341, %add3A_344, %xor3A_338 : vector<16xi1>, vector<16xi32>
      %broadcast_in_dim3A_346 = vector.shape_cast %select_n3A_345 : vector<16xi32> to vector<16x1xi32>
      %gather3A_347 = vector.shape_cast %broadcast_in_dim3A_346 : vector<16x1xi32> to vector<16xi32>
      %gather3A_348 = tpu.dynamic_gather %add3A_335[%gather3A_347] in [0] : vector<16xf32>, vector<16xi32> -> vector<16xf32>
      %add3A_349 = arith.addf %add3A_335, %gather3A_348 : vector<16xf32>
      %xor3A_350 = arith.constant 2 : i32
      %xor3A_351 = vector.broadcast %xor3A_350 : i32 to vector<16xi32>
      %xor3A_352 = arith.xori %iota3A, %xor3A_351 : vector<16xi32>
      %lt3A_353 = arith.constant 0 : i32
      %lt3A_354 = vector.broadcast %lt3A_353 : i32 to vector<16xi32>
      %lt3A_355 = arith.cmpi slt, %xor3A_352, %lt3A_354 : vector<16xi32>
      %add3A_356 = arith.constant 16 : i32
      %add3A_357 = vector.broadcast %add3A_356 : i32 to vector<16xi32>
      %add3A_358 = arith.addi %xor3A_352, %add3A_357 : vector<16xi32>
      %select_n3A_359 = arith.select %lt3A_355, %add3A_358, %xor3A_352 : vector<16xi1>, vector<16xi32>
      %broadcast_in_dim3A_360 = vector.shape_cast %select_n3A_359 : vector<16xi32> to vector<16x1xi32>
      %gather3A_361 = vector.shape_cast %broadcast_in_dim3A_360 : vector<16x1xi32> to vector<16xi32>
      %gather3A_362 = tpu.dynamic_gather %add3A_349[%gather3A_361] in [0] : vector<16xf32>, vector<16xi32> -> vector<16xf32>
      %add3A_363 = arith.addf %add3A_349, %gather3A_362 : vector<16xf32>
      %xor3A_364 = arith.constant 4 : i32
      %xor3A_365 = vector.broadcast %xor3A_364 : i32 to vector<16xi32>
      %xor3A_366 = arith.xori %iota3A, %xor3A_365 : vector<16xi32>
      %lt3A_367 = arith.constant 0 : i32
      %lt3A_368 = vector.broadcast %lt3A_367 : i32 to vector<16xi32>
      %lt3A_369 = arith.cmpi slt, %xor3A_366, %lt3A_368 : vector<16xi32>
      %add3A_370 = arith.constant 16 : i32
      %add3A_371 = vector.broadcast %add3A_370 : i32 to vector<16xi32>
      %add3A_372 = arith.addi %xor3A_366, %add3A_371 : vector<16xi32>
      %select_n3A_373 = arith.select %lt3A_369, %add3A_372, %xor3A_366 : vector<16xi1>, vector<16xi32>
      %broadcast_in_dim3A_374 = vector.shape_cast %select_n3A_373 : vector<16xi32> to vector<16x1xi32>
      %gather3A_375 = vector.shape_cast %broadcast_in_dim3A_374 : vector<16x1xi32> to vector<16xi32>
      %gather3A_376 = tpu.dynamic_gather %add3A_363[%gather3A_375] in [0] : vector<16xf32>, vector<16xi32> -> vector<16xf32>
      %add3A_377 = arith.addf %add3A_363, %gather3A_376 : vector<16xf32>
      %xor3A_378 = arith.constant 8 : i32
      %xor3A_379 = vector.broadcast %xor3A_378 : i32 to vector<16xi32>
      %xor3A_380 = arith.xori %iota3A, %xor3A_379 : vector<16xi32>
      %lt3A_381 = arith.constant 0 : i32
      %lt3A_382 = vector.broadcast %lt3A_381 : i32 to vector<16xi32>
      %lt3A_383 = arith.cmpi slt, %xor3A_380, %lt3A_382 : vector<16xi32>
      %add3A_384 = arith.constant 16 : i32
      %add3A_385 = vector.broadcast %add3A_384 : i32 to vector<16xi32>
      %add3A_386 = arith.addi %xor3A_380, %add3A_385 : vector<16xi32>
      %select_n3A_387 = arith.select %lt3A_383, %add3A_386, %xor3A_380 : vector<16xi1>, vector<16xi32>
      %broadcast_in_dim3A_388 = vector.shape_cast %select_n3A_387 : vector<16xi32> to vector<16x1xi32>
      %gather3A_389 = vector.shape_cast %broadcast_in_dim3A_388 : vector<16x1xi32> to vector<16xi32>
      %gather3A_390 = tpu.dynamic_gather %add3A_377[%gather3A_389] in [0] : vector<16xf32>, vector<16xi32> -> vector<16xf32>
      %add3A_391 = arith.addf %add3A_377, %gather3A_390 : vector<16xf32>
      %eq3A_392 = arith.constant 2 : i32
      %eq3A_393 = vector.broadcast %eq3A_392 : i32 to vector<16xi32>
      %eq3A_394 = arith.cmpi eq, %iota3A, %eq3A_393 : vector<16xi32>
      %select_n3A_395 = arith.select %eq3A_394, %add3A_391, %select_n3A_284 : vector<16xi1>, vector<16xf32>
      %mul3A_396 = arith.constant 16 : i32
      %mul3A_397 = arith.muli %scan3A_63, %mul3A_396 : i32
      %add3A_398 = arith.constant 3 : i32
      %add3A_399 = arith.addi %mul3A_397, %add3A_398 : i32
      %get3A_400 = arith.index_cast %add3A_399 : i32 to index
      %get3A_401 = arith.constant 0 : index
      %get3A_402 = tpu.vector_load %arg5[%get3A_400, %get3A_401] {strides = array<i32>} : memref<384x128xf32, #tpu.memory_space<vmem>>, vector<1x16xf32>,
      %get3A_403 = vector.shape_cast %get3A_402 : vector<1x16xf32> to vector<16xf32>
      %mul3A_404 = arith.mulf %get3A_403, %get3A_36 : vector<16xf32>
      %get3A_405 = arith.index_cast %add3A_399 : i32 to index
      %get3A_406 = arith.constant 16 : index
      %get3A_407 = tpu.vector_load %arg5[%get3A_405, %get3A_406] {strides = array<i32>} : memref<384x128xf32, #tpu.memory_space<vmem>>, vector<1x16xf32>,
      %get3A_408 = vector.shape_cast %get3A_407 : vector<1x16xf32> to vector<16xf32>
      %mul3A_409 = arith.mulf %get3A_408, %get3A_39 : vector<16xf32>
      %add3A_410 = arith.addf %mul3A_404, %mul3A_409 : vector<16xf32>
      %get3A_411 = arith.index_cast %add3A_399 : i32 to index
      %get3A_412 = arith.constant 32 : index
      %get3A_413 = tpu.vector_load %arg5[%get3A_411, %get3A_412] {strides = array<i32>} : memref<384x128xf32, #tpu.memory_space<vmem>>, vector<1x16xf32>,
      %get3A_414 = vector.shape_cast %get3A_413 : vector<1x16xf32> to vector<16xf32>
      %mul3A_415 = arith.mulf %get3A_414, %get3A_42 : vector<16xf32>
      %add3A_416 = arith.addf %add3A_410, %mul3A_415 : vector<16xf32>
      %get3A_417 = arith.index_cast %add3A_399 : i32 to index
      %get3A_418 = arith.constant 48 : index
      %get3A_419 = tpu.vector_load %arg5[%get3A_417, %get3A_418] {strides = array<i32>} : memref<384x128xf32, #tpu.memory_space<vmem>>, vector<1x16xf32>,
      %get3A_420 = vector.shape_cast %get3A_419 : vector<1x16xf32> to vector<16xf32>
      %mul3A_421 = arith.mulf %get3A_420, %get3A_45 : vector<16xf32>
      %add3A_422 = arith.addf %add3A_416, %mul3A_421 : vector<16xf32>
      %get3A_423 = arith.index_cast %add3A_399 : i32 to index
      %get3A_424 = arith.constant 64 : index
      %get3A_425 = tpu.vector_load %arg5[%get3A_423, %get3A_424] {strides = array<i32>} : memref<384x128xf32, #tpu.memory_space<vmem>>, vector<1x16xf32>,
      %get3A_426 = vector.shape_cast %get3A_425 : vector<1x16xf32> to vector<16xf32>
      %mul3A_427 = arith.mulf %get3A_426, %get3A_48 : vector<16xf32>
      %add3A_428 = arith.addf %add3A_422, %mul3A_427 : vector<16xf32>
      %get3A_429 = arith.index_cast %add3A_399 : i32 to index
      %get3A_430 = arith.constant 80 : index
      %get3A_431 = tpu.vector_load %arg5[%get3A_429, %get3A_430] {strides = array<i32>} : memref<384x128xf32, #tpu.memory_space<vmem>>, vector<1x16xf32>,
      %get3A_432 = vector.shape_cast %get3A_431 : vector<1x16xf32> to vector<16xf32>
      %mul3A_433 = arith.mulf %get3A_432, %get3A_51 : vector<16xf32>
      %add3A_434 = arith.addf %add3A_428, %mul3A_433 : vector<16xf32>
      %get3A_435 = arith.index_cast %add3A_399 : i32 to index
      %get3A_436 = arith.constant 96 : index
      %get3A_437 = tpu.vector_load %arg5[%get3A_435, %get3A_436] {strides = array<i32>} : memref<384x128xf32, #tpu.memory_space<vmem>>, vector<1x16xf32>,
      %get3A_438 = vector.shape_cast %get3A_437 : vector<1x16xf32> to vector<16xf32>
      %mul3A_439 = arith.mulf %get3A_438, %get3A_54 : vector<16xf32>
      %add3A_440 = arith.addf %add3A_434, %mul3A_439 : vector<16xf32>
      %get3A_441 = arith.index_cast %add3A_399 : i32 to index
      %get3A_442 = arith.constant 112 : index
      %get3A_443 = tpu.vector_load %arg5[%get3A_441, %get3A_442] {strides = array<i32>} : memref<384x128xf32, #tpu.memory_space<vmem>>, vector<1x16xf32>,
      %get3A_444 = vector.shape_cast %get3A_443 : vector<1x16xf32> to vector<16xf32>
      %mul3A_445 = arith.mulf %get3A_444, %get3A_57 : vector<16xf32>
      %add3A_446 = arith.addf %add3A_440, %mul3A_445 : vector<16xf32>
      %xor3A_447 = arith.constant 1 : i32
      %xor3A_448 = vector.broadcast %xor3A_447 : i32 to vector<16xi32>
      %xor3A_449 = arith.xori %iota3A, %xor3A_448 : vector<16xi32>
      %lt3A_450 = arith.constant 0 : i32
      %lt3A_451 = vector.broadcast %lt3A_450 : i32 to vector<16xi32>
      %lt3A_452 = arith.cmpi slt, %xor3A_449, %lt3A_451 : vector<16xi32>
      %add3A_453 = arith.constant 16 : i32
      %add3A_454 = vector.broadcast %add3A_453 : i32 to vector<16xi32>
      %add3A_455 = arith.addi %xor3A_449, %add3A_454 : vector<16xi32>
      %select_n3A_456 = arith.select %lt3A_452, %add3A_455, %xor3A_449 : vector<16xi1>, vector<16xi32>
      %broadcast_in_dim3A_457 = vector.shape_cast %select_n3A_456 : vector<16xi32> to vector<16x1xi32>
      %gather3A_458 = vector.shape_cast %broadcast_in_dim3A_457 : vector<16x1xi32> to vector<16xi32>
      %gather3A_459 = tpu.dynamic_gather %add3A_446[%gather3A_458] in [0] : vector<16xf32>, vector<16xi32> -> vector<16xf32>
      %add3A_460 = arith.addf %add3A_446, %gather3A_459 : vector<16xf32>
      %xor3A_461 = arith.constant 2 : i32
      %xor3A_462 = vector.broadcast %xor3A_461 : i32 to vector<16xi32>
      %xor3A_463 = arith.xori %iota3A, %xor3A_462 : vector<16xi32>
      %lt3A_464 = arith.constant 0 : i32
      %lt3A_465 = vector.broadcast %lt3A_464 : i32 to vector<16xi32>
      %lt3A_466 = arith.cmpi slt, %xor3A_463, %lt3A_465 : vector<16xi32>
      %add3A_467 = arith.constant 16 : i32
      %add3A_468 = vector.broadcast %add3A_467 : i32 to vector<16xi32>
      %add3A_469 = arith.addi %xor3A_463, %add3A_468 : vector<16xi32>
      %select_n3A_470 = arith.select %lt3A_466, %add3A_469, %xor3A_463 : vector<16xi1>, vector<16xi32>
      %broadcast_in_dim3A_471 = vector.shape_cast %select_n3A_470 : vector<16xi32> to vector<16x1xi32>
      %gather3A_472 = vector.shape_cast %broadcast_in_dim3A_471 : vector<16x1xi32> to vector<16xi32>
      %gather3A_473 = tpu.dynamic_gather %add3A_460[%gather3A_472] in [0] : vector<16xf32>, vector<16xi32> -> vector<16xf32>
      %add3A_474 = arith.addf %add3A_460, %gather3A_473 : vector<16xf32>
      %xor3A_475 = arith.constant 4 : i32
      %xor3A_476 = vector.broadcast %xor3A_475 : i32 to vector<16xi32>
      %xor3A_477 = arith.xori %iota3A, %xor3A_476 : vector<16xi32>
      %lt3A_478 = arith.constant 0 : i32
      %lt3A_479 = vector.broadcast %lt3A_478 : i32 to vector<16xi32>
      %lt3A_480 = arith.cmpi slt, %xor3A_477, %lt3A_479 : vector<16xi32>
      %add3A_481 = arith.constant 16 : i32
      %add3A_482 = vector.broadcast %add3A_481 : i32 to vector<16xi32>
      %add3A_483 = arith.addi %xor3A_477, %add3A_482 : vector<16xi32>
      %select_n3A_484 = arith.select %lt3A_480, %add3A_483, %xor3A_477 : vector<16xi1>, vector<16xi32>
      %broadcast_in_dim3A_485 = vector.shape_cast %select_n3A_484 : vector<16xi32> to vector<16x1xi32>
      %gather3A_486 = vector.shape_cast %broadcast_in_dim3A_485 : vector<16x1xi32> to vector<16xi32>
      %gather3A_487 = tpu.dynamic_gather %add3A_474[%gather3A_486] in [0] : vector<16xf32>, vector<16xi32> -> vector<16xf32>
      %add3A_488 = arith.addf %add3A_474, %gather3A_487 : vector<16xf32>
      %xor3A_489 = arith.constant 8 : i32
      %xor3A_490 = vector.broadcast %xor3A_489 : i32 to vector<16xi32>
      %xor3A_491 = arith.xori %iota3A, %xor3A_490 : vector<16xi32>
      %lt3A_492 = arith.constant 0 : i32
      %lt3A_493 = vector.broadcast %lt3A_492 : i32 to vector<16xi32>
      %lt3A_494 = arith.cmpi slt, %xor3A_491, %lt3A_493 : vector<16xi32>
      %add3A_495 = arith.constant 16 : i32
      %add3A_496 = vector.broadcast %add3A_495 : i32 to vector<16xi32>
      %add3A_497 = arith.addi %xor3A_491, %add3A_496 : vector<16xi32>
      %select_n3A_498 = arith.select %lt3A_494, %add3A_497, %xor3A_491 : vector<16xi1>, vector<16xi32>
      %broadcast_in_dim3A_499 = vector.shape_cast %select_n3A_498 : vector<16xi32> to vector<16x1xi32>
      %gather3A_500 = vector.shape_cast %broadcast_in_dim3A_499 : vector<16x1xi32> to vector<16xi32>
      %gather3A_501 = tpu.dynamic_gather %add3A_488[%gather3A_500] in [0] : vector<16xf32>, vector<16xi32> -> vector<16xf32>
      %add3A_502 = arith.addf %add3A_488, %gather3A_501 : vector<16xf32>
      %eq3A_503 = arith.constant 3 : i32
      %eq3A_504 = vector.broadcast %eq3A_503 : i32 to vector<16xi32>
      %eq3A_505 = arith.cmpi eq, %iota3A, %eq3A_504 : vector<16xi32>
      %select_n3A_506 = arith.select %eq3A_505, %add3A_502, %select_n3A_395 : vector<16xi1>, vector<16xf32>
      %mul3A_507 = arith.constant 16 : i32
      %mul3A_508 = arith.muli %scan3A_63, %mul3A_507 : i32
      %add3A_509 = arith.constant 4 : i32
      %add3A_510 = arith.addi %mul3A_508, %add3A_509 : i32
      %get3A_511 = arith.index_cast %add3A_510 : i32 to index
      %get3A_512 = arith.constant 0 : index
      %get3A_513 = tpu.vector_load %arg5[%get3A_511, %get3A_512] {strides = array<i32>} : memref<384x128xf32, #tpu.memory_space<vmem>>, vector<1x16xf32>,
      %get3A_514 = vector.shape_cast %get3A_513 : vector<1x16xf32> to vector<16xf32>
      %mul3A_515 = arith.mulf %get3A_514, %get3A_36 : vector<16xf32>
      %get3A_516 = arith.index_cast %add3A_510 : i32 to index
      %get3A_517 = arith.constant 16 : index
      %get3A_518 = tpu.vector_load %arg5[%get3A_516, %get3A_517] {strides = array<i32>} : memref<384x128xf32, #tpu.memory_space<vmem>>, vector<1x16xf32>,
      %get3A_519 = vector.shape_cast %get3A_518 : vector<1x16xf32> to vector<16xf32>
      %mul3A_520 = arith.mulf %get3A_519, %get3A_39 : vector<16xf32>
      %add3A_521 = arith.addf %mul3A_515, %mul3A_520 : vector<16xf32>
      %get3A_522 = arith.index_cast %add3A_510 : i32 to index
      %get3A_523 = arith.constant 32 : index
      %get3A_524 = tpu.vector_load %arg5[%get3A_522, %get3A_523] {strides = array<i32>} : memref<384x128xf32, #tpu.memory_space<vmem>>, vector<1x16xf32>,
      %get3A_525 = vector.shape_cast %get3A_524 : vector<1x16xf32> to vector<16xf32>
      %mul3A_526 = arith.mulf %get3A_525, %get3A_42 : vector<16xf32>
      %add3A_527 = arith.addf %add3A_521, %mul3A_526 : vector<16xf32>
      %get3A_528 = arith.index_cast %add3A_510 : i32 to index
      %get3A_529 = arith.constant 48 : index
      %get3A_530 = tpu.vector_load %arg5[%get3A_528, %get3A_529] {strides = array<i32>} : memref<384x128xf32, #tpu.memory_space<vmem>>, vector<1x16xf32>,
      %get3A_531 = vector.shape_cast %get3A_530 : vector<1x16xf32> to vector<16xf32>
      %mul3A_532 = arith.mulf %get3A_531, %get3A_45 : vector<16xf32>
      %add3A_533 = arith.addf %add3A_527, %mul3A_532 : vector<16xf32>
      %get3A_534 = arith.index_cast %add3A_510 : i32 to index
      %get3A_535 = arith.constant 64 : index
      %get3A_536 = tpu.vector_load %arg5[%get3A_534, %get3A_535] {strides = array<i32>} : memref<384x128xf32, #tpu.memory_space<vmem>>, vector<1x16xf32>,
      %get3A_537 = vector.shape_cast %get3A_536 : vector<1x16xf32> to vector<16xf32>
      %mul3A_538 = arith.mulf %get3A_537, %get3A_48 : vector<16xf32>
      %add3A_539 = arith.addf %add3A_533, %mul3A_538 : vector<16xf32>
      %get3A_540 = arith.index_cast %add3A_510 : i32 to index
      %get3A_541 = arith.constant 80 : index
      %get3A_542 = tpu.vector_load %arg5[%get3A_540, %get3A_541] {strides = array<i32>} : memref<384x128xf32, #tpu.memory_space<vmem>>, vector<1x16xf32>,
      %get3A_543 = vector.shape_cast %get3A_542 : vector<1x16xf32> to vector<16xf32>
      %mul3A_544 = arith.mulf %get3A_543, %get3A_51 : vector<16xf32>
      %add3A_545 = arith.addf %add3A_539, %mul3A_544 : vector<16xf32>
      %get3A_546 = arith.index_cast %add3A_510 : i32 to index
      %get3A_547 = arith.constant 96 : index
      %get3A_548 = tpu.vector_load %arg5[%get3A_546, %get3A_547] {strides = array<i32>} : memref<384x128xf32, #tpu.memory_space<vmem>>, vector<1x16xf32>,
      %get3A_549 = vector.shape_cast %get3A_548 : vector<1x16xf32> to vector<16xf32>
      %mul3A_550 = arith.mulf %get3A_549, %get3A_54 : vector<16xf32>
      %add3A_551 = arith.addf %add3A_545, %mul3A_550 : vector<16xf32>
      %get3A_552 = arith.index_cast %add3A_510 : i32 to index
      %get3A_553 = arith.constant 112 : index
      %get3A_554 = tpu.vector_load %arg5[%get3A_552, %get3A_553] {strides = array<i32>} : memref<384x128xf32, #tpu.memory_space<vmem>>, vector<1x16xf32>,
      %get3A_555 = vector.shape_cast %get3A_554 : vector<1x16xf32> to vector<16xf32>
      %mul3A_556 = arith.mulf %get3A_555, %get3A_57 : vector<16xf32>
      %add3A_557 = arith.addf %add3A_551, %mul3A_556 : vector<16xf32>
      %xor3A_558 = arith.constant 1 : i32
      %xor3A_559 = vector.broadcast %xor3A_558 : i32 to vector<16xi32>
      %xor3A_560 = arith.xori %iota3A, %xor3A_559 : vector<16xi32>
      %lt3A_561 = arith.constant 0 : i32
      %lt3A_562 = vector.broadcast %lt3A_561 : i32 to vector<16xi32>
      %lt3A_563 = arith.cmpi slt, %xor3A_560, %lt3A_562 : vector<16xi32>
      %add3A_564 = arith.constant 16 : i32
      %add3A_565 = vector.broadcast %add3A_564 : i32 to vector<16xi32>
      %add3A_566 = arith.addi %xor3A_560, %add3A_565 : vector<16xi32>
      %select_n3A_567 = arith.select %lt3A_563, %add3A_566, %xor3A_560 : vector<16xi1>, vector<16xi32>
      %broadcast_in_dim3A_568 = vector.shape_cast %select_n3A_567 : vector<16xi32> to vector<16x1xi32>
      %gather3A_569 = vector.shape_cast %broadcast_in_dim3A_568 : vector<16x1xi32> to vector<16xi32>
      %gather3A_570 = tpu.dynamic_gather %add3A_557[%gather3A_569] in [0] : vector<16xf32>, vector<16xi32> -> vector<16xf32>
      %add3A_571 = arith.addf %add3A_557, %gather3A_570 : vector<16xf32>
      %xor3A_572 = arith.constant 2 : i32
      %xor3A_573 = vector.broadcast %xor3A_572 : i32 to vector<16xi32>
      %xor3A_574 = arith.xori %iota3A, %xor3A_573 : vector<16xi32>
      %lt3A_575 = arith.constant 0 : i32
      %lt3A_576 = vector.broadcast %lt3A_575 : i32 to vector<16xi32>
      %lt3A_577 = arith.cmpi slt, %xor3A_574, %lt3A_576 : vector<16xi32>
      %add3A_578 = arith.constant 16 : i32
      %add3A_579 = vector.broadcast %add3A_578 : i32 to vector<16xi32>
      %add3A_580 = arith.addi %xor3A_574, %add3A_579 : vector<16xi32>
      %select_n3A_581 = arith.select %lt3A_577, %add3A_580, %xor3A_574 : vector<16xi1>, vector<16xi32>
      %broadcast_in_dim3A_582 = vector.shape_cast %select_n3A_581 : vector<16xi32> to vector<16x1xi32>
      %gather3A_583 = vector.shape_cast %broadcast_in_dim3A_582 : vector<16x1xi32> to vector<16xi32>
      %gather3A_584 = tpu.dynamic_gather %add3A_571[%gather3A_583] in [0] : vector<16xf32>, vector<16xi32> -> vector<16xf32>
      %add3A_585 = arith.addf %add3A_571, %gather3A_584 : vector<16xf32>
      %xor3A_586 = arith.constant 4 : i32
      %xor3A_587 = vector.broadcast %xor3A_586 : i32 to vector<16xi32>
      %xor3A_588 = arith.xori %iota3A, %xor3A_587 : vector<16xi32>
      %lt3A_589 = arith.constant 0 : i32
      %lt3A_590 = vector.broadcast %lt3A_589 : i32 to vector<16xi32>
      %lt3A_591 = arith.cmpi slt, %xor3A_588, %lt3A_590 : vector<16xi32>
      %add3A_592 = arith.constant 16 : i32
      %add3A_593 = vector.broadcast %add3A_592 : i32 to vector<16xi32>
      %add3A_594 = arith.addi %xor3A_588, %add3A_593 : vector<16xi32>
      %select_n3A_595 = arith.select %lt3A_591, %add3A_594, %xor3A_588 : vector<16xi1>, vector<16xi32>
      %broadcast_in_dim3A_596 = vector.shape_cast %select_n3A_595 : vector<16xi32> to vector<16x1xi32>
      %gather3A_597 = vector.shape_cast %broadcast_in_dim3A_596 : vector<16x1xi32> to vector<16xi32>
      %gather3A_598 = tpu.dynamic_gather %add3A_585[%gather3A_597] in [0] : vector<16xf32>, vector<16xi32> -> vector<16xf32>
      %add3A_599 = arith.addf %add3A_585, %gather3A_598 : vector<16xf32>
      %xor3A_600 = arith.constant 8 : i32
      %xor3A_601 = vector.broadcast %xor3A_600 : i32 to vector<16xi32>
      %xor3A_602 = arith.xori %iota3A, %xor3A_601 : vector<16xi32>
      %lt3A_603 = arith.constant 0 : i32
      %lt3A_604 = vector.broadcast %lt3A_603 : i32 to vector<16xi32>
      %lt3A_605 = arith.cmpi slt, %xor3A_602, %lt3A_604 : vector<16xi32>
      %add3A_606 = arith.constant 16 : i32
      %add3A_607 = vector.broadcast %add3A_606 : i32 to vector<16xi32>
      %add3A_608 = arith.addi %xor3A_602, %add3A_607 : vector<16xi32>
      %select_n3A_609 = arith.select %lt3A_605, %add3A_608, %xor3A_602 : vector<16xi1>, vector<16xi32>
      %broadcast_in_dim3A_610 = vector.shape_cast %select_n3A_609 : vector<16xi32> to vector<16x1xi32>
      %gather3A_611 = vector.shape_cast %broadcast_in_dim3A_610 : vector<16x1xi32> to vector<16xi32>
      %gather3A_612 = tpu.dynamic_gather %add3A_599[%gather3A_611] in [0] : vector<16xf32>, vector<16xi32> -> vector<16xf32>
      %add3A_613 = arith.addf %add3A_599, %gather3A_612 : vector<16xf32>
      %eq3A_614 = arith.constant 4 : i32
      %eq3A_615 = vector.broadcast %eq3A_614 : i32 to vector<16xi32>
      %eq3A_616 = arith.cmpi eq, %iota3A, %eq3A_615 : vector<16xi32>
      %select_n3A_617 = arith.select %eq3A_616, %add3A_613, %select_n3A_506 : vector<16xi1>, vector<16xf32>
      %mul3A_618 = arith.constant 16 : i32
      %mul3A_619 = arith.muli %scan3A_63, %mul3A_618 : i32
      %add3A_620 = arith.constant 5 : i32
      %add3A_621 = arith.addi %mul3A_619, %add3A_620 : i32
      %get3A_622 = arith.index_cast %add3A_621 : i32 to index
      %get3A_623 = arith.constant 0 : index
      %get3A_624 = tpu.vector_load %arg5[%get3A_622, %get3A_623] {strides = array<i32>} : memref<384x128xf32, #tpu.memory_space<vmem>>, vector<1x16xf32>,
      %get3A_625 = vector.shape_cast %get3A_624 : vector<1x16xf32> to vector<16xf32>
      %mul3A_626 = arith.mulf %get3A_625, %get3A_36 : vector<16xf32>
      %get3A_627 = arith.index_cast %add3A_621 : i32 to index
      %get3A_628 = arith.constant 16 : index
      %get3A_629 = tpu.vector_load %arg5[%get3A_627, %get3A_628] {strides = array<i32>} : memref<384x128xf32, #tpu.memory_space<vmem>>, vector<1x16xf32>,
      %get3A_630 = vector.shape_cast %get3A_629 : vector<1x16xf32> to vector<16xf32>
      %mul3A_631 = arith.mulf %get3A_630, %get3A_39 : vector<16xf32>
      %add3A_632 = arith.addf %mul3A_626, %mul3A_631 : vector<16xf32>
      %get3A_633 = arith.index_cast %add3A_621 : i32 to index
      %get3A_634 = arith.constant 32 : index
      %get3A_635 = tpu.vector_load %arg5[%get3A_633, %get3A_634] {strides = array<i32>} : memref<384x128xf32, #tpu.memory_space<vmem>>, vector<1x16xf32>,
      %get3A_636 = vector.shape_cast %get3A_635 : vector<1x16xf32> to vector<16xf32>
      %mul3A_637 = arith.mulf %get3A_636, %get3A_42 : vector<16xf32>
      %add3A_638 = arith.addf %add3A_632, %mul3A_637 : vector<16xf32>
      %get3A_639 = arith.index_cast %add3A_621 : i32 to index
      %get3A_640 = arith.constant 48 : index
      %get3A_641 = tpu.vector_load %arg5[%get3A_639, %get3A_640] {strides = array<i32>} : memref<384x128xf32, #tpu.memory_space<vmem>>, vector<1x16xf32>,
      %get3A_642 = vector.shape_cast %get3A_641 : vector<1x16xf32> to vector<16xf32>
      %mul3A_643 = arith.mulf %get3A_642, %get3A_45 : vector<16xf32>
      %add3A_644 = arith.addf %add3A_638, %mul3A_643 : vector<16xf32>
      %get3A_645 = arith.index_cast %add3A_621 : i32 to index
      %get3A_646 = arith.constant 64 : index
      %get3A_647 = tpu.vector_load %arg5[%get3A_645, %get3A_646] {strides = array<i32>} : memref<384x128xf32, #tpu.memory_space<vmem>>, vector<1x16xf32>,
      %get3A_648 = vector.shape_cast %get3A_647 : vector<1x16xf32> to vector<16xf32>
      %mul3A_649 = arith.mulf %get3A_648, %get3A_48 : vector<16xf32>
      %add3A_650 = arith.addf %add3A_644, %mul3A_649 : vector<16xf32>
      %get3A_651 = arith.index_cast %add3A_621 : i32 to index
      %get3A_652 = arith.constant 80 : index
      %get3A_653 = tpu.vector_load %arg5[%get3A_651, %get3A_652] {strides = array<i32>} : memref<384x128xf32, #tpu.memory_space<vmem>>, vector<1x16xf32>,
      %get3A_654 = vector.shape_cast %get3A_653 : vector<1x16xf32> to vector<16xf32>
      %mul3A_655 = arith.mulf %get3A_654, %get3A_51 : vector<16xf32>
      %add3A_656 = arith.addf %add3A_650, %mul3A_655 : vector<16xf32>
      %get3A_657 = arith.index_cast %add3A_621 : i32 to index
      %get3A_658 = arith.constant 96 : index
      %get3A_659 = tpu.vector_load %arg5[%get3A_657, %get3A_658] {strides = array<i32>} : memref<384x128xf32, #tpu.memory_space<vmem>>, vector<1x16xf32>,
      %get3A_660 = vector.shape_cast %get3A_659 : vector<1x16xf32> to vector<16xf32>
      %mul3A_661 = arith.mulf %get3A_660, %get3A_54 : vector<16xf32>
      %add3A_662 = arith.addf %add3A_656, %mul3A_661 : vector<16xf32>
      %get3A_663 = arith.index_cast %add3A_621 : i32 to index
      %get3A_664 = arith.constant 112 : index
      %get3A_665 = tpu.vector_load %arg5[%get3A_663, %get3A_664] {strides = array<i32>} : memref<384x128xf32, #tpu.memory_space<vmem>>, vector<1x16xf32>,
      %get3A_666 = vector.shape_cast %get3A_665 : vector<1x16xf32> to vector<16xf32>
      %mul3A_667 = arith.mulf %get3A_666, %get3A_57 : vector<16xf32>
      %add3A_668 = arith.addf %add3A_662, %mul3A_667 : vector<16xf32>
      %xor3A_669 = arith.constant 1 : i32
      %xor3A_670 = vector.broadcast %xor3A_669 : i32 to vector<16xi32>
      %xor3A_671 = arith.xori %iota3A, %xor3A_670 : vector<16xi32>
      %lt3A_672 = arith.constant 0 : i32
      %lt3A_673 = vector.broadcast %lt3A_672 : i32 to vector<16xi32>
      %lt3A_674 = arith.cmpi slt, %xor3A_671, %lt3A_673 : vector<16xi32>
      %add3A_675 = arith.constant 16 : i32
      %add3A_676 = vector.broadcast %add3A_675 : i32 to vector<16xi32>
      %add3A_677 = arith.addi %xor3A_671, %add3A_676 : vector<16xi32>
      %select_n3A_678 = arith.select %lt3A_674, %add3A_677, %xor3A_671 : vector<16xi1>, vector<16xi32>
      %broadcast_in_dim3A_679 = vector.shape_cast %select_n3A_678 : vector<16xi32> to vector<16x1xi32>
      %gather3A_680 = vector.shape_cast %broadcast_in_dim3A_679 : vector<16x1xi32> to vector<16xi32>
      %gather3A_681 = tpu.dynamic_gather %add3A_668[%gather3A_680] in [0] : vector<16xf32>, vector<16xi32> -> vector<16xf32>
      %add3A_682 = arith.addf %add3A_668, %gather3A_681 : vector<16xf32>
      %xor3A_683 = arith.constant 2 : i32
      %xor3A_684 = vector.broadcast %xor3A_683 : i32 to vector<16xi32>
      %xor3A_685 = arith.xori %iota3A, %xor3A_684 : vector<16xi32>
      %lt3A_686 = arith.constant 0 : i32
      %lt3A_687 = vector.broadcast %lt3A_686 : i32 to vector<16xi32>
      %lt3A_688 = arith.cmpi slt, %xor3A_685, %lt3A_687 : vector<16xi32>
      %add3A_689 = arith.constant 16 : i32
      %add3A_690 = vector.broadcast %add3A_689 : i32 to vector<16xi32>
      %add3A_691 = arith.addi %xor3A_685, %add3A_690 : vector<16xi32>
      %select_n3A_692 = arith.select %lt3A_688, %add3A_691, %xor3A_685 : vector<16xi1>, vector<16xi32>
      %broadcast_in_dim3A_693 = vector.shape_cast %select_n3A_692 : vector<16xi32> to vector<16x1xi32>
      %gather3A_694 = vector.shape_cast %broadcast_in_dim3A_693 : vector<16x1xi32> to vector<16xi32>
      %gather3A_695 = tpu.dynamic_gather %add3A_682[%gather3A_694] in [0] : vector<16xf32>, vector<16xi32> -> vector<16xf32>
      %add3A_696 = arith.addf %add3A_682, %gather3A_695 : vector<16xf32>
      %xor3A_697 = arith.constant 4 : i32
      %xor3A_698 = vector.broadcast %xor3A_697 : i32 to vector<16xi32>
      %xor3A_699 = arith.xori %iota3A, %xor3A_698 : vector<16xi32>
      %lt3A_700 = arith.constant 0 : i32
      %lt3A_701 = vector.broadcast %lt3A_700 : i32 to vector<16xi32>
      %lt3A_702 = arith.cmpi slt, %xor3A_699, %lt3A_701 : vector<16xi32>
      %add3A_703 = arith.constant 16 : i32
      %add3A_704 = vector.broadcast %add3A_703 : i32 to vector<16xi32>
      %add3A_705 = arith.addi %xor3A_699, %add3A_704 : vector<16xi32>
      %select_n3A_706 = arith.select %lt3A_702, %add3A_705, %xor3A_699 : vector<16xi1>, vector<16xi32>
      %broadcast_in_dim3A_707 = vector.shape_cast %select_n3A_706 : vector<16xi32> to vector<16x1xi32>
      %gather3A_708 = vector.shape_cast %broadcast_in_dim3A_707 : vector<16x1xi32> to vector<16xi32>
      %gather3A_709 = tpu.dynamic_gather %add3A_696[%gather3A_708] in [0] : vector<16xf32>, vector<16xi32> -> vector<16xf32>
      %add3A_710 = arith.addf %add3A_696, %gather3A_709 : vector<16xf32>
      %xor3A_711 = arith.constant 8 : i32
      %xor3A_712 = vector.broadcast %xor3A_711 : i32 to vector<16xi32>
      %xor3A_713 = arith.xori %iota3A, %xor3A_712 : vector<16xi32>
      %lt3A_714 = arith.constant 0 : i32
      %lt3A_715 = vector.broadcast %lt3A_714 : i32 to vector<16xi32>
      %lt3A_716 = arith.cmpi slt, %xor3A_713, %lt3A_715 : vector<16xi32>
      %add3A_717 = arith.constant 16 : i32
      %add3A_718 = vector.broadcast %add3A_717 : i32 to vector<16xi32>
      %add3A_719 = arith.addi %xor3A_713, %add3A_718 : vector<16xi32>
      %select_n3A_720 = arith.select %lt3A_716, %add3A_719, %xor3A_713 : vector<16xi1>, vector<16xi32>
      %broadcast_in_dim3A_721 = vector.shape_cast %select_n3A_720 : vector<16xi32> to vector<16x1xi32>
      %gather3A_722 = vector.shape_cast %broadcast_in_dim3A_721 : vector<16x1xi32> to vector<16xi32>
      %gather3A_723 = tpu.dynamic_gather %add3A_710[%gather3A_722] in [0] : vector<16xf32>, vector<16xi32> -> vector<16xf32>
      %add3A_724 = arith.addf %add3A_710, %gather3A_723 : vector<16xf32>
      %eq3A_725 = arith.constant 5 : i32
      %eq3A_726 = vector.broadcast %eq3A_725 : i32 to vector<16xi32>
      %eq3A_727 = arith.cmpi eq, %iota3A, %eq3A_726 : vector<16xi32>
      %select_n3A_728 = arith.select %eq3A_727, %add3A_724, %select_n3A_617 : vector<16xi1>, vector<16xf32>
      %mul3A_729 = arith.constant 16 : i32
      %mul3A_730 = arith.muli %scan3A_63, %mul3A_729 : i32
      %add3A_731 = arith.constant 6 : i32
      %add3A_732 = arith.addi %mul3A_730, %add3A_731 : i32
      %get3A_733 = arith.index_cast %add3A_732 : i32 to index
      %get3A_734 = arith.constant 0 : index
      %get3A_735 = tpu.vector_load %arg5[%get3A_733, %get3A_734] {strides = array<i32>} : memref<384x128xf32, #tpu.memory_space<vmem>>, vector<1x16xf32>,
      %get3A_736 = vector.shape_cast %get3A_735 : vector<1x16xf32> to vector<16xf32>
      %mul3A_737 = arith.mulf %get3A_736, %get3A_36 : vector<16xf32>
      %get3A_738 = arith.index_cast %add3A_732 : i32 to index
      %get3A_739 = arith.constant 16 : index
      %get3A_740 = tpu.vector_load %arg5[%get3A_738, %get3A_739] {strides = array<i32>} : memref<384x128xf32, #tpu.memory_space<vmem>>, vector<1x16xf32>,
      %get3A_741 = vector.shape_cast %get3A_740 : vector<1x16xf32> to vector<16xf32>
      %mul3A_742 = arith.mulf %get3A_741, %get3A_39 : vector<16xf32>
      %add3A_743 = arith.addf %mul3A_737, %mul3A_742 : vector<16xf32>
      %get3A_744 = arith.index_cast %add3A_732 : i32 to index
      %get3A_745 = arith.constant 32 : index
      %get3A_746 = tpu.vector_load %arg5[%get3A_744, %get3A_745] {strides = array<i32>} : memref<384x128xf32, #tpu.memory_space<vmem>>, vector<1x16xf32>,
      %get3A_747 = vector.shape_cast %get3A_746 : vector<1x16xf32> to vector<16xf32>
      %mul3A_748 = arith.mulf %get3A_747, %get3A_42 : vector<16xf32>
      %add3A_749 = arith.addf %add3A_743, %mul3A_748 : vector<16xf32>
      %get3A_750 = arith.index_cast %add3A_732 : i32 to index
      %get3A_751 = arith.constant 48 : index
      %get3A_752 = tpu.vector_load %arg5[%get3A_750, %get3A_751] {strides = array<i32>} : memref<384x128xf32, #tpu.memory_space<vmem>>, vector<1x16xf32>,
      %get3A_753 = vector.shape_cast %get3A_752 : vector<1x16xf32> to vector<16xf32>
      %mul3A_754 = arith.mulf %get3A_753, %get3A_45 : vector<16xf32>
      %add3A_755 = arith.addf %add3A_749, %mul3A_754 : vector<16xf32>
      %get3A_756 = arith.index_cast %add3A_732 : i32 to index
      %get3A_757 = arith.constant 64 : index
      %get3A_758 = tpu.vector_load %arg5[%get3A_756, %get3A_757] {strides = array<i32>} : memref<384x128xf32, #tpu.memory_space<vmem>>, vector<1x16xf32>,
      %get3A_759 = vector.shape_cast %get3A_758 : vector<1x16xf32> to vector<16xf32>
      %mul3A_760 = arith.mulf %get3A_759, %get3A_48 : vector<16xf32>
      %add3A_761 = arith.addf %add3A_755, %mul3A_760 : vector<16xf32>
      %get3A_762 = arith.index_cast %add3A_732 : i32 to index
      %get3A_763 = arith.constant 80 : index
      %get3A_764 = tpu.vector_load %arg5[%get3A_762, %get3A_763] {strides = array<i32>} : memref<384x128xf32, #tpu.memory_space<vmem>>, vector<1x16xf32>,
      %get3A_765 = vector.shape_cast %get3A_764 : vector<1x16xf32> to vector<16xf32>
      %mul3A_766 = arith.mulf %get3A_765, %get3A_51 : vector<16xf32>
      %add3A_767 = arith.addf %add3A_761, %mul3A_766 : vector<16xf32>
      %get3A_768 = arith.index_cast %add3A_732 : i32 to index
      %get3A_769 = arith.constant 96 : index
      %get3A_770 = tpu.vector_load %arg5[%get3A_768, %get3A_769] {strides = array<i32>} : memref<384x128xf32, #tpu.memory_space<vmem>>, vector<1x16xf32>,
      %get3A_771 = vector.shape_cast %get3A_770 : vector<1x16xf32> to vector<16xf32>
      %mul3A_772 = arith.mulf %get3A_771, %get3A_54 : vector<16xf32>
      %add3A_773 = arith.addf %add3A_767, %mul3A_772 : vector<16xf32>
      %get3A_774 = arith.index_cast %add3A_732 : i32 to index
      %get3A_775 = arith.constant 112 : index
      %get3A_776 = tpu.vector_load %arg5[%get3A_774, %get3A_775] {strides = array<i32>} : memref<384x128xf32, #tpu.memory_space<vmem>>, vector<1x16xf32>,
      %get3A_777 = vector.shape_cast %get3A_776 : vector<1x16xf32> to vector<16xf32>
      %mul3A_778 = arith.mulf %get3A_777, %get3A_57 : vector<16xf32>
      %add3A_779 = arith.addf %add3A_773, %mul3A_778 : vector<16xf32>
      %xor3A_780 = arith.constant 1 : i32
      %xor3A_781 = vector.broadcast %xor3A_780 : i32 to vector<16xi32>
      %xor3A_782 = arith.xori %iota3A, %xor3A_781 : vector<16xi32>
      %lt3A_783 = arith.constant 0 : i32
      %lt3A_784 = vector.broadcast %lt3A_783 : i32 to vector<16xi32>
      %lt3A_785 = arith.cmpi slt, %xor3A_782, %lt3A_784 : vector<16xi32>
      %add3A_786 = arith.constant 16 : i32
      %add3A_787 = vector.broadcast %add3A_786 : i32 to vector<16xi32>
      %add3A_788 = arith.addi %xor3A_782, %add3A_787 : vector<16xi32>
      %select_n3A_789 = arith.select %lt3A_785, %add3A_788, %xor3A_782 : vector<16xi1>, vector<16xi32>
      %broadcast_in_dim3A_790 = vector.shape_cast %select_n3A_789 : vector<16xi32> to vector<16x1xi32>
      %gather3A_791 = vector.shape_cast %broadcast_in_dim3A_790 : vector<16x1xi32> to vector<16xi32>
      %gather3A_792 = tpu.dynamic_gather %add3A_779[%gather3A_791] in [0] : vector<16xf32>, vector<16xi32> -> vector<16xf32>
      %add3A_793 = arith.addf %add3A_779, %gather3A_792 : vector<16xf32>
      %xor3A_794 = arith.constant 2 : i32
      %xor3A_795 = vector.broadcast %xor3A_794 : i32 to vector<16xi32>
      %xor3A_796 = arith.xori %iota3A, %xor3A_795 : vector<16xi32>
      %lt3A_797 = arith.constant 0 : i32
      %lt3A_798 = vector.broadcast %lt3A_797 : i32 to vector<16xi32>
      %lt3A_799 = arith.cmpi slt, %xor3A_796, %lt3A_798 : vector<16xi32>
      %add3A_800 = arith.constant 16 : i32
      %add3A_801 = vector.broadcast %add3A_800 : i32 to vector<16xi32>
      %add3A_802 = arith.addi %xor3A_796, %add3A_801 : vector<16xi32>
      %select_n3A_803 = arith.select %lt3A_799, %add3A_802, %xor3A_796 : vector<16xi1>, vector<16xi32>
      %broadcast_in_dim3A_804 = vector.shape_cast %select_n3A_803 : vector<16xi32> to vector<16x1xi32>
      %gather3A_805 = vector.shape_cast %broadcast_in_dim3A_804 : vector<16x1xi32> to vector<16xi32>
      %gather3A_806 = tpu.dynamic_gather %add3A_793[%gather3A_805] in [0] : vector<16xf32>, vector<16xi32> -> vector<16xf32>
      %add3A_807 = arith.addf %add3A_793, %gather3A_806 : vector<16xf32>
      %xor3A_808 = arith.constant 4 : i32
      %xor3A_809 = vector.broadcast %xor3A_808 : i32 to vector<16xi32>
      %xor3A_810 = arith.xori %iota3A, %xor3A_809 : vector<16xi32>
      %lt3A_811 = arith.constant 0 : i32
      %lt3A_812 = vector.broadcast %lt3A_811 : i32 to vector<16xi32>
      %lt3A_813 = arith.cmpi slt, %xor3A_810, %lt3A_812 : vector<16xi32>
      %add3A_814 = arith.constant 16 : i32
      %add3A_815 = vector.broadcast %add3A_814 : i32 to vector<16xi32>
      %add3A_816 = arith.addi %xor3A_810, %add3A_815 : vector<16xi32>
      %select_n3A_817 = arith.select %lt3A_813, %add3A_816, %xor3A_810 : vector<16xi1>, vector<16xi32>
      %broadcast_in_dim3A_818 = vector.shape_cast %select_n3A_817 : vector<16xi32> to vector<16x1xi32>
      %gather3A_819 = vector.shape_cast %broadcast_in_dim3A_818 : vector<16x1xi32> to vector<16xi32>
      %gather3A_820 = tpu.dynamic_gather %add3A_807[%gather3A_819] in [0] : vector<16xf32>, vector<16xi32> -> vector<16xf32>
      %add3A_821 = arith.addf %add3A_807, %gather3A_820 : vector<16xf32>
      %xor3A_822 = arith.constant 8 : i32
      %xor3A_823 = vector.broadcast %xor3A_822 : i32 to vector<16xi32>
      %xor3A_824 = arith.xori %iota3A, %xor3A_823 : vector<16xi32>
      %lt3A_825 = arith.constant 0 : i32
      %lt3A_826 = vector.broadcast %lt3A_825 : i32 to vector<16xi32>
      %lt3A_827 = arith.cmpi slt, %xor3A_824, %lt3A_826 : vector<16xi32>
      %add3A_828 = arith.constant 16 : i32
      %add3A_829 = vector.broadcast %add3A_828 : i32 to vector<16xi32>
      %add3A_830 = arith.addi %xor3A_824, %add3A_829 : vector<16xi32>
      %select_n3A_831 = arith.select %lt3A_827, %add3A_830, %xor3A_824 : vector<16xi1>, vector<16xi32>
      %broadcast_in_dim3A_832 = vector.shape_cast %select_n3A_831 : vector<16xi32> to vector<16x1xi32>
      %gather3A_833 = vector.shape_cast %broadcast_in_dim3A_832 : vector<16x1xi32> to vector<16xi32>
      %gather3A_834 = tpu.dynamic_gather %add3A_821[%gather3A_833] in [0] : vector<16xf32>, vector<16xi32> -> vector<16xf32>
      %add3A_835 = arith.addf %add3A_821, %gather3A_834 : vector<16xf32>
      %eq3A_836 = arith.constant 6 : i32
      %eq3A_837 = vector.broadcast %eq3A_836 : i32 to vector<16xi32>
      %eq3A_838 = arith.cmpi eq, %iota3A, %eq3A_837 : vector<16xi32>
      %select_n3A_839 = arith.select %eq3A_838, %add3A_835, %select_n3A_728 : vector<16xi1>, vector<16xf32>
      %mul3A_840 = arith.constant 16 : i32
      %mul3A_841 = arith.muli %scan3A_63, %mul3A_840 : i32
      %add3A_842 = arith.constant 7 : i32
      %add3A_843 = arith.addi %mul3A_841, %add3A_842 : i32
      %get3A_844 = arith.index_cast %add3A_843 : i32 to index
      %get3A_845 = arith.constant 0 : index
      %get3A_846 = tpu.vector_load %arg5[%get3A_844, %get3A_845] {strides = array<i32>} : memref<384x128xf32, #tpu.memory_space<vmem>>, vector<1x16xf32>,
      %get3A_847 = vector.shape_cast %get3A_846 : vector<1x16xf32> to vector<16xf32>
      %mul3A_848 = arith.mulf %get3A_847, %get3A_36 : vector<16xf32>
      %get3A_849 = arith.index_cast %add3A_843 : i32 to index
      %get3A_850 = arith.constant 16 : index
      %get3A_851 = tpu.vector_load %arg5[%get3A_849, %get3A_850] {strides = array<i32>} : memref<384x128xf32, #tpu.memory_space<vmem>>, vector<1x16xf32>,
      %get3A_852 = vector.shape_cast %get3A_851 : vector<1x16xf32> to vector<16xf32>
      %mul3A_853 = arith.mulf %get3A_852, %get3A_39 : vector<16xf32>
      %add3A_854 = arith.addf %mul3A_848, %mul3A_853 : vector<16xf32>
      %get3A_855 = arith.index_cast %add3A_843 : i32 to index
      %get3A_856 = arith.constant 32 : index
      %get3A_857 = tpu.vector_load %arg5[%get3A_855, %get3A_856] {strides = array<i32>} : memref<384x128xf32, #tpu.memory_space<vmem>>, vector<1x16xf32>,
      %get3A_858 = vector.shape_cast %get3A_857 : vector<1x16xf32> to vector<16xf32>
      %mul3A_859 = arith.mulf %get3A_858, %get3A_42 : vector<16xf32>
      %add3A_860 = arith.addf %add3A_854, %mul3A_859 : vector<16xf32>
      %get3A_861 = arith.index_cast %add3A_843 : i32 to index
      %get3A_862 = arith.constant 48 : index
      %get3A_863 = tpu.vector_load %arg5[%get3A_861, %get3A_862] {strides = array<i32>} : memref<384x128xf32, #tpu.memory_space<vmem>>, vector<1x16xf32>,
      %get3A_864 = vector.shape_cast %get3A_863 : vector<1x16xf32> to vector<16xf32>
      %mul3A_865 = arith.mulf %get3A_864, %get3A_45 : vector<16xf32>
      %add3A_866 = arith.addf %add3A_860, %mul3A_865 : vector<16xf32>
      %get3A_867 = arith.index_cast %add3A_843 : i32 to index
      %get3A_868 = arith.constant 64 : index
      %get3A_869 = tpu.vector_load %arg5[%get3A_867, %get3A_868] {strides = array<i32>} : memref<384x128xf32, #tpu.memory_space<vmem>>, vector<1x16xf32>,
      %get3A_870 = vector.shape_cast %get3A_869 : vector<1x16xf32> to vector<16xf32>
      %mul3A_871 = arith.mulf %get3A_870, %get3A_48 : vector<16xf32>
      %add3A_872 = arith.addf %add3A_866, %mul3A_871 : vector<16xf32>
      %get3A_873 = arith.index_cast %add3A_843 : i32 to index
      %get3A_874 = arith.constant 80 : index
      %get3A_875 = tpu.vector_load %arg5[%get3A_873, %get3A_874] {strides = array<i32>} : memref<384x128xf32, #tpu.memory_space<vmem>>, vector<1x16xf32>,
      %get3A_876 = vector.shape_cast %get3A_875 : vector<1x16xf32> to vector<16xf32>
      %mul3A_877 = arith.mulf %get3A_876, %get3A_51 : vector<16xf32>
      %add3A_878 = arith.addf %add3A_872, %mul3A_877 : vector<16xf32>
      %get3A_879 = arith.index_cast %add3A_843 : i32 to index
      %get3A_880 = arith.constant 96 : index
      %get3A_881 = tpu.vector_load %arg5[%get3A_879, %get3A_880] {strides = array<i32>} : memref<384x128xf32, #tpu.memory_space<vmem>>, vector<1x16xf32>,
      %get3A_882 = vector.shape_cast %get3A_881 : vector<1x16xf32> to vector<16xf32>
      %mul3A_883 = arith.mulf %get3A_882, %get3A_54 : vector<16xf32>
      %add3A_884 = arith.addf %add3A_878, %mul3A_883 : vector<16xf32>
      %get3A_885 = arith.index_cast %add3A_843 : i32 to index
      %get3A_886 = arith.constant 112 : index
      %get3A_887 = tpu.vector_load %arg5[%get3A_885, %get3A_886] {strides = array<i32>} : memref<384x128xf32, #tpu.memory_space<vmem>>, vector<1x16xf32>,
      %get3A_888 = vector.shape_cast %get3A_887 : vector<1x16xf32> to vector<16xf32>
      %mul3A_889 = arith.mulf %get3A_888, %get3A_57 : vector<16xf32>
      %add3A_890 = arith.addf %add3A_884, %mul3A_889 : vector<16xf32>
      %xor3A_891 = arith.constant 1 : i32
      %xor3A_892 = vector.broadcast %xor3A_891 : i32 to vector<16xi32>
      %xor3A_893 = arith.xori %iota3A, %xor3A_892 : vector<16xi32>
      %lt3A_894 = arith.constant 0 : i32
      %lt3A_895 = vector.broadcast %lt3A_894 : i32 to vector<16xi32>
      %lt3A_896 = arith.cmpi slt, %xor3A_893, %lt3A_895 : vector<16xi32>
      %add3A_897 = arith.constant 16 : i32
      %add3A_898 = vector.broadcast %add3A_897 : i32 to vector<16xi32>
      %add3A_899 = arith.addi %xor3A_893, %add3A_898 : vector<16xi32>
      %select_n3A_900 = arith.select %lt3A_896, %add3A_899, %xor3A_893 : vector<16xi1>, vector<16xi32>
      %broadcast_in_dim3A_901 = vector.shape_cast %select_n3A_900 : vector<16xi32> to vector<16x1xi32>
      %gather3A_902 = vector.shape_cast %broadcast_in_dim3A_901 : vector<16x1xi32> to vector<16xi32>
      %gather3A_903 = tpu.dynamic_gather %add3A_890[%gather3A_902] in [0] : vector<16xf32>, vector<16xi32> -> vector<16xf32>
      %add3A_904 = arith.addf %add3A_890, %gather3A_903 : vector<16xf32>
      %xor3A_905 = arith.constant 2 : i32
      %xor3A_906 = vector.broadcast %xor3A_905 : i32 to vector<16xi32>
      %xor3A_907 = arith.xori %iota3A, %xor3A_906 : vector<16xi32>
      %lt3A_908 = arith.constant 0 : i32
      %lt3A_909 = vector.broadcast %lt3A_908 : i32 to vector<16xi32>
      %lt3A_910 = arith.cmpi slt, %xor3A_907, %lt3A_909 : vector<16xi32>
      %add3A_911 = arith.constant 16 : i32
      %add3A_912 = vector.broadcast %add3A_911 : i32 to vector<16xi32>
      %add3A_913 = arith.addi %xor3A_907, %add3A_912 : vector<16xi32>
      %select_n3A_914 = arith.select %lt3A_910, %add3A_913, %xor3A_907 : vector<16xi1>, vector<16xi32>
      %broadcast_in_dim3A_915 = vector.shape_cast %select_n3A_914 : vector<16xi32> to vector<16x1xi32>
      %gather3A_916 = vector.shape_cast %broadcast_in_dim3A_915 : vector<16x1xi32> to vector<16xi32>
      %gather3A_917 = tpu.dynamic_gather %add3A_904[%gather3A_916] in [0] : vector<16xf32>, vector<16xi32> -> vector<16xf32>
      %add3A_918 = arith.addf %add3A_904, %gather3A_917 : vector<16xf32>
      %xor3A_919 = arith.constant 4 : i32
      %xor3A_920 = vector.broadcast %xor3A_919 : i32 to vector<16xi32>
      %xor3A_921 = arith.xori %iota3A, %xor3A_920 : vector<16xi32>
      %lt3A_922 = arith.constant 0 : i32
      %lt3A_923 = vector.broadcast %lt3A_922 : i32 to vector<16xi32>
      %lt3A_924 = arith.cmpi slt, %xor3A_921, %lt3A_923 : vector<16xi32>
      %add3A_925 = arith.constant 16 : i32
      %add3A_926 = vector.broadcast %add3A_925 : i32 to vector<16xi32>
      %add3A_927 = arith.addi %xor3A_921, %add3A_926 : vector<16xi32>
      %select_n3A_928 = arith.select %lt3A_924, %add3A_927, %xor3A_921 : vector<16xi1>, vector<16xi32>
      %broadcast_in_dim3A_929 = vector.shape_cast %select_n3A_928 : vector<16xi32> to vector<16x1xi32>
      %gather3A_930 = vector.shape_cast %broadcast_in_dim3A_929 : vector<16x1xi32> to vector<16xi32>
      %gather3A_931 = tpu.dynamic_gather %add3A_918[%gather3A_930] in [0] : vector<16xf32>, vector<16xi32> -> vector<16xf32>
      %add3A_932 = arith.addf %add3A_918, %gather3A_931 : vector<16xf32>
      %xor3A_933 = arith.constant 8 : i32
      %xor3A_934 = vector.broadcast %xor3A_933 : i32 to vector<16xi32>
      %xor3A_935 = arith.xori %iota3A, %xor3A_934 : vector<16xi32>
      %lt3A_936 = arith.constant 0 : i32
      %lt3A_937 = vector.broadcast %lt3A_936 : i32 to vector<16xi32>
      %lt3A_938 = arith.cmpi slt, %xor3A_935, %lt3A_937 : vector<16xi32>
      %add3A_939 = arith.constant 16 : i32
      %add3A_940 = vector.broadcast %add3A_939 : i32 to vector<16xi32>
      %add3A_941 = arith.addi %xor3A_935, %add3A_940 : vector<16xi32>
      %select_n3A_942 = arith.select %lt3A_938, %add3A_941, %xor3A_935 : vector<16xi1>, vector<16xi32>
      %broadcast_in_dim3A_943 = vector.shape_cast %select_n3A_942 : vector<16xi32> to vector<16x1xi32>
      %gather3A_944 = vector.shape_cast %broadcast_in_dim3A_943 : vector<16x1xi32> to vector<16xi32>
      %gather3A_945 = tpu.dynamic_gather %add3A_932[%gather3A_944] in [0] : vector<16xf32>, vector<16xi32> -> vector<16xf32>
      %add3A_946 = arith.addf %add3A_932, %gather3A_945 : vector<16xf32>
      %eq3A_947 = arith.constant 7 : i32
      %eq3A_948 = vector.broadcast %eq3A_947 : i32 to vector<16xi32>
      %eq3A_949 = arith.cmpi eq, %iota3A, %eq3A_948 : vector<16xi32>
      %select_n3A_950 = arith.select %eq3A_949, %add3A_946, %select_n3A_839 : vector<16xi1>, vector<16xf32>
      %mul3A_951 = arith.constant 16 : i32
      %mul3A_952 = arith.muli %scan3A_63, %mul3A_951 : i32
      %add3A_953 = arith.constant 8 : i32
      %add3A_954 = arith.addi %mul3A_952, %add3A_953 : i32
      %get3A_955 = arith.index_cast %add3A_954 : i32 to index
      %get3A_956 = arith.constant 0 : index
      %get3A_957 = tpu.vector_load %arg5[%get3A_955, %get3A_956] {strides = array<i32>} : memref<384x128xf32, #tpu.memory_space<vmem>>, vector<1x16xf32>,
      %get3A_958 = vector.shape_cast %get3A_957 : vector<1x16xf32> to vector<16xf32>
      %mul3A_959 = arith.mulf %get3A_958, %get3A_36 : vector<16xf32>
      %get3A_960 = arith.index_cast %add3A_954 : i32 to index
      %get3A_961 = arith.constant 16 : index
      %get3A_962 = tpu.vector_load %arg5[%get3A_960, %get3A_961] {strides = array<i32>} : memref<384x128xf32, #tpu.memory_space<vmem>>, vector<1x16xf32>,
      %get3A_963 = vector.shape_cast %get3A_962 : vector<1x16xf32> to vector<16xf32>
      %mul3A_964 = arith.mulf %get3A_963, %get3A_39 : vector<16xf32>
      %add3A_965 = arith.addf %mul3A_959, %mul3A_964 : vector<16xf32>
      %get3A_966 = arith.index_cast %add3A_954 : i32 to index
      %get3A_967 = arith.constant 32 : index
      %get3A_968 = tpu.vector_load %arg5[%get3A_966, %get3A_967] {strides = array<i32>} : memref<384x128xf32, #tpu.memory_space<vmem>>, vector<1x16xf32>,
      %get3A_969 = vector.shape_cast %get3A_968 : vector<1x16xf32> to vector<16xf32>
      %mul3A_970 = arith.mulf %get3A_969, %get3A_42 : vector<16xf32>
      %add3A_971 = arith.addf %add3A_965, %mul3A_970 : vector<16xf32>
      %get3A_972 = arith.index_cast %add3A_954 : i32 to index
      %get3A_973 = arith.constant 48 : index
      %get3A_974 = tpu.vector_load %arg5[%get3A_972, %get3A_973] {strides = array<i32>} : memref<384x128xf32, #tpu.memory_space<vmem>>, vector<1x16xf32>,
      %get3A_975 = vector.shape_cast %get3A_974 : vector<1x16xf32> to vector<16xf32>
      %mul3A_976 = arith.mulf %get3A_975, %get3A_45 : vector<16xf32>
      %add3A_977 = arith.addf %add3A_971, %mul3A_976 : vector<16xf32>
      %get3A_978 = arith.index_cast %add3A_954 : i32 to index
      %get3A_979 = arith.constant 64 : index
      %get3A_980 = tpu.vector_load %arg5[%get3A_978, %get3A_979] {strides = array<i32>} : memref<384x128xf32, #tpu.memory_space<vmem>>, vector<1x16xf32>,
      %get3A_981 = vector.shape_cast %get3A_980 : vector<1x16xf32> to vector<16xf32>
      %mul3A_982 = arith.mulf %get3A_981, %get3A_48 : vector<16xf32>
      %add3A_983 = arith.addf %add3A_977, %mul3A_982 : vector<16xf32>
      %get3A_984 = arith.index_cast %add3A_954 : i32 to index
      %get3A_985 = arith.constant 80 : index
      %get3A_986 = tpu.vector_load %arg5[%get3A_984, %get3A_985] {strides = array<i32>} : memref<384x128xf32, #tpu.memory_space<vmem>>, vector<1x16xf32>,
      %get3A_987 = vector.shape_cast %get3A_986 : vector<1x16xf32> to vector<16xf32>
      %mul3A_988 = arith.mulf %get3A_987, %get3A_51 : vector<16xf32>
      %add3A_989 = arith.addf %add3A_983, %mul3A_988 : vector<16xf32>
      %get3A_990 = arith.index_cast %add3A_954 : i32 to index
      %get3A_991 = arith.constant 96 : index
      %get3A_992 = tpu.vector_load %arg5[%get3A_990, %get3A_991] {strides = array<i32>} : memref<384x128xf32, #tpu.memory_space<vmem>>, vector<1x16xf32>,
      %get3A_993 = vector.shape_cast %get3A_992 : vector<1x16xf32> to vector<16xf32>
      %mul3A_994 = arith.mulf %get3A_993, %get3A_54 : vector<16xf32>
      %add3A_995 = arith.addf %add3A_989, %mul3A_994 : vector<16xf32>
      %get3A_996 = arith.index_cast %add3A_954 : i32 to index
      %get3A_997 = arith.constant 112 : index
      %get3A_998 = tpu.vector_load %arg5[%get3A_996, %get3A_997] {strides = array<i32>} : memref<384x128xf32, #tpu.memory_space<vmem>>, vector<1x16xf32>,
      %get3A_999 = vector.shape_cast %get3A_998 : vector<1x16xf32> to vector<16xf32>
      %mul3A_1000 = arith.mulf %get3A_999, %get3A_57 : vector<16xf32>
      %add3A_1001 = arith.addf %add3A_995, %mul3A_1000 : vector<16xf32>
      %xor3A_1002 = arith.constant 1 : i32
      %xor3A_1003 = vector.broadcast %xor3A_1002 : i32 to vector<16xi32>
      %xor3A_1004 = arith.xori %iota3A, %xor3A_1003 : vector<16xi32>
      %lt3A_1005 = arith.constant 0 : i32
      %lt3A_1006 = vector.broadcast %lt3A_1005 : i32 to vector<16xi32>
      %lt3A_1007 = arith.cmpi slt, %xor3A_1004, %lt3A_1006 : vector<16xi32>
      %add3A_1008 = arith.constant 16 : i32
      %add3A_1009 = vector.broadcast %add3A_1008 : i32 to vector<16xi32>
      %add3A_1010 = arith.addi %xor3A_1004, %add3A_1009 : vector<16xi32>
      %select_n3A_1011 = arith.select %lt3A_1007, %add3A_1010, %xor3A_1004 : vector<16xi1>, vector<16xi32>
      %broadcast_in_dim3A_1012 = vector.shape_cast %select_n3A_1011 : vector<16xi32> to vector<16x1xi32>
      %gather3A_1013 = vector.shape_cast %broadcast_in_dim3A_1012 : vector<16x1xi32> to vector<16xi32>
      %gather3A_1014 = tpu.dynamic_gather %add3A_1001[%gather3A_1013] in [0] : vector<16xf32>, vector<16xi32> -> vector<16xf32>
      %add3A_1015 = arith.addf %add3A_1001, %gather3A_1014 : vector<16xf32>
      %xor3A_1016 = arith.constant 2 : i32
      %xor3A_1017 = vector.broadcast %xor3A_1016 : i32 to vector<16xi32>
      %xor3A_1018 = arith.xori %iota3A, %xor3A_1017 : vector<16xi32>
      %lt3A_1019 = arith.constant 0 : i32
      %lt3A_1020 = vector.broadcast %lt3A_1019 : i32 to vector<16xi32>
      %lt3A_1021 = arith.cmpi slt, %xor3A_1018, %lt3A_1020 : vector<16xi32>
      %add3A_1022 = arith.constant 16 : i32
      %add3A_1023 = vector.broadcast %add3A_1022 : i32 to vector<16xi32>
      %add3A_1024 = arith.addi %xor3A_1018, %add3A_1023 : vector<16xi32>
      %select_n3A_1025 = arith.select %lt3A_1021, %add3A_1024, %xor3A_1018 : vector<16xi1>, vector<16xi32>
      %broadcast_in_dim3A_1026 = vector.shape_cast %select_n3A_1025 : vector<16xi32> to vector<16x1xi32>
      %gather3A_1027 = vector.shape_cast %broadcast_in_dim3A_1026 : vector<16x1xi32> to vector<16xi32>
      %gather3A_1028 = tpu.dynamic_gather %add3A_1015[%gather3A_1027] in [0] : vector<16xf32>, vector<16xi32> -> vector<16xf32>
      %add3A_1029 = arith.addf %add3A_1015, %gather3A_1028 : vector<16xf32>
      %xor3A_1030 = arith.constant 4 : i32
      %xor3A_1031 = vector.broadcast %xor3A_1030 : i32 to vector<16xi32>
      %xor3A_1032 = arith.xori %iota3A, %xor3A_1031 : vector<16xi32>
      %lt3A_1033 = arith.constant 0 : i32
      %lt3A_1034 = vector.broadcast %lt3A_1033 : i32 to vector<16xi32>
      %lt3A_1035 = arith.cmpi slt, %xor3A_1032, %lt3A_1034 : vector<16xi32>
      %add3A_1036 = arith.constant 16 : i32
      %add3A_1037 = vector.broadcast %add3A_1036 : i32 to vector<16xi32>
      %add3A_1038 = arith.addi %xor3A_1032, %add3A_1037 : vector<16xi32>
      %select_n3A_1039 = arith.select %lt3A_1035, %add3A_1038, %xor3A_1032 : vector<16xi1>, vector<16xi32>
      %broadcast_in_dim3A_1040 = vector.shape_cast %select_n3A_1039 : vector<16xi32> to vector<16x1xi32>
      %gather3A_1041 = vector.shape_cast %broadcast_in_dim3A_1040 : vector<16x1xi32> to vector<16xi32>
      %gather3A_1042 = tpu.dynamic_gather %add3A_1029[%gather3A_1041] in [0] : vector<16xf32>, vector<16xi32> -> vector<16xf32>
      %add3A_1043 = arith.addf %add3A_1029, %gather3A_1042 : vector<16xf32>
      %xor3A_1044 = arith.constant 8 : i32
      %xor3A_1045 = vector.broadcast %xor3A_1044 : i32 to vector<16xi32>
      %xor3A_1046 = arith.xori %iota3A, %xor3A_1045 : vector<16xi32>
      %lt3A_1047 = arith.constant 0 : i32
      %lt3A_1048 = vector.broadcast %lt3A_1047 : i32 to vector<16xi32>
      %lt3A_1049 = arith.cmpi slt, %xor3A_1046, %lt3A_1048 : vector<16xi32>
      %add3A_1050 = arith.constant 16 : i32
      %add3A_1051 = vector.broadcast %add3A_1050 : i32 to vector<16xi32>
      %add3A_1052 = arith.addi %xor3A_1046, %add3A_1051 : vector<16xi32>
      %select_n3A_1053 = arith.select %lt3A_1049, %add3A_1052, %xor3A_1046 : vector<16xi1>, vector<16xi32>
      %broadcast_in_dim3A_1054 = vector.shape_cast %select_n3A_1053 : vector<16xi32> to vector<16x1xi32>
      %gather3A_1055 = vector.shape_cast %broadcast_in_dim3A_1054 : vector<16x1xi32> to vector<16xi32>
      %gather3A_1056 = tpu.dynamic_gather %add3A_1043[%gather3A_1055] in [0] : vector<16xf32>, vector<16xi32> -> vector<16xf32>
      %add3A_1057 = arith.addf %add3A_1043, %gather3A_1056 : vector<16xf32>
      %eq3A_1058 = arith.constant 8 : i32
      %eq3A_1059 = vector.broadcast %eq3A_1058 : i32 to vector<16xi32>
      %eq3A_1060 = arith.cmpi eq, %iota3A, %eq3A_1059 : vector<16xi32>
      %select_n3A_1061 = arith.select %eq3A_1060, %add3A_1057, %select_n3A_950 : vector<16xi1>, vector<16xf32>
      %mul3A_1062 = arith.constant 16 : i32
      %mul3A_1063 = arith.muli %scan3A_63, %mul3A_1062 : i32
      %add3A_1064 = arith.constant 9 : i32
      %add3A_1065 = arith.addi %mul3A_1063, %add3A_1064 : i32
      %get3A_1066 = arith.index_cast %add3A_1065 : i32 to index
      %get3A_1067 = arith.constant 0 : index
      %get3A_1068 = tpu.vector_load %arg5[%get3A_1066, %get3A_1067] {strides = array<i32>} : memref<384x128xf32, #tpu.memory_space<vmem>>, vector<1x16xf32>,
      %get3A_1069 = vector.shape_cast %get3A_1068 : vector<1x16xf32> to vector<16xf32>
      %mul3A_1070 = arith.mulf %get3A_1069, %get3A_36 : vector<16xf32>
      %get3A_1071 = arith.index_cast %add3A_1065 : i32 to index
      %get3A_1072 = arith.constant 16 : index
      %get3A_1073 = tpu.vector_load %arg5[%get3A_1071, %get3A_1072] {strides = array<i32>} : memref<384x128xf32, #tpu.memory_space<vmem>>, vector<1x16xf32>,
      %get3A_1074 = vector.shape_cast %get3A_1073 : vector<1x16xf32> to vector<16xf32>
      %mul3A_1075 = arith.mulf %get3A_1074, %get3A_39 : vector<16xf32>
      %add3A_1076 = arith.addf %mul3A_1070, %mul3A_1075 : vector<16xf32>
      %get3A_1077 = arith.index_cast %add3A_1065 : i32 to index
      %get3A_1078 = arith.constant 32 : index
      %get3A_1079 = tpu.vector_load %arg5[%get3A_1077, %get3A_1078] {strides = array<i32>} : memref<384x128xf32, #tpu.memory_space<vmem>>, vector<1x16xf32>,
      %get3A_1080 = vector.shape_cast %get3A_1079 : vector<1x16xf32> to vector<16xf32>
      %mul3A_1081 = arith.mulf %get3A_1080, %get3A_42 : vector<16xf32>
      %add3A_1082 = arith.addf %add3A_1076, %mul3A_1081 : vector<16xf32>
      %get3A_1083 = arith.index_cast %add3A_1065 : i32 to index
      %get3A_1084 = arith.constant 48 : index
      %get3A_1085 = tpu.vector_load %arg5[%get3A_1083, %get3A_1084] {strides = array<i32>} : memref<384x128xf32, #tpu.memory_space<vmem>>, vector<1x16xf32>,
      %get3A_1086 = vector.shape_cast %get3A_1085 : vector<1x16xf32> to vector<16xf32>
      %mul3A_1087 = arith.mulf %get3A_1086, %get3A_45 : vector<16xf32>
      %add3A_1088 = arith.addf %add3A_1082, %mul3A_1087 : vector<16xf32>
      %get3A_1089 = arith.index_cast %add3A_1065 : i32 to index
      %get3A_1090 = arith.constant 64 : index
      %get3A_1091 = tpu.vector_load %arg5[%get3A_1089, %get3A_1090] {strides = array<i32>} : memref<384x128xf32, #tpu.memory_space<vmem>>, vector<1x16xf32>,
      %get3A_1092 = vector.shape_cast %get3A_1091 : vector<1x16xf32> to vector<16xf32>
      %mul3A_1093 = arith.mulf %get3A_1092, %get3A_48 : vector<16xf32>
      %add3A_1094 = arith.addf %add3A_1088, %mul3A_1093 : vector<16xf32>
      %get3A_1095 = arith.index_cast %add3A_1065 : i32 to index
      %get3A_1096 = arith.constant 80 : index
      %get3A_1097 = tpu.vector_load %arg5[%get3A_1095, %get3A_1096] {strides = array<i32>} : memref<384x128xf32, #tpu.memory_space<vmem>>, vector<1x16xf32>,
      %get3A_1098 = vector.shape_cast %get3A_1097 : vector<1x16xf32> to vector<16xf32>
      %mul3A_1099 = arith.mulf %get3A_1098, %get3A_51 : vector<16xf32>
      %add3A_1100 = arith.addf %add3A_1094, %mul3A_1099 : vector<16xf32>
      %get3A_1101 = arith.index_cast %add3A_1065 : i32 to index
      %get3A_1102 = arith.constant 96 : index
      %get3A_1103 = tpu.vector_load %arg5[%get3A_1101, %get3A_1102] {strides = array<i32>} : memref<384x128xf32, #tpu.memory_space<vmem>>, vector<1x16xf32>,
      %get3A_1104 = vector.shape_cast %get3A_1103 : vector<1x16xf32> to vector<16xf32>
      %mul3A_1105 = arith.mulf %get3A_1104, %get3A_54 : vector<16xf32>
      %add3A_1106 = arith.addf %add3A_1100, %mul3A_1105 : vector<16xf32>
      %get3A_1107 = arith.index_cast %add3A_1065 : i32 to index
      %get3A_1108 = arith.constant 112 : index
      %get3A_1109 = tpu.vector_load %arg5[%get3A_1107, %get3A_1108] {strides = array<i32>} : memref<384x128xf32, #tpu.memory_space<vmem>>, vector<1x16xf32>,
      %get3A_1110 = vector.shape_cast %get3A_1109 : vector<1x16xf32> to vector<16xf32>
      %mul3A_1111 = arith.mulf %get3A_1110, %get3A_57 : vector<16xf32>
      %add3A_1112 = arith.addf %add3A_1106, %mul3A_1111 : vector<16xf32>
      %xor3A_1113 = arith.constant 1 : i32
      %xor3A_1114 = vector.broadcast %xor3A_1113 : i32 to vector<16xi32>
      %xor3A_1115 = arith.xori %iota3A, %xor3A_1114 : vector<16xi32>
      %lt3A_1116 = arith.constant 0 : i32
      %lt3A_1117 = vector.broadcast %lt3A_1116 : i32 to vector<16xi32>
      %lt3A_1118 = arith.cmpi slt, %xor3A_1115, %lt3A_1117 : vector<16xi32>
      %add3A_1119 = arith.constant 16 : i32
      %add3A_1120 = vector.broadcast %add3A_1119 : i32 to vector<16xi32>
      %add3A_1121 = arith.addi %xor3A_1115, %add3A_1120 : vector<16xi32>
      %select_n3A_1122 = arith.select %lt3A_1118, %add3A_1121, %xor3A_1115 : vector<16xi1>, vector<16xi32>
      %broadcast_in_dim3A_1123 = vector.shape_cast %select_n3A_1122 : vector<16xi32> to vector<16x1xi32>
      %gather3A_1124 = vector.shape_cast %broadcast_in_dim3A_1123 : vector<16x1xi32> to vector<16xi32>
      %gather3A_1125 = tpu.dynamic_gather %add3A_1112[%gather3A_1124] in [0] : vector<16xf32>, vector<16xi32> -> vector<16xf32>
      %add3A_1126 = arith.addf %add3A_1112, %gather3A_1125 : vector<16xf32>
      %xor3A_1127 = arith.constant 2 : i32
      %xor3A_1128 = vector.broadcast %xor3A_1127 : i32 to vector<16xi32>
      %xor3A_1129 = arith.xori %iota3A, %xor3A_1128 : vector<16xi32>
      %lt3A_1130 = arith.constant 0 : i32
      %lt3A_1131 = vector.broadcast %lt3A_1130 : i32 to vector<16xi32>
      %lt3A_1132 = arith.cmpi slt, %xor3A_1129, %lt3A_1131 : vector<16xi32>
      %add3A_1133 = arith.constant 16 : i32
      %add3A_1134 = vector.broadcast %add3A_1133 : i32 to vector<16xi32>
      %add3A_1135 = arith.addi %xor3A_1129, %add3A_1134 : vector<16xi32>
      %select_n3A_1136 = arith.select %lt3A_1132, %add3A_1135, %xor3A_1129 : vector<16xi1>, vector<16xi32>
      %broadcast_in_dim3A_1137 = vector.shape_cast %select_n3A_1136 : vector<16xi32> to vector<16x1xi32>
      %gather3A_1138 = vector.shape_cast %broadcast_in_dim3A_1137 : vector<16x1xi32> to vector<16xi32>
      %gather3A_1139 = tpu.dynamic_gather %add3A_1126[%gather3A_1138] in [0] : vector<16xf32>, vector<16xi32> -> vector<16xf32>
      %add3A_1140 = arith.addf %add3A_1126, %gather3A_1139 : vector<16xf32>
      %xor3A_1141 = arith.constant 4 : i32
      %xor3A_1142 = vector.broadcast %xor3A_1141 : i32 to vector<16xi32>
      %xor3A_1143 = arith.xori %iota3A, %xor3A_1142 : vector<16xi32>
      %lt3A_1144 = arith.constant 0 : i32
      %lt3A_1145 = vector.broadcast %lt3A_1144 : i32 to vector<16xi32>
      %lt3A_1146 = arith.cmpi slt, %xor3A_1143, %lt3A_1145 : vector<16xi32>
      %add3A_1147 = arith.constant 16 : i32
      %add3A_1148 = vector.broadcast %add3A_1147 : i32 to vector<16xi32>
      %add3A_1149 = arith.addi %xor3A_1143, %add3A_1148 : vector<16xi32>
      %select_n3A_1150 = arith.select %lt3A_1146, %add3A_1149, %xor3A_1143 : vector<16xi1>, vector<16xi32>
      %broadcast_in_dim3A_1151 = vector.shape_cast %select_n3A_1150 : vector<16xi32> to vector<16x1xi32>
      %gather3A_1152 = vector.shape_cast %broadcast_in_dim3A_1151 : vector<16x1xi32> to vector<16xi32>
      %gather3A_1153 = tpu.dynamic_gather %add3A_1140[%gather3A_1152] in [0] : vector<16xf32>, vector<16xi32> -> vector<16xf32>
      %add3A_1154 = arith.addf %add3A_1140, %gather3A_1153 : vector<16xf32>
      %xor3A_1155 = arith.constant 8 : i32
      %xor3A_1156 = vector.broadcast %xor3A_1155 : i32 to vector<16xi32>
      %xor3A_1157 = arith.xori %iota3A, %xor3A_1156 : vector<16xi32>
      %lt3A_1158 = arith.constant 0 : i32
      %lt3A_1159 = vector.broadcast %lt3A_1158 : i32 to vector<16xi32>
      %lt3A_1160 = arith.cmpi slt, %xor3A_1157, %lt3A_1159 : vector<16xi32>
      %add3A_1161 = arith.constant 16 : i32
      %add3A_1162 = vector.broadcast %add3A_1161 : i32 to vector<16xi32>
      %add3A_1163 = arith.addi %xor3A_1157, %add3A_1162 : vector<16xi32>
      %select_n3A_1164 = arith.select %lt3A_1160, %add3A_1163, %xor3A_1157 : vector<16xi1>, vector<16xi32>
      %broadcast_in_dim3A_1165 = vector.shape_cast %select_n3A_1164 : vector<16xi32> to vector<16x1xi32>
      %gather3A_1166 = vector.shape_cast %broadcast_in_dim3A_1165 : vector<16x1xi32> to vector<16xi32>
      %gather3A_1167 = tpu.dynamic_gather %add3A_1154[%gather3A_1166] in [0] : vector<16xf32>, vector<16xi32> -> vector<16xf32>
      %add3A_1168 = arith.addf %add3A_1154, %gather3A_1167 : vector<16xf32>
      %eq3A_1169 = arith.constant 9 : i32
      %eq3A_1170 = vector.broadcast %eq3A_1169 : i32 to vector<16xi32>
      %eq3A_1171 = arith.cmpi eq, %iota3A, %eq3A_1170 : vector<16xi32>
      %select_n3A_1172 = arith.select %eq3A_1171, %add3A_1168, %select_n3A_1061 : vector<16xi1>, vector<16xf32>
      %mul3A_1173 = arith.constant 16 : i32
      %mul3A_1174 = arith.muli %scan3A_63, %mul3A_1173 : i32
      %add3A_1175 = arith.constant 10 : i32
      %add3A_1176 = arith.addi %mul3A_1174, %add3A_1175 : i32
      %get3A_1177 = arith.index_cast %add3A_1176 : i32 to index
      %get3A_1178 = arith.constant 0 : index
      %get3A_1179 = tpu.vector_load %arg5[%get3A_1177, %get3A_1178] {strides = array<i32>} : memref<384x128xf32, #tpu.memory_space<vmem>>, vector<1x16xf32>,
      %get3A_1180 = vector.shape_cast %get3A_1179 : vector<1x16xf32> to vector<16xf32>
      %mul3A_1181 = arith.mulf %get3A_1180, %get3A_36 : vector<16xf32>
      %get3A_1182 = arith.index_cast %add3A_1176 : i32 to index
      %get3A_1183 = arith.constant 16 : index
      %get3A_1184 = tpu.vector_load %arg5[%get3A_1182, %get3A_1183] {strides = array<i32>} : memref<384x128xf32, #tpu.memory_space<vmem>>, vector<1x16xf32>,
      %get3A_1185 = vector.shape_cast %get3A_1184 : vector<1x16xf32> to vector<16xf32>
      %mul3A_1186 = arith.mulf %get3A_1185, %get3A_39 : vector<16xf32>
      %add3A_1187 = arith.addf %mul3A_1181, %mul3A_1186 : vector<16xf32>
      %get3A_1188 = arith.index_cast %add3A_1176 : i32 to index
      %get3A_1189 = arith.constant 32 : index
      %get3A_1190 = tpu.vector_load %arg5[%get3A_1188, %get3A_1189] {strides = array<i32>} : memref<384x128xf32, #tpu.memory_space<vmem>>, vector<1x16xf32>,
      %get3A_1191 = vector.shape_cast %get3A_1190 : vector<1x16xf32> to vector<16xf32>
      %mul3A_1192 = arith.mulf %get3A_1191, %get3A_42 : vector<16xf32>
      %add3A_1193 = arith.addf %add3A_1187, %mul3A_1192 : vector<16xf32>
      %get3A_1194 = arith.index_cast %add3A_1176 : i32 to index
      %get3A_1195 = arith.constant 48 : index
      %get3A_1196 = tpu.vector_load %arg5[%get3A_1194, %get3A_1195] {strides = array<i32>} : memref<384x128xf32, #tpu.memory_space<vmem>>, vector<1x16xf32>,
      %get3A_1197 = vector.shape_cast %get3A_1196 : vector<1x16xf32> to vector<16xf32>
      %mul3A_1198 = arith.mulf %get3A_1197, %get3A_45 : vector<16xf32>
      %add3A_1199 = arith.addf %add3A_1193, %mul3A_1198 : vector<16xf32>
      %get3A_1200 = arith.index_cast %add3A_1176 : i32 to index
      %get3A_1201 = arith.constant 64 : index
      %get3A_1202 = tpu.vector_load %arg5[%get3A_1200, %get3A_1201] {strides = array<i32>} : memref<384x128xf32, #tpu.memory_space<vmem>>, vector<1x16xf32>,
      %get3A_1203 = vector.shape_cast %get3A_1202 : vector<1x16xf32> to vector<16xf32>
      %mul3A_1204 = arith.mulf %get3A_1203, %get3A_48 : vector<16xf32>
      %add3A_1205 = arith.addf %add3A_1199, %mul3A_1204 : vector<16xf32>
      %get3A_1206 = arith.index_cast %add3A_1176 : i32 to index
      %get3A_1207 = arith.constant 80 : index
      %get3A_1208 = tpu.vector_load %arg5[%get3A_1206, %get3A_1207] {strides = array<i32>} : memref<384x128xf32, #tpu.memory_space<vmem>>, vector<1x16xf32>,
      %get3A_1209 = vector.shape_cast %get3A_1208 : vector<1x16xf32> to vector<16xf32>
      %mul3A_1210 = arith.mulf %get3A_1209, %get3A_51 : vector<16xf32>
      %add3A_1211 = arith.addf %add3A_1205, %mul3A_1210 : vector<16xf32>
      %get3A_1212 = arith.index_cast %add3A_1176 : i32 to index
      %get3A_1213 = arith.constant 96 : index
      %get3A_1214 = tpu.vector_load %arg5[%get3A_1212, %get3A_1213] {strides = array<i32>} : memref<384x128xf32, #tpu.memory_space<vmem>>, vector<1x16xf32>,
      %get3A_1215 = vector.shape_cast %get3A_1214 : vector<1x16xf32> to vector<16xf32>
      %mul3A_1216 = arith.mulf %get3A_1215, %get3A_54 : vector<16xf32>
      %add3A_1217 = arith.addf %add3A_1211, %mul3A_1216 : vector<16xf32>
      %get3A_1218 = arith.index_cast %add3A_1176 : i32 to index
      %get3A_1219 = arith.constant 112 : index
      %get3A_1220 = tpu.vector_load %arg5[%get3A_1218, %get3A_1219] {strides = array<i32>} : memref<384x128xf32, #tpu.memory_space<vmem>>, vector<1x16xf32>,
      %get3A_1221 = vector.shape_cast %get3A_1220 : vector<1x16xf32> to vector<16xf32>
      %mul3A_1222 = arith.mulf %get3A_1221, %get3A_57 : vector<16xf32>
      %add3A_1223 = arith.addf %add3A_1217, %mul3A_1222 : vector<16xf32>
      %xor3A_1224 = arith.constant 1 : i32
      %xor3A_1225 = vector.broadcast %xor3A_1224 : i32 to vector<16xi32>
      %xor3A_1226 = arith.xori %iota3A, %xor3A_1225 : vector<16xi32>
      %lt3A_1227 = arith.constant 0 : i32
      %lt3A_1228 = vector.broadcast %lt3A_1227 : i32 to vector<16xi32>
      %lt3A_1229 = arith.cmpi slt, %xor3A_1226, %lt3A_1228 : vector<16xi32>
      %add3A_1230 = arith.constant 16 : i32
      %add3A_1231 = vector.broadcast %add3A_1230 : i32 to vector<16xi32>
      %add3A_1232 = arith.addi %xor3A_1226, %add3A_1231 : vector<16xi32>
      %select_n3A_1233 = arith.select %lt3A_1229, %add3A_1232, %xor3A_1226 : vector<16xi1>, vector<16xi32>
      %broadcast_in_dim3A_1234 = vector.shape_cast %select_n3A_1233 : vector<16xi32> to vector<16x1xi32>
      %gather3A_1235 = vector.shape_cast %broadcast_in_dim3A_1234 : vector<16x1xi32> to vector<16xi32>
      %gather3A_1236 = tpu.dynamic_gather %add3A_1223[%gather3A_1235] in [0] : vector<16xf32>, vector<16xi32> -> vector<16xf32>
      %add3A_1237 = arith.addf %add3A_1223, %gather3A_1236 : vector<16xf32>
      %xor3A_1238 = arith.constant 2 : i32
      %xor3A_1239 = vector.broadcast %xor3A_1238 : i32 to vector<16xi32>
      %xor3A_1240 = arith.xori %iota3A, %xor3A_1239 : vector<16xi32>
      %lt3A_1241 = arith.constant 0 : i32
      %lt3A_1242 = vector.broadcast %lt3A_1241 : i32 to vector<16xi32>
      %lt3A_1243 = arith.cmpi slt, %xor3A_1240, %lt3A_1242 : vector<16xi32>
      %add3A_1244 = arith.constant 16 : i32
      %add3A_1245 = vector.broadcast %add3A_1244 : i32 to vector<16xi32>
      %add3A_1246 = arith.addi %xor3A_1240, %add3A_1245 : vector<16xi32>
      %select_n3A_1247 = arith.select %lt3A_1243, %add3A_1246, %xor3A_1240 : vector<16xi1>, vector<16xi32>
      %broadcast_in_dim3A_1248 = vector.shape_cast %select_n3A_1247 : vector<16xi32> to vector<16x1xi32>
      %gather3A_1249 = vector.shape_cast %broadcast_in_dim3A_1248 : vector<16x1xi32> to vector<16xi32>
      %gather3A_1250 = tpu.dynamic_gather %add3A_1237[%gather3A_1249] in [0] : vector<16xf32>, vector<16xi32> -> vector<16xf32>
      %add3A_1251 = arith.addf %add3A_1237, %gather3A_1250 : vector<16xf32>
      %xor3A_1252 = arith.constant 4 : i32
      %xor3A_1253 = vector.broadcast %xor3A_1252 : i32 to vector<16xi32>
      %xor3A_1254 = arith.xori %iota3A, %xor3A_1253 : vector<16xi32>
      %lt3A_1255 = arith.constant 0 : i32
      %lt3A_1256 = vector.broadcast %lt3A_1255 : i32 to vector<16xi32>
      %lt3A_1257 = arith.cmpi slt, %xor3A_1254, %lt3A_1256 : vector<16xi32>
      %add3A_1258 = arith.constant 16 : i32
      %add3A_1259 = vector.broadcast %add3A_1258 : i32 to vector<16xi32>
      %add3A_1260 = arith.addi %xor3A_1254, %add3A_1259 : vector<16xi32>
      %select_n3A_1261 = arith.select %lt3A_1257, %add3A_1260, %xor3A_1254 : vector<16xi1>, vector<16xi32>
      %broadcast_in_dim3A_1262 = vector.shape_cast %select_n3A_1261 : vector<16xi32> to vector<16x1xi32>
      %gather3A_1263 = vector.shape_cast %broadcast_in_dim3A_1262 : vector<16x1xi32> to vector<16xi32>
      %gather3A_1264 = tpu.dynamic_gather %add3A_1251[%gather3A_1263] in [0] : vector<16xf32>, vector<16xi32> -> vector<16xf32>
      %add3A_1265 = arith.addf %add3A_1251, %gather3A_1264 : vector<16xf32>
      %xor3A_1266 = arith.constant 8 : i32
      %xor3A_1267 = vector.broadcast %xor3A_1266 : i32 to vector<16xi32>
      %xor3A_1268 = arith.xori %iota3A, %xor3A_1267 : vector<16xi32>
      %lt3A_1269 = arith.constant 0 : i32
      %lt3A_1270 = vector.broadcast %lt3A_1269 : i32 to vector<16xi32>
      %lt3A_1271 = arith.cmpi slt, %xor3A_1268, %lt3A_1270 : vector<16xi32>
      %add3A_1272 = arith.constant 16 : i32
      %add3A_1273 = vector.broadcast %add3A_1272 : i32 to vector<16xi32>
      %add3A_1274 = arith.addi %xor3A_1268, %add3A_1273 : vector<16xi32>
      %select_n3A_1275 = arith.select %lt3A_1271, %add3A_1274, %xor3A_1268 : vector<16xi1>, vector<16xi32>
      %broadcast_in_dim3A_1276 = vector.shape_cast %select_n3A_1275 : vector<16xi32> to vector<16x1xi32>
      %gather3A_1277 = vector.shape_cast %broadcast_in_dim3A_1276 : vector<16x1xi32> to vector<16xi32>
      %gather3A_1278 = tpu.dynamic_gather %add3A_1265[%gather3A_1277] in [0] : vector<16xf32>, vector<16xi32> -> vector<16xf32>
      %add3A_1279 = arith.addf %add3A_1265, %gather3A_1278 : vector<16xf32>
      %eq3A_1280 = arith.constant 10 : i32
      %eq3A_1281 = vector.broadcast %eq3A_1280 : i32 to vector<16xi32>
      %eq3A_1282 = arith.cmpi eq, %iota3A, %eq3A_1281 : vector<16xi32>
      %select_n3A_1283 = arith.select %eq3A_1282, %add3A_1279, %select_n3A_1172 : vector<16xi1>, vector<16xf32>
      %mul3A_1284 = arith.constant 16 : i32
      %mul3A_1285 = arith.muli %scan3A_63, %mul3A_1284 : i32
      %add3A_1286 = arith.constant 11 : i32
      %add3A_1287 = arith.addi %mul3A_1285, %add3A_1286 : i32
      %get3A_1288 = arith.index_cast %add3A_1287 : i32 to index
      %get3A_1289 = arith.constant 0 : index
      %get3A_1290 = tpu.vector_load %arg5[%get3A_1288, %get3A_1289] {strides = array<i32>} : memref<384x128xf32, #tpu.memory_space<vmem>>, vector<1x16xf32>,
      %get3A_1291 = vector.shape_cast %get3A_1290 : vector<1x16xf32> to vector<16xf32>
      %mul3A_1292 = arith.mulf %get3A_1291, %get3A_36 : vector<16xf32>
      %get3A_1293 = arith.index_cast %add3A_1287 : i32 to index
      %get3A_1294 = arith.constant 16 : index
      %get3A_1295 = tpu.vector_load %arg5[%get3A_1293, %get3A_1294] {strides = array<i32>} : memref<384x128xf32, #tpu.memory_space<vmem>>, vector<1x16xf32>,
      %get3A_1296 = vector.shape_cast %get3A_1295 : vector<1x16xf32> to vector<16xf32>
      %mul3A_1297 = arith.mulf %get3A_1296, %get3A_39 : vector<16xf32>
      %add3A_1298 = arith.addf %mul3A_1292, %mul3A_1297 : vector<16xf32>
      %get3A_1299 = arith.index_cast %add3A_1287 : i32 to index
      %get3A_1300 = arith.constant 32 : index
      %get3A_1301 = tpu.vector_load %arg5[%get3A_1299, %get3A_1300] {strides = array<i32>} : memref<384x128xf32, #tpu.memory_space<vmem>>, vector<1x16xf32>,
      %get3A_1302 = vector.shape_cast %get3A_1301 : vector<1x16xf32> to vector<16xf32>
      %mul3A_1303 = arith.mulf %get3A_1302, %get3A_42 : vector<16xf32>
      %add3A_1304 = arith.addf %add3A_1298, %mul3A_1303 : vector<16xf32>
      %get3A_1305 = arith.index_cast %add3A_1287 : i32 to index
      %get3A_1306 = arith.constant 48 : index
      %get3A_1307 = tpu.vector_load %arg5[%get3A_1305, %get3A_1306] {strides = array<i32>} : memref<384x128xf32, #tpu.memory_space<vmem>>, vector<1x16xf32>,
      %get3A_1308 = vector.shape_cast %get3A_1307 : vector<1x16xf32> to vector<16xf32>
      %mul3A_1309 = arith.mulf %get3A_1308, %get3A_45 : vector<16xf32>
      %add3A_1310 = arith.addf %add3A_1304, %mul3A_1309 : vector<16xf32>
      %get3A_1311 = arith.index_cast %add3A_1287 : i32 to index
      %get3A_1312 = arith.constant 64 : index
      %get3A_1313 = tpu.vector_load %arg5[%get3A_1311, %get3A_1312] {strides = array<i32>} : memref<384x128xf32, #tpu.memory_space<vmem>>, vector<1x16xf32>,
      %get3A_1314 = vector.shape_cast %get3A_1313 : vector<1x16xf32> to vector<16xf32>
      %mul3A_1315 = arith.mulf %get3A_1314, %get3A_48 : vector<16xf32>
      %add3A_1316 = arith.addf %add3A_1310, %mul3A_1315 : vector<16xf32>
      %get3A_1317 = arith.index_cast %add3A_1287 : i32 to index
      %get3A_1318 = arith.constant 80 : index
      %get3A_1319 = tpu.vector_load %arg5[%get3A_1317, %get3A_1318] {strides = array<i32>} : memref<384x128xf32, #tpu.memory_space<vmem>>, vector<1x16xf32>,
      %get3A_1320 = vector.shape_cast %get3A_1319 : vector<1x16xf32> to vector<16xf32>
      %mul3A_1321 = arith.mulf %get3A_1320, %get3A_51 : vector<16xf32>
      %add3A_1322 = arith.addf %add3A_1316, %mul3A_1321 : vector<16xf32>
      %get3A_1323 = arith.index_cast %add3A_1287 : i32 to index
      %get3A_1324 = arith.constant 96 : index
      %get3A_1325 = tpu.vector_load %arg5[%get3A_1323, %get3A_1324] {strides = array<i32>} : memref<384x128xf32, #tpu.memory_space<vmem>>, vector<1x16xf32>,
      %get3A_1326 = vector.shape_cast %get3A_1325 : vector<1x16xf32> to vector<16xf32>
      %mul3A_1327 = arith.mulf %get3A_1326, %get3A_54 : vector<16xf32>
      %add3A_1328 = arith.addf %add3A_1322, %mul3A_1327 : vector<16xf32>
      %get3A_1329 = arith.index_cast %add3A_1287 : i32 to index
      %get3A_1330 = arith.constant 112 : index
      %get3A_1331 = tpu.vector_load %arg5[%get3A_1329, %get3A_1330] {strides = array<i32>} : memref<384x128xf32, #tpu.memory_space<vmem>>, vector<1x16xf32>,
      %get3A_1332 = vector.shape_cast %get3A_1331 : vector<1x16xf32> to vector<16xf32>
      %mul3A_1333 = arith.mulf %get3A_1332, %get3A_57 : vector<16xf32>
      %add3A_1334 = arith.addf %add3A_1328, %mul3A_1333 : vector<16xf32>
      %xor3A_1335 = arith.constant 1 : i32
      %xor3A_1336 = vector.broadcast %xor3A_1335 : i32 to vector<16xi32>
      %xor3A_1337 = arith.xori %iota3A, %xor3A_1336 : vector<16xi32>
      %lt3A_1338 = arith.constant 0 : i32
      %lt3A_1339 = vector.broadcast %lt3A_1338 : i32 to vector<16xi32>
      %lt3A_1340 = arith.cmpi slt, %xor3A_1337, %lt3A_1339 : vector<16xi32>
      %add3A_1341 = arith.constant 16 : i32
      %add3A_1342 = vector.broadcast %add3A_1341 : i32 to vector<16xi32>
      %add3A_1343 = arith.addi %xor3A_1337, %add3A_1342 : vector<16xi32>
      %select_n3A_1344 = arith.select %lt3A_1340, %add3A_1343, %xor3A_1337 : vector<16xi1>, vector<16xi32>
      %broadcast_in_dim3A_1345 = vector.shape_cast %select_n3A_1344 : vector<16xi32> to vector<16x1xi32>
      %gather3A_1346 = vector.shape_cast %broadcast_in_dim3A_1345 : vector<16x1xi32> to vector<16xi32>
      %gather3A_1347 = tpu.dynamic_gather %add3A_1334[%gather3A_1346] in [0] : vector<16xf32>, vector<16xi32> -> vector<16xf32>
      %add3A_1348 = arith.addf %add3A_1334, %gather3A_1347 : vector<16xf32>
      %xor3A_1349 = arith.constant 2 : i32
      %xor3A_1350 = vector.broadcast %xor3A_1349 : i32 to vector<16xi32>
      %xor3A_1351 = arith.xori %iota3A, %xor3A_1350 : vector<16xi32>
      %lt3A_1352 = arith.constant 0 : i32
      %lt3A_1353 = vector.broadcast %lt3A_1352 : i32 to vector<16xi32>
      %lt3A_1354 = arith.cmpi slt, %xor3A_1351, %lt3A_1353 : vector<16xi32>
      %add3A_1355 = arith.constant 16 : i32
      %add3A_1356 = vector.broadcast %add3A_1355 : i32 to vector<16xi32>
      %add3A_1357 = arith.addi %xor3A_1351, %add3A_1356 : vector<16xi32>
      %select_n3A_1358 = arith.select %lt3A_1354, %add3A_1357, %xor3A_1351 : vector<16xi1>, vector<16xi32>
      %broadcast_in_dim3A_1359 = vector.shape_cast %select_n3A_1358 : vector<16xi32> to vector<16x1xi32>
      %gather3A_1360 = vector.shape_cast %broadcast_in_dim3A_1359 : vector<16x1xi32> to vector<16xi32>
      %gather3A_1361 = tpu.dynamic_gather %add3A_1348[%gather3A_1360] in [0] : vector<16xf32>, vector<16xi32> -> vector<16xf32>
      %add3A_1362 = arith.addf %add3A_1348, %gather3A_1361 : vector<16xf32>
      %xor3A_1363 = arith.constant 4 : i32
      %xor3A_1364 = vector.broadcast %xor3A_1363 : i32 to vector<16xi32>
      %xor3A_1365 = arith.xori %iota3A, %xor3A_1364 : vector<16xi32>
      %lt3A_1366 = arith.constant 0 : i32
      %lt3A_1367 = vector.broadcast %lt3A_1366 : i32 to vector<16xi32>
      %lt3A_1368 = arith.cmpi slt, %xor3A_1365, %lt3A_1367 : vector<16xi32>
      %add3A_1369 = arith.constant 16 : i32
      %add3A_1370 = vector.broadcast %add3A_1369 : i32 to vector<16xi32>
      %add3A_1371 = arith.addi %xor3A_1365, %add3A_1370 : vector<16xi32>
      %select_n3A_1372 = arith.select %lt3A_1368, %add3A_1371, %xor3A_1365 : vector<16xi1>, vector<16xi32>
      %broadcast_in_dim3A_1373 = vector.shape_cast %select_n3A_1372 : vector<16xi32> to vector<16x1xi32>
      %gather3A_1374 = vector.shape_cast %broadcast_in_dim3A_1373 : vector<16x1xi32> to vector<16xi32>
      %gather3A_1375 = tpu.dynamic_gather %add3A_1362[%gather3A_1374] in [0] : vector<16xf32>, vector<16xi32> -> vector<16xf32>
      %add3A_1376 = arith.addf %add3A_1362, %gather3A_1375 : vector<16xf32>
      %xor3A_1377 = arith.constant 8 : i32
      %xor3A_1378 = vector.broadcast %xor3A_1377 : i32 to vector<16xi32>
      %xor3A_1379 = arith.xori %iota3A, %xor3A_1378 : vector<16xi32>
      %lt3A_1380 = arith.constant 0 : i32
      %lt3A_1381 = vector.broadcast %lt3A_1380 : i32 to vector<16xi32>
      %lt3A_1382 = arith.cmpi slt, %xor3A_1379, %lt3A_1381 : vector<16xi32>
      %add3A_1383 = arith.constant 16 : i32
      %add3A_1384 = vector.broadcast %add3A_1383 : i32 to vector<16xi32>
      %add3A_1385 = arith.addi %xor3A_1379, %add3A_1384 : vector<16xi32>
      %select_n3A_1386 = arith.select %lt3A_1382, %add3A_1385, %xor3A_1379 : vector<16xi1>, vector<16xi32>
      %broadcast_in_dim3A_1387 = vector.shape_cast %select_n3A_1386 : vector<16xi32> to vector<16x1xi32>
      %gather3A_1388 = vector.shape_cast %broadcast_in_dim3A_1387 : vector<16x1xi32> to vector<16xi32>
      %gather3A_1389 = tpu.dynamic_gather %add3A_1376[%gather3A_1388] in [0] : vector<16xf32>, vector<16xi32> -> vector<16xf32>
      %add3A_1390 = arith.addf %add3A_1376, %gather3A_1389 : vector<16xf32>
      %eq3A_1391 = arith.constant 11 : i32
      %eq3A_1392 = vector.broadcast %eq3A_1391 : i32 to vector<16xi32>
      %eq3A_1393 = arith.cmpi eq, %iota3A, %eq3A_1392 : vector<16xi32>
      %select_n3A_1394 = arith.select %eq3A_1393, %add3A_1390, %select_n3A_1283 : vector<16xi1>, vector<16xf32>
      %mul3A_1395 = arith.constant 16 : i32
      %mul3A_1396 = arith.muli %scan3A_63, %mul3A_1395 : i32
      %add3A_1397 = arith.constant 12 : i32
      %add3A_1398 = arith.addi %mul3A_1396, %add3A_1397 : i32
      %get3A_1399 = arith.index_cast %add3A_1398 : i32 to index
      %get3A_1400 = arith.constant 0 : index
      %get3A_1401 = tpu.vector_load %arg5[%get3A_1399, %get3A_1400] {strides = array<i32>} : memref<384x128xf32, #tpu.memory_space<vmem>>, vector<1x16xf32>,
      %get3A_1402 = vector.shape_cast %get3A_1401 : vector<1x16xf32> to vector<16xf32>
      %mul3A_1403 = arith.mulf %get3A_1402, %get3A_36 : vector<16xf32>
      %get3A_1404 = arith.index_cast %add3A_1398 : i32 to index
      %get3A_1405 = arith.constant 16 : index
      %get3A_1406 = tpu.vector_load %arg5[%get3A_1404, %get3A_1405] {strides = array<i32>} : memref<384x128xf32, #tpu.memory_space<vmem>>, vector<1x16xf32>,
      %get3A_1407 = vector.shape_cast %get3A_1406 : vector<1x16xf32> to vector<16xf32>
      %mul3A_1408 = arith.mulf %get3A_1407, %get3A_39 : vector<16xf32>
      %add3A_1409 = arith.addf %mul3A_1403, %mul3A_1408 : vector<16xf32>
      %get3A_1410 = arith.index_cast %add3A_1398 : i32 to index
      %get3A_1411 = arith.constant 32 : index
      %get3A_1412 = tpu.vector_load %arg5[%get3A_1410, %get3A_1411] {strides = array<i32>} : memref<384x128xf32, #tpu.memory_space<vmem>>, vector<1x16xf32>,
      %get3A_1413 = vector.shape_cast %get3A_1412 : vector<1x16xf32> to vector<16xf32>
      %mul3A_1414 = arith.mulf %get3A_1413, %get3A_42 : vector<16xf32>
      %add3A_1415 = arith.addf %add3A_1409, %mul3A_1414 : vector<16xf32>
      %get3A_1416 = arith.index_cast %add3A_1398 : i32 to index
      %get3A_1417 = arith.constant 48 : index
      %get3A_1418 = tpu.vector_load %arg5[%get3A_1416, %get3A_1417] {strides = array<i32>} : memref<384x128xf32, #tpu.memory_space<vmem>>, vector<1x16xf32>,
      %get3A_1419 = vector.shape_cast %get3A_1418 : vector<1x16xf32> to vector<16xf32>
      %mul3A_1420 = arith.mulf %get3A_1419, %get3A_45 : vector<16xf32>
      %add3A_1421 = arith.addf %add3A_1415, %mul3A_1420 : vector<16xf32>
      %get3A_1422 = arith.index_cast %add3A_1398 : i32 to index
      %get3A_1423 = arith.constant 64 : index
      %get3A_1424 = tpu.vector_load %arg5[%get3A_1422, %get3A_1423] {strides = array<i32>} : memref<384x128xf32, #tpu.memory_space<vmem>>, vector<1x16xf32>,
      %get3A_1425 = vector.shape_cast %get3A_1424 : vector<1x16xf32> to vector<16xf32>
      %mul3A_1426 = arith.mulf %get3A_1425, %get3A_48 : vector<16xf32>
      %add3A_1427 = arith.addf %add3A_1421, %mul3A_1426 : vector<16xf32>
      %get3A_1428 = arith.index_cast %add3A_1398 : i32 to index
      %get3A_1429 = arith.constant 80 : index
      %get3A_1430 = tpu.vector_load %arg5[%get3A_1428, %get3A_1429] {strides = array<i32>} : memref<384x128xf32, #tpu.memory_space<vmem>>, vector<1x16xf32>,
      %get3A_1431 = vector.shape_cast %get3A_1430 : vector<1x16xf32> to vector<16xf32>
      %mul3A_1432 = arith.mulf %get3A_1431, %get3A_51 : vector<16xf32>
      %add3A_1433 = arith.addf %add3A_1427, %mul3A_1432 : vector<16xf32>
      %get3A_1434 = arith.index_cast %add3A_1398 : i32 to index
      %get3A_1435 = arith.constant 96 : index
      %get3A_1436 = tpu.vector_load %arg5[%get3A_1434, %get3A_1435] {strides = array<i32>} : memref<384x128xf32, #tpu.memory_space<vmem>>, vector<1x16xf32>,
      %get3A_1437 = vector.shape_cast %get3A_1436 : vector<1x16xf32> to vector<16xf32>
      %mul3A_1438 = arith.mulf %get3A_1437, %get3A_54 : vector<16xf32>
      %add3A_1439 = arith.addf %add3A_1433, %mul3A_1438 : vector<16xf32>
      %get3A_1440 = arith.index_cast %add3A_1398 : i32 to index
      %get3A_1441 = arith.constant 112 : index
      %get3A_1442 = tpu.vector_load %arg5[%get3A_1440, %get3A_1441] {strides = array<i32>} : memref<384x128xf32, #tpu.memory_space<vmem>>, vector<1x16xf32>,
      %get3A_1443 = vector.shape_cast %get3A_1442 : vector<1x16xf32> to vector<16xf32>
      %mul3A_1444 = arith.mulf %get3A_1443, %get3A_57 : vector<16xf32>
      %add3A_1445 = arith.addf %add3A_1439, %mul3A_1444 : vector<16xf32>
      %xor3A_1446 = arith.constant 1 : i32
      %xor3A_1447 = vector.broadcast %xor3A_1446 : i32 to vector<16xi32>
      %xor3A_1448 = arith.xori %iota3A, %xor3A_1447 : vector<16xi32>
      %lt3A_1449 = arith.constant 0 : i32
      %lt3A_1450 = vector.broadcast %lt3A_1449 : i32 to vector<16xi32>
      %lt3A_1451 = arith.cmpi slt, %xor3A_1448, %lt3A_1450 : vector<16xi32>
      %add3A_1452 = arith.constant 16 : i32
      %add3A_1453 = vector.broadcast %add3A_1452 : i32 to vector<16xi32>
      %add3A_1454 = arith.addi %xor3A_1448, %add3A_1453 : vector<16xi32>
      %select_n3A_1455 = arith.select %lt3A_1451, %add3A_1454, %xor3A_1448 : vector<16xi1>, vector<16xi32>
      %broadcast_in_dim3A_1456 = vector.shape_cast %select_n3A_1455 : vector<16xi32> to vector<16x1xi32>
      %gather3A_1457 = vector.shape_cast %broadcast_in_dim3A_1456 : vector<16x1xi32> to vector<16xi32>
      %gather3A_1458 = tpu.dynamic_gather %add3A_1445[%gather3A_1457] in [0] : vector<16xf32>, vector<16xi32> -> vector<16xf32>
      %add3A_1459 = arith.addf %add3A_1445, %gather3A_1458 : vector<16xf32>
      %xor3A_1460 = arith.constant 2 : i32
      %xor3A_1461 = vector.broadcast %xor3A_1460 : i32 to vector<16xi32>
      %xor3A_1462 = arith.xori %iota3A, %xor3A_1461 : vector<16xi32>
      %lt3A_1463 = arith.constant 0 : i32
      %lt3A_1464 = vector.broadcast %lt3A_1463 : i32 to vector<16xi32>
      %lt3A_1465 = arith.cmpi slt, %xor3A_1462, %lt3A_1464 : vector<16xi32>
      %add3A_1466 = arith.constant 16 : i32
      %add3A_1467 = vector.broadcast %add3A_1466 : i32 to vector<16xi32>
      %add3A_1468 = arith.addi %xor3A_1462, %add3A_1467 : vector<16xi32>
      %select_n3A_1469 = arith.select %lt3A_1465, %add3A_1468, %xor3A_1462 : vector<16xi1>, vector<16xi32>
      %broadcast_in_dim3A_1470 = vector.shape_cast %select_n3A_1469 : vector<16xi32> to vector<16x1xi32>
      %gather3A_1471 = vector.shape_cast %broadcast_in_dim3A_1470 : vector<16x1xi32> to vector<16xi32>
      %gather3A_1472 = tpu.dynamic_gather %add3A_1459[%gather3A_1471] in [0] : vector<16xf32>, vector<16xi32> -> vector<16xf32>
      %add3A_1473 = arith.addf %add3A_1459, %gather3A_1472 : vector<16xf32>
      %xor3A_1474 = arith.constant 4 : i32
      %xor3A_1475 = vector.broadcast %xor3A_1474 : i32 to vector<16xi32>
      %xor3A_1476 = arith.xori %iota3A, %xor3A_1475 : vector<16xi32>
      %lt3A_1477 = arith.constant 0 : i32
      %lt3A_1478 = vector.broadcast %lt3A_1477 : i32 to vector<16xi32>
      %lt3A_1479 = arith.cmpi slt, %xor3A_1476, %lt3A_1478 : vector<16xi32>
      %add3A_1480 = arith.constant 16 : i32
      %add3A_1481 = vector.broadcast %add3A_1480 : i32 to vector<16xi32>
      %add3A_1482 = arith.addi %xor3A_1476, %add3A_1481 : vector<16xi32>
      %select_n3A_1483 = arith.select %lt3A_1479, %add3A_1482, %xor3A_1476 : vector<16xi1>, vector<16xi32>
      %broadcast_in_dim3A_1484 = vector.shape_cast %select_n3A_1483 : vector<16xi32> to vector<16x1xi32>
      %gather3A_1485 = vector.shape_cast %broadcast_in_dim3A_1484 : vector<16x1xi32> to vector<16xi32>
      %gather3A_1486 = tpu.dynamic_gather %add3A_1473[%gather3A_1485] in [0] : vector<16xf32>, vector<16xi32> -> vector<16xf32>
      %add3A_1487 = arith.addf %add3A_1473, %gather3A_1486 : vector<16xf32>
      %xor3A_1488 = arith.constant 8 : i32
      %xor3A_1489 = vector.broadcast %xor3A_1488 : i32 to vector<16xi32>
      %xor3A_1490 = arith.xori %iota3A, %xor3A_1489 : vector<16xi32>
      %lt3A_1491 = arith.constant 0 : i32
      %lt3A_1492 = vector.broadcast %lt3A_1491 : i32 to vector<16xi32>
      %lt3A_1493 = arith.cmpi slt, %xor3A_1490, %lt3A_1492 : vector<16xi32>
      %add3A_1494 = arith.constant 16 : i32
      %add3A_1495 = vector.broadcast %add3A_1494 : i32 to vector<16xi32>
      %add3A_1496 = arith.addi %xor3A_1490, %add3A_1495 : vector<16xi32>
      %select_n3A_1497 = arith.select %lt3A_1493, %add3A_1496, %xor3A_1490 : vector<16xi1>, vector<16xi32>
      %broadcast_in_dim3A_1498 = vector.shape_cast %select_n3A_1497 : vector<16xi32> to vector<16x1xi32>
      %gather3A_1499 = vector.shape_cast %broadcast_in_dim3A_1498 : vector<16x1xi32> to vector<16xi32>
      %gather3A_1500 = tpu.dynamic_gather %add3A_1487[%gather3A_1499] in [0] : vector<16xf32>, vector<16xi32> -> vector<16xf32>
      %add3A_1501 = arith.addf %add3A_1487, %gather3A_1500 : vector<16xf32>
      %eq3A_1502 = arith.constant 12 : i32
      %eq3A_1503 = vector.broadcast %eq3A_1502 : i32 to vector<16xi32>
      %eq3A_1504 = arith.cmpi eq, %iota3A, %eq3A_1503 : vector<16xi32>
      %select_n3A_1505 = arith.select %eq3A_1504, %add3A_1501, %select_n3A_1394 : vector<16xi1>, vector<16xf32>
      %mul3A_1506 = arith.constant 16 : i32
      %mul3A_1507 = arith.muli %scan3A_63, %mul3A_1506 : i32
      %add3A_1508 = arith.constant 13 : i32
      %add3A_1509 = arith.addi %mul3A_1507, %add3A_1508 : i32
      %get3A_1510 = arith.index_cast %add3A_1509 : i32 to index
      %get3A_1511 = arith.constant 0 : index
      %get3A_1512 = tpu.vector_load %arg5[%get3A_1510, %get3A_1511] {strides = array<i32>} : memref<384x128xf32, #tpu.memory_space<vmem>>, vector<1x16xf32>,
      %get3A_1513 = vector.shape_cast %get3A_1512 : vector<1x16xf32> to vector<16xf32>
      %mul3A_1514 = arith.mulf %get3A_1513, %get3A_36 : vector<16xf32>
      %get3A_1515 = arith.index_cast %add3A_1509 : i32 to index
      %get3A_1516 = arith.constant 16 : index
      %get3A_1517 = tpu.vector_load %arg5[%get3A_1515, %get3A_1516] {strides = array<i32>} : memref<384x128xf32, #tpu.memory_space<vmem>>, vector<1x16xf32>,
      %get3A_1518 = vector.shape_cast %get3A_1517 : vector<1x16xf32> to vector<16xf32>
      %mul3A_1519 = arith.mulf %get3A_1518, %get3A_39 : vector<16xf32>
      %add3A_1520 = arith.addf %mul3A_1514, %mul3A_1519 : vector<16xf32>
      %get3A_1521 = arith.index_cast %add3A_1509 : i32 to index
      %get3A_1522 = arith.constant 32 : index
      %get3A_1523 = tpu.vector_load %arg5[%get3A_1521, %get3A_1522] {strides = array<i32>} : memref<384x128xf32, #tpu.memory_space<vmem>>, vector<1x16xf32>,
      %get3A_1524 = vector.shape_cast %get3A_1523 : vector<1x16xf32> to vector<16xf32>
      %mul3A_1525 = arith.mulf %get3A_1524, %get3A_42 : vector<16xf32>
      %add3A_1526 = arith.addf %add3A_1520, %mul3A_1525 : vector<16xf32>
      %get3A_1527 = arith.index_cast %add3A_1509 : i32 to index
      %get3A_1528 = arith.constant 48 : index
      %get3A_1529 = tpu.vector_load %arg5[%get3A_1527, %get3A_1528] {strides = array<i32>} : memref<384x128xf32, #tpu.memory_space<vmem>>, vector<1x16xf32>,
      %get3A_1530 = vector.shape_cast %get3A_1529 : vector<1x16xf32> to vector<16xf32>
      %mul3A_1531 = arith.mulf %get3A_1530, %get3A_45 : vector<16xf32>
      %add3A_1532 = arith.addf %add3A_1526, %mul3A_1531 : vector<16xf32>
      %get3A_1533 = arith.index_cast %add3A_1509 : i32 to index
      %get3A_1534 = arith.constant 64 : index
      %get3A_1535 = tpu.vector_load %arg5[%get3A_1533, %get3A_1534] {strides = array<i32>} : memref<384x128xf32, #tpu.memory_space<vmem>>, vector<1x16xf32>,
      %get3A_1536 = vector.shape_cast %get3A_1535 : vector<1x16xf32> to vector<16xf32>
      %mul3A_1537 = arith.mulf %get3A_1536, %get3A_48 : vector<16xf32>
      %add3A_1538 = arith.addf %add3A_1532, %mul3A_1537 : vector<16xf32>
      %get3A_1539 = arith.index_cast %add3A_1509 : i32 to index
      %get3A_1540 = arith.constant 80 : index
      %get3A_1541 = tpu.vector_load %arg5[%get3A_1539, %get3A_1540] {strides = array<i32>} : memref<384x128xf32, #tpu.memory_space<vmem>>, vector<1x16xf32>,
      %get3A_1542 = vector.shape_cast %get3A_1541 : vector<1x16xf32> to vector<16xf32>
      %mul3A_1543 = arith.mulf %get3A_1542, %get3A_51 : vector<16xf32>
      %add3A_1544 = arith.addf %add3A_1538, %mul3A_1543 : vector<16xf32>
      %get3A_1545 = arith.index_cast %add3A_1509 : i32 to index
      %get3A_1546 = arith.constant 96 : index
      %get3A_1547 = tpu.vector_load %arg5[%get3A_1545, %get3A_1546] {strides = array<i32>} : memref<384x128xf32, #tpu.memory_space<vmem>>, vector<1x16xf32>,
      %get3A_1548 = vector.shape_cast %get3A_1547 : vector<1x16xf32> to vector<16xf32>
      %mul3A_1549 = arith.mulf %get3A_1548, %get3A_54 : vector<16xf32>
      %add3A_1550 = arith.addf %add3A_1544, %mul3A_1549 : vector<16xf32>
      %get3A_1551 = arith.index_cast %add3A_1509 : i32 to index
      %get3A_1552 = arith.constant 112 : index
      %get3A_1553 = tpu.vector_load %arg5[%get3A_1551, %get3A_1552] {strides = array<i32>} : memref<384x128xf32, #tpu.memory_space<vmem>>, vector<1x16xf32>,
      %get3A_1554 = vector.shape_cast %get3A_1553 : vector<1x16xf32> to vector<16xf32>
      %mul3A_1555 = arith.mulf %get3A_1554, %get3A_57 : vector<16xf32>
      %add3A_1556 = arith.addf %add3A_1550, %mul3A_1555 : vector<16xf32>
      %xor3A_1557 = arith.constant 1 : i32
      %xor3A_1558 = vector.broadcast %xor3A_1557 : i32 to vector<16xi32>
      %xor3A_1559 = arith.xori %iota3A, %xor3A_1558 : vector<16xi32>
      %lt3A_1560 = arith.constant 0 : i32
      %lt3A_1561 = vector.broadcast %lt3A_1560 : i32 to vector<16xi32>
      %lt3A_1562 = arith.cmpi slt, %xor3A_1559, %lt3A_1561 : vector<16xi32>
      %add3A_1563 = arith.constant 16 : i32
      %add3A_1564 = vector.broadcast %add3A_1563 : i32 to vector<16xi32>
      %add3A_1565 = arith.addi %xor3A_1559, %add3A_1564 : vector<16xi32>
      %select_n3A_1566 = arith.select %lt3A_1562, %add3A_1565, %xor3A_1559 : vector<16xi1>, vector<16xi32>
      %broadcast_in_dim3A_1567 = vector.shape_cast %select_n3A_1566 : vector<16xi32> to vector<16x1xi32>
      %gather3A_1568 = vector.shape_cast %broadcast_in_dim3A_1567 : vector<16x1xi32> to vector<16xi32>
      %gather3A_1569 = tpu.dynamic_gather %add3A_1556[%gather3A_1568] in [0] : vector<16xf32>, vector<16xi32> -> vector<16xf32>
      %add3A_1570 = arith.addf %add3A_1556, %gather3A_1569 : vector<16xf32>
      %xor3A_1571 = arith.constant 2 : i32
      %xor3A_1572 = vector.broadcast %xor3A_1571 : i32 to vector<16xi32>
      %xor3A_1573 = arith.xori %iota3A, %xor3A_1572 : vector<16xi32>
      %lt3A_1574 = arith.constant 0 : i32
      %lt3A_1575 = vector.broadcast %lt3A_1574 : i32 to vector<16xi32>
      %lt3A_1576 = arith.cmpi slt, %xor3A_1573, %lt3A_1575 : vector<16xi32>
      %add3A_1577 = arith.constant 16 : i32
      %add3A_1578 = vector.broadcast %add3A_1577 : i32 to vector<16xi32>
      %add3A_1579 = arith.addi %xor3A_1573, %add3A_1578 : vector<16xi32>
      %select_n3A_1580 = arith.select %lt3A_1576, %add3A_1579, %xor3A_1573 : vector<16xi1>, vector<16xi32>
      %broadcast_in_dim3A_1581 = vector.shape_cast %select_n3A_1580 : vector<16xi32> to vector<16x1xi32>
      %gather3A_1582 = vector.shape_cast %broadcast_in_dim3A_1581 : vector<16x1xi32> to vector<16xi32>
      %gather3A_1583 = tpu.dynamic_gather %add3A_1570[%gather3A_1582] in [0] : vector<16xf32>, vector<16xi32> -> vector<16xf32>
      %add3A_1584 = arith.addf %add3A_1570, %gather3A_1583 : vector<16xf32>
      %xor3A_1585 = arith.constant 4 : i32
      %xor3A_1586 = vector.broadcast %xor3A_1585 : i32 to vector<16xi32>
      %xor3A_1587 = arith.xori %iota3A, %xor3A_1586 : vector<16xi32>
      %lt3A_1588 = arith.constant 0 : i32
      %lt3A_1589 = vector.broadcast %lt3A_1588 : i32 to vector<16xi32>
      %lt3A_1590 = arith.cmpi slt, %xor3A_1587, %lt3A_1589 : vector<16xi32>
      %add3A_1591 = arith.constant 16 : i32
      %add3A_1592 = vector.broadcast %add3A_1591 : i32 to vector<16xi32>
      %add3A_1593 = arith.addi %xor3A_1587, %add3A_1592 : vector<16xi32>
      %select_n3A_1594 = arith.select %lt3A_1590, %add3A_1593, %xor3A_1587 : vector<16xi1>, vector<16xi32>
      %broadcast_in_dim3A_1595 = vector.shape_cast %select_n3A_1594 : vector<16xi32> to vector<16x1xi32>
      %gather3A_1596 = vector.shape_cast %broadcast_in_dim3A_1595 : vector<16x1xi32> to vector<16xi32>
      %gather3A_1597 = tpu.dynamic_gather %add3A_1584[%gather3A_1596] in [0] : vector<16xf32>, vector<16xi32> -> vector<16xf32>
      %add3A_1598 = arith.addf %add3A_1584, %gather3A_1597 : vector<16xf32>
      %xor3A_1599 = arith.constant 8 : i32
      %xor3A_1600 = vector.broadcast %xor3A_1599 : i32 to vector<16xi32>
      %xor3A_1601 = arith.xori %iota3A, %xor3A_1600 : vector<16xi32>
      %lt3A_1602 = arith.constant 0 : i32
      %lt3A_1603 = vector.broadcast %lt3A_1602 : i32 to vector<16xi32>
      %lt3A_1604 = arith.cmpi slt, %xor3A_1601, %lt3A_1603 : vector<16xi32>
      %add3A_1605 = arith.constant 16 : i32
      %add3A_1606 = vector.broadcast %add3A_1605 : i32 to vector<16xi32>
      %add3A_1607 = arith.addi %xor3A_1601, %add3A_1606 : vector<16xi32>
      %select_n3A_1608 = arith.select %lt3A_1604, %add3A_1607, %xor3A_1601 : vector<16xi1>, vector<16xi32>
      %broadcast_in_dim3A_1609 = vector.shape_cast %select_n3A_1608 : vector<16xi32> to vector<16x1xi32>
      %gather3A_1610 = vector.shape_cast %broadcast_in_dim3A_1609 : vector<16x1xi32> to vector<16xi32>
      %gather3A_1611 = tpu.dynamic_gather %add3A_1598[%gather3A_1610] in [0] : vector<16xf32>, vector<16xi32> -> vector<16xf32>
      %add3A_1612 = arith.addf %add3A_1598, %gather3A_1611 : vector<16xf32>
      %eq3A_1613 = arith.constant 13 : i32
      %eq3A_1614 = vector.broadcast %eq3A_1613 : i32 to vector<16xi32>
      %eq3A_1615 = arith.cmpi eq, %iota3A, %eq3A_1614 : vector<16xi32>
      %select_n3A_1616 = arith.select %eq3A_1615, %add3A_1612, %select_n3A_1505 : vector<16xi1>, vector<16xf32>
      %mul3A_1617 = arith.constant 16 : i32
      %mul3A_1618 = arith.muli %scan3A_63, %mul3A_1617 : i32
      %add3A_1619 = arith.constant 14 : i32
      %add3A_1620 = arith.addi %mul3A_1618, %add3A_1619 : i32
      %get3A_1621 = arith.index_cast %add3A_1620 : i32 to index
      %get3A_1622 = arith.constant 0 : index
      %get3A_1623 = tpu.vector_load %arg5[%get3A_1621, %get3A_1622] {strides = array<i32>} : memref<384x128xf32, #tpu.memory_space<vmem>>, vector<1x16xf32>,
      %get3A_1624 = vector.shape_cast %get3A_1623 : vector<1x16xf32> to vector<16xf32>
      %mul3A_1625 = arith.mulf %get3A_1624, %get3A_36 : vector<16xf32>
      %get3A_1626 = arith.index_cast %add3A_1620 : i32 to index
      %get3A_1627 = arith.constant 16 : index
      %get3A_1628 = tpu.vector_load %arg5[%get3A_1626, %get3A_1627] {strides = array<i32>} : memref<384x128xf32, #tpu.memory_space<vmem>>, vector<1x16xf32>,
      %get3A_1629 = vector.shape_cast %get3A_1628 : vector<1x16xf32> to vector<16xf32>
      %mul3A_1630 = arith.mulf %get3A_1629, %get3A_39 : vector<16xf32>
      %add3A_1631 = arith.addf %mul3A_1625, %mul3A_1630 : vector<16xf32>
      %get3A_1632 = arith.index_cast %add3A_1620 : i32 to index
      %get3A_1633 = arith.constant 32 : index
      %get3A_1634 = tpu.vector_load %arg5[%get3A_1632, %get3A_1633] {strides = array<i32>} : memref<384x128xf32, #tpu.memory_space<vmem>>, vector<1x16xf32>,
      %get3A_1635 = vector.shape_cast %get3A_1634 : vector<1x16xf32> to vector<16xf32>
      %mul3A_1636 = arith.mulf %get3A_1635, %get3A_42 : vector<16xf32>
      %add3A_1637 = arith.addf %add3A_1631, %mul3A_1636 : vector<16xf32>
      %get3A_1638 = arith.index_cast %add3A_1620 : i32 to index
      %get3A_1639 = arith.constant 48 : index
      %get3A_1640 = tpu.vector_load %arg5[%get3A_1638, %get3A_1639] {strides = array<i32>} : memref<384x128xf32, #tpu.memory_space<vmem>>, vector<1x16xf32>,
      %get3A_1641 = vector.shape_cast %get3A_1640 : vector<1x16xf32> to vector<16xf32>
      %mul3A_1642 = arith.mulf %get3A_1641, %get3A_45 : vector<16xf32>
      %add3A_1643 = arith.addf %add3A_1637, %mul3A_1642 : vector<16xf32>
      %get3A_1644 = arith.index_cast %add3A_1620 : i32 to index
      %get3A_1645 = arith.constant 64 : index
      %get3A_1646 = tpu.vector_load %arg5[%get3A_1644, %get3A_1645] {strides = array<i32>} : memref<384x128xf32, #tpu.memory_space<vmem>>, vector<1x16xf32>,
      %get3A_1647 = vector.shape_cast %get3A_1646 : vector<1x16xf32> to vector<16xf32>
      %mul3A_1648 = arith.mulf %get3A_1647, %get3A_48 : vector<16xf32>
      %add3A_1649 = arith.addf %add3A_1643, %mul3A_1648 : vector<16xf32>
      %get3A_1650 = arith.index_cast %add3A_1620 : i32 to index
      %get3A_1651 = arith.constant 80 : index
      %get3A_1652 = tpu.vector_load %arg5[%get3A_1650, %get3A_1651] {strides = array<i32>} : memref<384x128xf32, #tpu.memory_space<vmem>>, vector<1x16xf32>,
      %get3A_1653 = vector.shape_cast %get3A_1652 : vector<1x16xf32> to vector<16xf32>
      %mul3A_1654 = arith.mulf %get3A_1653, %get3A_51 : vector<16xf32>
      %add3A_1655 = arith.addf %add3A_1649, %mul3A_1654 : vector<16xf32>
      %get3A_1656 = arith.index_cast %add3A_1620 : i32 to index
      %get3A_1657 = arith.constant 96 : index
      %get3A_1658 = tpu.vector_load %arg5[%get3A_1656, %get3A_1657] {strides = array<i32>} : memref<384x128xf32, #tpu.memory_space<vmem>>, vector<1x16xf32>,
      %get3A_1659 = vector.shape_cast %get3A_1658 : vector<1x16xf32> to vector<16xf32>
      %mul3A_1660 = arith.mulf %get3A_1659, %get3A_54 : vector<16xf32>
      %add3A_1661 = arith.addf %add3A_1655, %mul3A_1660 : vector<16xf32>
      %get3A_1662 = arith.index_cast %add3A_1620 : i32 to index
      %get3A_1663 = arith.constant 112 : index
      %get3A_1664 = tpu.vector_load %arg5[%get3A_1662, %get3A_1663] {strides = array<i32>} : memref<384x128xf32, #tpu.memory_space<vmem>>, vector<1x16xf32>,
      %get3A_1665 = vector.shape_cast %get3A_1664 : vector<1x16xf32> to vector<16xf32>
      %mul3A_1666 = arith.mulf %get3A_1665, %get3A_57 : vector<16xf32>
      %add3A_1667 = arith.addf %add3A_1661, %mul3A_1666 : vector<16xf32>
      %xor3A_1668 = arith.constant 1 : i32
      %xor3A_1669 = vector.broadcast %xor3A_1668 : i32 to vector<16xi32>
      %xor3A_1670 = arith.xori %iota3A, %xor3A_1669 : vector<16xi32>
      %lt3A_1671 = arith.constant 0 : i32
      %lt3A_1672 = vector.broadcast %lt3A_1671 : i32 to vector<16xi32>
      %lt3A_1673 = arith.cmpi slt, %xor3A_1670, %lt3A_1672 : vector<16xi32>
      %add3A_1674 = arith.constant 16 : i32
      %add3A_1675 = vector.broadcast %add3A_1674 : i32 to vector<16xi32>
      %add3A_1676 = arith.addi %xor3A_1670, %add3A_1675 : vector<16xi32>
      %select_n3A_1677 = arith.select %lt3A_1673, %add3A_1676, %xor3A_1670 : vector<16xi1>, vector<16xi32>
      %broadcast_in_dim3A_1678 = vector.shape_cast %select_n3A_1677 : vector<16xi32> to vector<16x1xi32>
      %gather3A_1679 = vector.shape_cast %broadcast_in_dim3A_1678 : vector<16x1xi32> to vector<16xi32>
      %gather3A_1680 = tpu.dynamic_gather %add3A_1667[%gather3A_1679] in [0] : vector<16xf32>, vector<16xi32> -> vector<16xf32>
      %add3A_1681 = arith.addf %add3A_1667, %gather3A_1680 : vector<16xf32>
      %xor3A_1682 = arith.constant 2 : i32
      %xor3A_1683 = vector.broadcast %xor3A_1682 : i32 to vector<16xi32>
      %xor3A_1684 = arith.xori %iota3A, %xor3A_1683 : vector<16xi32>
      %lt3A_1685 = arith.constant 0 : i32
      %lt3A_1686 = vector.broadcast %lt3A_1685 : i32 to vector<16xi32>
      %lt3A_1687 = arith.cmpi slt, %xor3A_1684, %lt3A_1686 : vector<16xi32>
      %add3A_1688 = arith.constant 16 : i32
      %add3A_1689 = vector.broadcast %add3A_1688 : i32 to vector<16xi32>
      %add3A_1690 = arith.addi %xor3A_1684, %add3A_1689 : vector<16xi32>
      %select_n3A_1691 = arith.select %lt3A_1687, %add3A_1690, %xor3A_1684 : vector<16xi1>, vector<16xi32>
      %broadcast_in_dim3A_1692 = vector.shape_cast %select_n3A_1691 : vector<16xi32> to vector<16x1xi32>
      %gather3A_1693 = vector.shape_cast %broadcast_in_dim3A_1692 : vector<16x1xi32> to vector<16xi32>
      %gather3A_1694 = tpu.dynamic_gather %add3A_1681[%gather3A_1693] in [0] : vector<16xf32>, vector<16xi32> -> vector<16xf32>
      %add3A_1695 = arith.addf %add3A_1681, %gather3A_1694 : vector<16xf32>
      %xor3A_1696 = arith.constant 4 : i32
      %xor3A_1697 = vector.broadcast %xor3A_1696 : i32 to vector<16xi32>
      %xor3A_1698 = arith.xori %iota3A, %xor3A_1697 : vector<16xi32>
      %lt3A_1699 = arith.constant 0 : i32
      %lt3A_1700 = vector.broadcast %lt3A_1699 : i32 to vector<16xi32>
      %lt3A_1701 = arith.cmpi slt, %xor3A_1698, %lt3A_1700 : vector<16xi32>
      %add3A_1702 = arith.constant 16 : i32
      %add3A_1703 = vector.broadcast %add3A_1702 : i32 to vector<16xi32>
      %add3A_1704 = arith.addi %xor3A_1698, %add3A_1703 : vector<16xi32>
      %select_n3A_1705 = arith.select %lt3A_1701, %add3A_1704, %xor3A_1698 : vector<16xi1>, vector<16xi32>
      %broadcast_in_dim3A_1706 = vector.shape_cast %select_n3A_1705 : vector<16xi32> to vector<16x1xi32>
      %gather3A_1707 = vector.shape_cast %broadcast_in_dim3A_1706 : vector<16x1xi32> to vector<16xi32>
      %gather3A_1708 = tpu.dynamic_gather %add3A_1695[%gather3A_1707] in [0] : vector<16xf32>, vector<16xi32> -> vector<16xf32>
      %add3A_1709 = arith.addf %add3A_1695, %gather3A_1708 : vector<16xf32>
      %xor3A_1710 = arith.constant 8 : i32
      %xor3A_1711 = vector.broadcast %xor3A_1710 : i32 to vector<16xi32>
      %xor3A_1712 = arith.xori %iota3A, %xor3A_1711 : vector<16xi32>
      %lt3A_1713 = arith.constant 0 : i32
      %lt3A_1714 = vector.broadcast %lt3A_1713 : i32 to vector<16xi32>
      %lt3A_1715 = arith.cmpi slt, %xor3A_1712, %lt3A_1714 : vector<16xi32>
      %add3A_1716 = arith.constant 16 : i32
      %add3A_1717 = vector.broadcast %add3A_1716 : i32 to vector<16xi32>
      %add3A_1718 = arith.addi %xor3A_1712, %add3A_1717 : vector<16xi32>
      %select_n3A_1719 = arith.select %lt3A_1715, %add3A_1718, %xor3A_1712 : vector<16xi1>, vector<16xi32>
      %broadcast_in_dim3A_1720 = vector.shape_cast %select_n3A_1719 : vector<16xi32> to vector<16x1xi32>
      %gather3A_1721 = vector.shape_cast %broadcast_in_dim3A_1720 : vector<16x1xi32> to vector<16xi32>
      %gather3A_1722 = tpu.dynamic_gather %add3A_1709[%gather3A_1721] in [0] : vector<16xf32>, vector<16xi32> -> vector<16xf32>
      %add3A_1723 = arith.addf %add3A_1709, %gather3A_1722 : vector<16xf32>
      %eq3A_1724 = arith.constant 14 : i32
      %eq3A_1725 = vector.broadcast %eq3A_1724 : i32 to vector<16xi32>
      %eq3A_1726 = arith.cmpi eq, %iota3A, %eq3A_1725 : vector<16xi32>
      %select_n3A_1727 = arith.select %eq3A_1726, %add3A_1723, %select_n3A_1616 : vector<16xi1>, vector<16xf32>
      %mul3A_1728 = arith.constant 16 : i32
      %mul3A_1729 = arith.muli %scan3A_63, %mul3A_1728 : i32
      %add3A_1730 = arith.constant 15 : i32
      %add3A_1731 = arith.addi %mul3A_1729, %add3A_1730 : i32
      %get3A_1732 = arith.index_cast %add3A_1731 : i32 to index
      %get3A_1733 = arith.constant 0 : index
      %get3A_1734 = tpu.vector_load %arg5[%get3A_1732, %get3A_1733] {strides = array<i32>} : memref<384x128xf32, #tpu.memory_space<vmem>>, vector<1x16xf32>,
      %get3A_1735 = vector.shape_cast %get3A_1734 : vector<1x16xf32> to vector<16xf32>
      %mul3A_1736 = arith.mulf %get3A_1735, %get3A_36 : vector<16xf32>
      %get3A_1737 = arith.index_cast %add3A_1731 : i32 to index
      %get3A_1738 = arith.constant 16 : index
      %get3A_1739 = tpu.vector_load %arg5[%get3A_1737, %get3A_1738] {strides = array<i32>} : memref<384x128xf32, #tpu.memory_space<vmem>>, vector<1x16xf32>,
      %get3A_1740 = vector.shape_cast %get3A_1739 : vector<1x16xf32> to vector<16xf32>
      %mul3A_1741 = arith.mulf %get3A_1740, %get3A_39 : vector<16xf32>
      %add3A_1742 = arith.addf %mul3A_1736, %mul3A_1741 : vector<16xf32>
      %get3A_1743 = arith.index_cast %add3A_1731 : i32 to index
      %get3A_1744 = arith.constant 32 : index
      %get3A_1745 = tpu.vector_load %arg5[%get3A_1743, %get3A_1744] {strides = array<i32>} : memref<384x128xf32, #tpu.memory_space<vmem>>, vector<1x16xf32>,
      %get3A_1746 = vector.shape_cast %get3A_1745 : vector<1x16xf32> to vector<16xf32>
      %mul3A_1747 = arith.mulf %get3A_1746, %get3A_42 : vector<16xf32>
      %add3A_1748 = arith.addf %add3A_1742, %mul3A_1747 : vector<16xf32>
      %get3A_1749 = arith.index_cast %add3A_1731 : i32 to index
      %get3A_1750 = arith.constant 48 : index
      %get3A_1751 = tpu.vector_load %arg5[%get3A_1749, %get3A_1750] {strides = array<i32>} : memref<384x128xf32, #tpu.memory_space<vmem>>, vector<1x16xf32>,
      %get3A_1752 = vector.shape_cast %get3A_1751 : vector<1x16xf32> to vector<16xf32>
      %mul3A_1753 = arith.mulf %get3A_1752, %get3A_45 : vector<16xf32>
      %add3A_1754 = arith.addf %add3A_1748, %mul3A_1753 : vector<16xf32>
      %get3A_1755 = arith.index_cast %add3A_1731 : i32 to index
      %get3A_1756 = arith.constant 64 : index
      %get3A_1757 = tpu.vector_load %arg5[%get3A_1755, %get3A_1756] {strides = array<i32>} : memref<384x128xf32, #tpu.memory_space<vmem>>, vector<1x16xf32>,
      %get3A_1758 = vector.shape_cast %get3A_1757 : vector<1x16xf32> to vector<16xf32>
      %mul3A_1759 = arith.mulf %get3A_1758, %get3A_48 : vector<16xf32>
      %add3A_1760 = arith.addf %add3A_1754, %mul3A_1759 : vector<16xf32>
      %get3A_1761 = arith.index_cast %add3A_1731 : i32 to index
      %get3A_1762 = arith.constant 80 : index
      %get3A_1763 = tpu.vector_load %arg5[%get3A_1761, %get3A_1762] {strides = array<i32>} : memref<384x128xf32, #tpu.memory_space<vmem>>, vector<1x16xf32>,
      %get3A_1764 = vector.shape_cast %get3A_1763 : vector<1x16xf32> to vector<16xf32>
      %mul3A_1765 = arith.mulf %get3A_1764, %get3A_51 : vector<16xf32>
      %add3A_1766 = arith.addf %add3A_1760, %mul3A_1765 : vector<16xf32>
      %get3A_1767 = arith.index_cast %add3A_1731 : i32 to index
      %get3A_1768 = arith.constant 96 : index
      %get3A_1769 = tpu.vector_load %arg5[%get3A_1767, %get3A_1768] {strides = array<i32>} : memref<384x128xf32, #tpu.memory_space<vmem>>, vector<1x16xf32>,
      %get3A_1770 = vector.shape_cast %get3A_1769 : vector<1x16xf32> to vector<16xf32>
      %mul3A_1771 = arith.mulf %get3A_1770, %get3A_54 : vector<16xf32>
      %add3A_1772 = arith.addf %add3A_1766, %mul3A_1771 : vector<16xf32>
      %get3A_1773 = arith.index_cast %add3A_1731 : i32 to index
      %get3A_1774 = arith.constant 112 : index
      %get3A_1775 = tpu.vector_load %arg5[%get3A_1773, %get3A_1774] {strides = array<i32>} : memref<384x128xf32, #tpu.memory_space<vmem>>, vector<1x16xf32>,
      %get3A_1776 = vector.shape_cast %get3A_1775 : vector<1x16xf32> to vector<16xf32>
      %mul3A_1777 = arith.mulf %get3A_1776, %get3A_57 : vector<16xf32>
      %add3A_1778 = arith.addf %add3A_1772, %mul3A_1777 : vector<16xf32>
      %xor3A_1779 = arith.constant 1 : i32
      %xor3A_1780 = vector.broadcast %xor3A_1779 : i32 to vector<16xi32>
      %xor3A_1781 = arith.xori %iota3A, %xor3A_1780 : vector<16xi32>
      %lt3A_1782 = arith.constant 0 : i32
      %lt3A_1783 = vector.broadcast %lt3A_1782 : i32 to vector<16xi32>
      %lt3A_1784 = arith.cmpi slt, %xor3A_1781, %lt3A_1783 : vector<16xi32>
      %add3A_1785 = arith.constant 16 : i32
      %add3A_1786 = vector.broadcast %add3A_1785 : i32 to vector<16xi32>
      %add3A_1787 = arith.addi %xor3A_1781, %add3A_1786 : vector<16xi32>
      %select_n3A_1788 = arith.select %lt3A_1784, %add3A_1787, %xor3A_1781 : vector<16xi1>, vector<16xi32>
      %broadcast_in_dim3A_1789 = vector.shape_cast %select_n3A_1788 : vector<16xi32> to vector<16x1xi32>
      %gather3A_1790 = vector.shape_cast %broadcast_in_dim3A_1789 : vector<16x1xi32> to vector<16xi32>
      %gather3A_1791 = tpu.dynamic_gather %add3A_1778[%gather3A_1790] in [0] : vector<16xf32>, vector<16xi32> -> vector<16xf32>
      %add3A_1792 = arith.addf %add3A_1778, %gather3A_1791 : vector<16xf32>
      %xor3A_1793 = arith.constant 2 : i32
      %xor3A_1794 = vector.broadcast %xor3A_1793 : i32 to vector<16xi32>
      %xor3A_1795 = arith.xori %iota3A, %xor3A_1794 : vector<16xi32>
      %lt3A_1796 = arith.constant 0 : i32
      %lt3A_1797 = vector.broadcast %lt3A_1796 : i32 to vector<16xi32>
      %lt3A_1798 = arith.cmpi slt, %xor3A_1795, %lt3A_1797 : vector<16xi32>
      %add3A_1799 = arith.constant 16 : i32
      %add3A_1800 = vector.broadcast %add3A_1799 : i32 to vector<16xi32>
      %add3A_1801 = arith.addi %xor3A_1795, %add3A_1800 : vector<16xi32>
      %select_n3A_1802 = arith.select %lt3A_1798, %add3A_1801, %xor3A_1795 : vector<16xi1>, vector<16xi32>
      %broadcast_in_dim3A_1803 = vector.shape_cast %select_n3A_1802 : vector<16xi32> to vector<16x1xi32>
      %gather3A_1804 = vector.shape_cast %broadcast_in_dim3A_1803 : vector<16x1xi32> to vector<16xi32>
      %gather3A_1805 = tpu.dynamic_gather %add3A_1792[%gather3A_1804] in [0] : vector<16xf32>, vector<16xi32> -> vector<16xf32>
      %add3A_1806 = arith.addf %add3A_1792, %gather3A_1805 : vector<16xf32>
      %xor3A_1807 = arith.constant 4 : i32
      %xor3A_1808 = vector.broadcast %xor3A_1807 : i32 to vector<16xi32>
      %xor3A_1809 = arith.xori %iota3A, %xor3A_1808 : vector<16xi32>
      %lt3A_1810 = arith.constant 0 : i32
      %lt3A_1811 = vector.broadcast %lt3A_1810 : i32 to vector<16xi32>
      %lt3A_1812 = arith.cmpi slt, %xor3A_1809, %lt3A_1811 : vector<16xi32>
      %add3A_1813 = arith.constant 16 : i32
      %add3A_1814 = vector.broadcast %add3A_1813 : i32 to vector<16xi32>
      %add3A_1815 = arith.addi %xor3A_1809, %add3A_1814 : vector<16xi32>
      %select_n3A_1816 = arith.select %lt3A_1812, %add3A_1815, %xor3A_1809 : vector<16xi1>, vector<16xi32>
      %broadcast_in_dim3A_1817 = vector.shape_cast %select_n3A_1816 : vector<16xi32> to vector<16x1xi32>
      %gather3A_1818 = vector.shape_cast %broadcast_in_dim3A_1817 : vector<16x1xi32> to vector<16xi32>
      %gather3A_1819 = tpu.dynamic_gather %add3A_1806[%gather3A_1818] in [0] : vector<16xf32>, vector<16xi32> -> vector<16xf32>
      %add3A_1820 = arith.addf %add3A_1806, %gather3A_1819 : vector<16xf32>
      %xor3A_1821 = arith.constant 8 : i32
      %xor3A_1822 = vector.broadcast %xor3A_1821 : i32 to vector<16xi32>
      %xor3A_1823 = arith.xori %iota3A, %xor3A_1822 : vector<16xi32>
      %lt3A_1824 = arith.constant 0 : i32
      %lt3A_1825 = vector.broadcast %lt3A_1824 : i32 to vector<16xi32>
      %lt3A_1826 = arith.cmpi slt, %xor3A_1823, %lt3A_1825 : vector<16xi32>
      %add3A_1827 = arith.constant 16 : i32
      %add3A_1828 = vector.broadcast %add3A_1827 : i32 to vector<16xi32>
      %add3A_1829 = arith.addi %xor3A_1823, %add3A_1828 : vector<16xi32>
      %select_n3A_1830 = arith.select %lt3A_1826, %add3A_1829, %xor3A_1823 : vector<16xi1>, vector<16xi32>
      %broadcast_in_dim3A_1831 = vector.shape_cast %select_n3A_1830 : vector<16xi32> to vector<16x1xi32>
      %gather3A_1832 = vector.shape_cast %broadcast_in_dim3A_1831 : vector<16x1xi32> to vector<16xi32>
      %gather3A_1833 = tpu.dynamic_gather %add3A_1820[%gather3A_1832] in [0] : vector<16xf32>, vector<16xi32> -> vector<16xf32>
      %add3A_1834 = arith.addf %add3A_1820, %gather3A_1833 : vector<16xf32>
      %eq3A_1835 = arith.constant 15 : i32
      %eq3A_1836 = vector.broadcast %eq3A_1835 : i32 to vector<16xi32>
      %eq3A_1837 = arith.cmpi eq, %iota3A, %eq3A_1836 : vector<16xi32>
      %select_n3A_1838 = arith.select %eq3A_1837, %add3A_1834, %select_n3A_1727 : vector<16xi1>, vector<16xf32>
      %mul3A_1839 = arith.mulf %select_n3A_1838, %select_n3A_1838 : vector<16xf32>
      %mul3A_1840 = arith.constant 16 : i32
      %mul3A_1841 = arith.muli %scan3A_63, %mul3A_1840 : i32
      %swap3A = arith.index_cast %mul3A_1841 : i32 to index
      %swap3A_1842 = tpu.vector_load %arg7[%swap3A] {strides = array<i32>} : memref<384xf32, #tpu.memory_space<vmem>>, vector<16xf32>,
      %swap3A_1843 = vector.shape_cast %swap3A_1842 : vector<16xf32> to vector<16xf32>
      %swap3A_1844 = vector.shape_cast %mul3A_1839 : vector<16xf32> to vector<16xf32>
      tpu.vector_store %arg7[%swap3A], %swap3A_1844 {strides = array<i32>} : memref<384xf32, #tpu.memory_space<vmem>>, vector<16xf32>,
    }
    %scan3A_62 = arith.constant 24 : i32
    "tpu.region"() ({
      %run_scoped3A = tpu.sem_alloc : memref<!tpu.dma_semaphore, #tpu.memory_space<semaphore_mem>>
      %dma_start3A = tpu.memref_slice %arg4[%select_n3A, %mul3A_34] : memref<8x1536xf32, #tpu.memory_space<hbm>> -> memref<1x384xf32, #tpu.memory_space<hbm>>
      %dma_start3A_63 = tpu.memref_squeeze %dma_start3A : memref<1x384xf32, #tpu.memory_space<hbm>> -> memref<384xf32, #tpu.memory_space<hbm>>
      %dma_start3A_64 = tpu.memref_slice %arg4[%select_n3A, %mul3A_34] : memref<8x1536xf32, #tpu.memory_space<hbm>> -> memref<1x384xf32, #tpu.memory_space<hbm>>
      %dma_start3A_65 = tpu.memref_squeeze %dma_start3A_64 : memref<1x384xf32, #tpu.memory_space<hbm>> -> memref<384xf32, #tpu.memory_space<hbm>>
      tpu.enqueue_dma source(%arg7 : memref<384xf32, #tpu.memory_space<vmem>>) target(%dma_start3A_65 : memref<384xf32, #tpu.memory_space<hbm>>) target_semaphore(%run_scoped3A : memref<!tpu.dma_semaphore, #tpu.memory_space<semaphore_mem>>)
      %dma_wait3A = tpu.memref_slice %arg4[%select_n3A, %mul3A_34] : memref<8x1536xf32, #tpu.memory_space<hbm>> -> memref<1x384xf32, #tpu.memory_space<hbm>>
      %dma_wait3A_66 = tpu.memref_squeeze %dma_wait3A : memref<1x384xf32, #tpu.memory_space<hbm>> -> memref<384xf32, #tpu.memory_space<hbm>>
      %dma_wait3A_67 = tpu.memref_slice %arg4[%select_n3A, %mul3A_34] : memref<8x1536xf32, #tpu.memory_space<hbm>> -> memref<1x384xf32, #tpu.memory_space<hbm>>
      %dma_wait3A_68 = tpu.memref_squeeze %dma_wait3A_67 : memref<1x384xf32, #tpu.memory_space<hbm>> -> memref<384xf32, #tpu.memory_space<hbm>>
      tpu.wait_dma2 semaphore(%run_scoped3A : memref<!tpu.dma_semaphore, #tpu.memory_space<semaphore_mem>>) src(%arg7 : memref<384xf32, #tpu.memory_space<vmem>>) dst(%dma_wait3A_68 : memref<384xf32, #tpu.memory_space<hbm>>)
      tpu.yield
    }) : () -> ()
    return
  }
}

module attributes {stable_mosaic.version = 14 : i64} {
  func.func @_tc_body(%arg0: i32, %arg1: memref<1x8x128xf32, #tpu.memory_space<vmem>>, %arg2: memref<8x1536x128xf32, #tpu.memory_space<vmem>>, %arg3: memref<1x8x1536xf32, #tpu.memory_space<vmem>>) attributes {dimension_semantics = [#tpu.dimension_semantics<arbitrary>], iteration_bounds = array<i64: 3>, scalar_prefetch = 0 : i64, scratch_operands = 0 : i64, tpu.core_type = #tpu.core_type<tc>, window_params = [{transform_indices = @transform_0, window_bounds = array<i64: 1, 8, 128>}, {transform_indices = @transform_1, window_bounds = array<i64: 8, 1536, 128>}, {transform_indices = @transform_2, window_bounds = array<i64: 1, 8, 1536>}]} {
    %get3A = arith.constant 0 : index
    %get3A_0 = arith.constant 0 : index
    %get3A_1 = arith.constant 0 : index
    %get3A_2 = vector.load %arg1[%get3A, %get3A_0, %get3A_1] : memref<1x8x128xf32, #tpu.memory_space<vmem>>, vector<1x1x128xf32>
    %get3A_3 = vector.shape_cast %get3A_2 : vector<1x1x128xf32> to vector<128xf32>
    %broadcast_in_dim3A = vector.shape_cast %get3A_3 : vector<128xf32> to vector<1x128xf32>
    %broadcast_in_dim3A_4 = vector.broadcast %broadcast_in_dim3A : vector<1x128xf32> to vector<8x128xf32>
    %get3A_5 = arith.constant 0 : index
    %get3A_6 = arith.constant 0 : index
    %get3A_7 = arith.constant 0 : index
    %get3A_8 = vector.load %arg2[%get3A_5, %get3A_6, %get3A_7] : memref<8x1536x128xf32, #tpu.memory_space<vmem>>, vector<1x1536x128xf32>
    %get3A_9 = vector.shape_cast %get3A_8 : vector<1x1536x128xf32> to vector<1536x128xf32>
    %dot_general3A = arith.constant dense<0.000000e+00> : vector<8x1536xf32>
    %dot_general3A_10 = tpu.matmul %broadcast_in_dim3A_4, %get3A_9, %dot_general3A {dimension_numbers = #tpu.dot_dimension_numbers<[1], [1], [0], [0], [0, 0, 1, 0], [], []>, transpose_lhs_hint = false} : vector<8x128xf32>, vector<1536x128xf32>, vector<8x1536xf32> -> vector<8x1536xf32>
    %slice3A = vector.extract_strided_slice %dot_general3A_10 {offsets = [0, 0], sizes = [1, 1536], strides = [1, 1]} : vector<8x1536xf32> to vector<1x1536xf32>
    %squeeze3A = vector.shape_cast %slice3A : vector<1x1536xf32> to vector<1536xf32>
    %mul3A = arith.mulf %squeeze3A, %squeeze3A : vector<1536xf32>
    %swap3A = arith.constant 0 : index
    %swap3A_11 = arith.constant 0 : index
    %swap3A_12 = arith.constant 0 : index
    %swap3A_13 = vector.load %arg3[%swap3A, %swap3A_11, %swap3A_12] : memref<1x8x1536xf32, #tpu.memory_space<vmem>>, vector<1x1x1536xf32>
    %swap3A_14 = vector.shape_cast %swap3A_13 : vector<1x1x1536xf32> to vector<1536xf32>
    %swap3A_15 = vector.shape_cast %mul3A : vector<1536xf32> to vector<1x1x1536xf32>
    tpu.vector_store %arg3[%swap3A, %swap3A_11, %swap3A_12], %swap3A_15 {strides = array<i32>} : memref<1x8x1536xf32, #tpu.memory_space<vmem>>, vector<1x1x1536xf32>,
    %get3A_16 = arith.constant 0 : index
    %get3A_17 = arith.constant 1 : index
    %get3A_18 = arith.constant 0 : index
    %get3A_19 = vector.load %arg1[%get3A_16, %get3A_17, %get3A_18] : memref<1x8x128xf32, #tpu.memory_space<vmem>>, vector<1x1x128xf32>
    %get3A_20 = vector.shape_cast %get3A_19 : vector<1x1x128xf32> to vector<128xf32>
    %broadcast_in_dim3A_21 = vector.shape_cast %get3A_20 : vector<128xf32> to vector<1x128xf32>
    %broadcast_in_dim3A_22 = vector.broadcast %broadcast_in_dim3A_21 : vector<1x128xf32> to vector<8x128xf32>
    %get3A_23 = arith.constant 1 : index
    %get3A_24 = arith.constant 0 : index
    %get3A_25 = arith.constant 0 : index
    %get3A_26 = vector.load %arg2[%get3A_23, %get3A_24, %get3A_25] : memref<8x1536x128xf32, #tpu.memory_space<vmem>>, vector<1x1536x128xf32>
    %get3A_27 = vector.shape_cast %get3A_26 : vector<1x1536x128xf32> to vector<1536x128xf32>
    %dot_general3A_28 = arith.constant dense<0.000000e+00> : vector<8x1536xf32>
    %dot_general3A_29 = tpu.matmul %broadcast_in_dim3A_22, %get3A_27, %dot_general3A_28 {dimension_numbers = #tpu.dot_dimension_numbers<[1], [1], [0], [0], [0, 0, 1, 0], [], []>, transpose_lhs_hint = false} : vector<8x128xf32>, vector<1536x128xf32>, vector<8x1536xf32> -> vector<8x1536xf32>
    %slice3A_30 = vector.extract_strided_slice %dot_general3A_29 {offsets = [0, 0], sizes = [1, 1536], strides = [1, 1]} : vector<8x1536xf32> to vector<1x1536xf32>
    %squeeze3A_31 = vector.shape_cast %slice3A_30 : vector<1x1536xf32> to vector<1536xf32>
    %mul3A_32 = arith.mulf %squeeze3A_31, %squeeze3A_31 : vector<1536xf32>
    %swap3A_33 = arith.constant 0 : index
    %swap3A_34 = arith.constant 1 : index
    %swap3A_35 = arith.constant 0 : index
    %swap3A_36 = vector.load %arg3[%swap3A_33, %swap3A_34, %swap3A_35] : memref<1x8x1536xf32, #tpu.memory_space<vmem>>, vector<1x1x1536xf32>
    %swap3A_37 = vector.shape_cast %swap3A_36 : vector<1x1x1536xf32> to vector<1536xf32>
    %swap3A_38 = vector.shape_cast %mul3A_32 : vector<1536xf32> to vector<1x1x1536xf32>
    tpu.vector_store %arg3[%swap3A_33, %swap3A_34, %swap3A_35], %swap3A_38 {strides = array<i32>} : memref<1x8x1536xf32, #tpu.memory_space<vmem>>, vector<1x1x1536xf32>,
    %get3A_39 = arith.constant 0 : index
    %get3A_40 = arith.constant 2 : index
    %get3A_41 = arith.constant 0 : index
    %get3A_42 = vector.load %arg1[%get3A_39, %get3A_40, %get3A_41] : memref<1x8x128xf32, #tpu.memory_space<vmem>>, vector<1x1x128xf32>
    %get3A_43 = vector.shape_cast %get3A_42 : vector<1x1x128xf32> to vector<128xf32>
    %broadcast_in_dim3A_44 = vector.shape_cast %get3A_43 : vector<128xf32> to vector<1x128xf32>
    %broadcast_in_dim3A_45 = vector.broadcast %broadcast_in_dim3A_44 : vector<1x128xf32> to vector<8x128xf32>
    %get3A_46 = arith.constant 2 : index
    %get3A_47 = arith.constant 0 : index
    %get3A_48 = arith.constant 0 : index
    %get3A_49 = vector.load %arg2[%get3A_46, %get3A_47, %get3A_48] : memref<8x1536x128xf32, #tpu.memory_space<vmem>>, vector<1x1536x128xf32>
    %get3A_50 = vector.shape_cast %get3A_49 : vector<1x1536x128xf32> to vector<1536x128xf32>
    %dot_general3A_51 = arith.constant dense<0.000000e+00> : vector<8x1536xf32>
    %dot_general3A_52 = tpu.matmul %broadcast_in_dim3A_45, %get3A_50, %dot_general3A_51 {dimension_numbers = #tpu.dot_dimension_numbers<[1], [1], [0], [0], [0, 0, 1, 0], [], []>, transpose_lhs_hint = false} : vector<8x128xf32>, vector<1536x128xf32>, vector<8x1536xf32> -> vector<8x1536xf32>
    %slice3A_53 = vector.extract_strided_slice %dot_general3A_52 {offsets = [0, 0], sizes = [1, 1536], strides = [1, 1]} : vector<8x1536xf32> to vector<1x1536xf32>
    %squeeze3A_54 = vector.shape_cast %slice3A_53 : vector<1x1536xf32> to vector<1536xf32>
    %mul3A_55 = arith.mulf %squeeze3A_54, %squeeze3A_54 : vector<1536xf32>
    %swap3A_56 = arith.constant 0 : index
    %swap3A_57 = arith.constant 2 : index
    %swap3A_58 = arith.constant 0 : index
    %swap3A_59 = vector.load %arg3[%swap3A_56, %swap3A_57, %swap3A_58] : memref<1x8x1536xf32, #tpu.memory_space<vmem>>, vector<1x1x1536xf32>
    %swap3A_60 = vector.shape_cast %swap3A_59 : vector<1x1x1536xf32> to vector<1536xf32>
    %swap3A_61 = vector.shape_cast %mul3A_55 : vector<1536xf32> to vector<1x1x1536xf32>
    tpu.vector_store %arg3[%swap3A_56, %swap3A_57, %swap3A_58], %swap3A_61 {strides = array<i32>} : memref<1x8x1536xf32, #tpu.memory_space<vmem>>, vector<1x1x1536xf32>,
    %get3A_62 = arith.constant 0 : index
    %get3A_63 = arith.constant 3 : index
    %get3A_64 = arith.constant 0 : index
    %get3A_65 = vector.load %arg1[%get3A_62, %get3A_63, %get3A_64] : memref<1x8x128xf32, #tpu.memory_space<vmem>>, vector<1x1x128xf32>
    %get3A_66 = vector.shape_cast %get3A_65 : vector<1x1x128xf32> to vector<128xf32>
    %broadcast_in_dim3A_67 = vector.shape_cast %get3A_66 : vector<128xf32> to vector<1x128xf32>
    %broadcast_in_dim3A_68 = vector.broadcast %broadcast_in_dim3A_67 : vector<1x128xf32> to vector<8x128xf32>
    %get3A_69 = arith.constant 3 : index
    %get3A_70 = arith.constant 0 : index
    %get3A_71 = arith.constant 0 : index
    %get3A_72 = vector.load %arg2[%get3A_69, %get3A_70, %get3A_71] : memref<8x1536x128xf32, #tpu.memory_space<vmem>>, vector<1x1536x128xf32>
    %get3A_73 = vector.shape_cast %get3A_72 : vector<1x1536x128xf32> to vector<1536x128xf32>
    %dot_general3A_74 = arith.constant dense<0.000000e+00> : vector<8x1536xf32>
    %dot_general3A_75 = tpu.matmul %broadcast_in_dim3A_68, %get3A_73, %dot_general3A_74 {dimension_numbers = #tpu.dot_dimension_numbers<[1], [1], [0], [0], [0, 0, 1, 0], [], []>, transpose_lhs_hint = false} : vector<8x128xf32>, vector<1536x128xf32>, vector<8x1536xf32> -> vector<8x1536xf32>
    %slice3A_76 = vector.extract_strided_slice %dot_general3A_75 {offsets = [0, 0], sizes = [1, 1536], strides = [1, 1]} : vector<8x1536xf32> to vector<1x1536xf32>
    %squeeze3A_77 = vector.shape_cast %slice3A_76 : vector<1x1536xf32> to vector<1536xf32>
    %mul3A_78 = arith.mulf %squeeze3A_77, %squeeze3A_77 : vector<1536xf32>
    %swap3A_79 = arith.constant 0 : index
    %swap3A_80 = arith.constant 3 : index
    %swap3A_81 = arith.constant 0 : index
    %swap3A_82 = vector.load %arg3[%swap3A_79, %swap3A_80, %swap3A_81] : memref<1x8x1536xf32, #tpu.memory_space<vmem>>, vector<1x1x1536xf32>
    %swap3A_83 = vector.shape_cast %swap3A_82 : vector<1x1x1536xf32> to vector<1536xf32>
    %swap3A_84 = vector.shape_cast %mul3A_78 : vector<1536xf32> to vector<1x1x1536xf32>
    tpu.vector_store %arg3[%swap3A_79, %swap3A_80, %swap3A_81], %swap3A_84 {strides = array<i32>} : memref<1x8x1536xf32, #tpu.memory_space<vmem>>, vector<1x1x1536xf32>,
    %get3A_85 = arith.constant 0 : index
    %get3A_86 = arith.constant 4 : index
    %get3A_87 = arith.constant 0 : index
    %get3A_88 = vector.load %arg1[%get3A_85, %get3A_86, %get3A_87] : memref<1x8x128xf32, #tpu.memory_space<vmem>>, vector<1x1x128xf32>
    %get3A_89 = vector.shape_cast %get3A_88 : vector<1x1x128xf32> to vector<128xf32>
    %broadcast_in_dim3A_90 = vector.shape_cast %get3A_89 : vector<128xf32> to vector<1x128xf32>
    %broadcast_in_dim3A_91 = vector.broadcast %broadcast_in_dim3A_90 : vector<1x128xf32> to vector<8x128xf32>
    %get3A_92 = arith.constant 4 : index
    %get3A_93 = arith.constant 0 : index
    %get3A_94 = arith.constant 0 : index
    %get3A_95 = vector.load %arg2[%get3A_92, %get3A_93, %get3A_94] : memref<8x1536x128xf32, #tpu.memory_space<vmem>>, vector<1x1536x128xf32>
    %get3A_96 = vector.shape_cast %get3A_95 : vector<1x1536x128xf32> to vector<1536x128xf32>
    %dot_general3A_97 = arith.constant dense<0.000000e+00> : vector<8x1536xf32>
    %dot_general3A_98 = tpu.matmul %broadcast_in_dim3A_91, %get3A_96, %dot_general3A_97 {dimension_numbers = #tpu.dot_dimension_numbers<[1], [1], [0], [0], [0, 0, 1, 0], [], []>, transpose_lhs_hint = false} : vector<8x128xf32>, vector<1536x128xf32>, vector<8x1536xf32> -> vector<8x1536xf32>
    %slice3A_99 = vector.extract_strided_slice %dot_general3A_98 {offsets = [0, 0], sizes = [1, 1536], strides = [1, 1]} : vector<8x1536xf32> to vector<1x1536xf32>
    %squeeze3A_100 = vector.shape_cast %slice3A_99 : vector<1x1536xf32> to vector<1536xf32>
    %mul3A_101 = arith.mulf %squeeze3A_100, %squeeze3A_100 : vector<1536xf32>
    %swap3A_102 = arith.constant 0 : index
    %swap3A_103 = arith.constant 4 : index
    %swap3A_104 = arith.constant 0 : index
    %swap3A_105 = vector.load %arg3[%swap3A_102, %swap3A_103, %swap3A_104] : memref<1x8x1536xf32, #tpu.memory_space<vmem>>, vector<1x1x1536xf32>
    %swap3A_106 = vector.shape_cast %swap3A_105 : vector<1x1x1536xf32> to vector<1536xf32>
    %swap3A_107 = vector.shape_cast %mul3A_101 : vector<1536xf32> to vector<1x1x1536xf32>
    tpu.vector_store %arg3[%swap3A_102, %swap3A_103, %swap3A_104], %swap3A_107 {strides = array<i32>} : memref<1x8x1536xf32, #tpu.memory_space<vmem>>, vector<1x1x1536xf32>,
    %get3A_108 = arith.constant 0 : index
    %get3A_109 = arith.constant 5 : index
    %get3A_110 = arith.constant 0 : index
    %get3A_111 = vector.load %arg1[%get3A_108, %get3A_109, %get3A_110] : memref<1x8x128xf32, #tpu.memory_space<vmem>>, vector<1x1x128xf32>
    %get3A_112 = vector.shape_cast %get3A_111 : vector<1x1x128xf32> to vector<128xf32>
    %broadcast_in_dim3A_113 = vector.shape_cast %get3A_112 : vector<128xf32> to vector<1x128xf32>
    %broadcast_in_dim3A_114 = vector.broadcast %broadcast_in_dim3A_113 : vector<1x128xf32> to vector<8x128xf32>
    %get3A_115 = arith.constant 5 : index
    %get3A_116 = arith.constant 0 : index
    %get3A_117 = arith.constant 0 : index
    %get3A_118 = vector.load %arg2[%get3A_115, %get3A_116, %get3A_117] : memref<8x1536x128xf32, #tpu.memory_space<vmem>>, vector<1x1536x128xf32>
    %get3A_119 = vector.shape_cast %get3A_118 : vector<1x1536x128xf32> to vector<1536x128xf32>
    %dot_general3A_120 = arith.constant dense<0.000000e+00> : vector<8x1536xf32>
    %dot_general3A_121 = tpu.matmul %broadcast_in_dim3A_114, %get3A_119, %dot_general3A_120 {dimension_numbers = #tpu.dot_dimension_numbers<[1], [1], [0], [0], [0, 0, 1, 0], [], []>, transpose_lhs_hint = false} : vector<8x128xf32>, vector<1536x128xf32>, vector<8x1536xf32> -> vector<8x1536xf32>
    %slice3A_122 = vector.extract_strided_slice %dot_general3A_121 {offsets = [0, 0], sizes = [1, 1536], strides = [1, 1]} : vector<8x1536xf32> to vector<1x1536xf32>
    %squeeze3A_123 = vector.shape_cast %slice3A_122 : vector<1x1536xf32> to vector<1536xf32>
    %mul3A_124 = arith.mulf %squeeze3A_123, %squeeze3A_123 : vector<1536xf32>
    %swap3A_125 = arith.constant 0 : index
    %swap3A_126 = arith.constant 5 : index
    %swap3A_127 = arith.constant 0 : index
    %swap3A_128 = vector.load %arg3[%swap3A_125, %swap3A_126, %swap3A_127] : memref<1x8x1536xf32, #tpu.memory_space<vmem>>, vector<1x1x1536xf32>
    %swap3A_129 = vector.shape_cast %swap3A_128 : vector<1x1x1536xf32> to vector<1536xf32>
    %swap3A_130 = vector.shape_cast %mul3A_124 : vector<1536xf32> to vector<1x1x1536xf32>
    tpu.vector_store %arg3[%swap3A_125, %swap3A_126, %swap3A_127], %swap3A_130 {strides = array<i32>} : memref<1x8x1536xf32, #tpu.memory_space<vmem>>, vector<1x1x1536xf32>,
    %get3A_131 = arith.constant 0 : index
    %get3A_132 = arith.constant 6 : index
    %get3A_133 = arith.constant 0 : index
    %get3A_134 = vector.load %arg1[%get3A_131, %get3A_132, %get3A_133] : memref<1x8x128xf32, #tpu.memory_space<vmem>>, vector<1x1x128xf32>
    %get3A_135 = vector.shape_cast %get3A_134 : vector<1x1x128xf32> to vector<128xf32>
    %broadcast_in_dim3A_136 = vector.shape_cast %get3A_135 : vector<128xf32> to vector<1x128xf32>
    %broadcast_in_dim3A_137 = vector.broadcast %broadcast_in_dim3A_136 : vector<1x128xf32> to vector<8x128xf32>
    %get3A_138 = arith.constant 6 : index
    %get3A_139 = arith.constant 0 : index
    %get3A_140 = arith.constant 0 : index
    %get3A_141 = vector.load %arg2[%get3A_138, %get3A_139, %get3A_140] : memref<8x1536x128xf32, #tpu.memory_space<vmem>>, vector<1x1536x128xf32>
    %get3A_142 = vector.shape_cast %get3A_141 : vector<1x1536x128xf32> to vector<1536x128xf32>
    %dot_general3A_143 = arith.constant dense<0.000000e+00> : vector<8x1536xf32>
    %dot_general3A_144 = tpu.matmul %broadcast_in_dim3A_137, %get3A_142, %dot_general3A_143 {dimension_numbers = #tpu.dot_dimension_numbers<[1], [1], [0], [0], [0, 0, 1, 0], [], []>, transpose_lhs_hint = false} : vector<8x128xf32>, vector<1536x128xf32>, vector<8x1536xf32> -> vector<8x1536xf32>
    %slice3A_145 = vector.extract_strided_slice %dot_general3A_144 {offsets = [0, 0], sizes = [1, 1536], strides = [1, 1]} : vector<8x1536xf32> to vector<1x1536xf32>
    %squeeze3A_146 = vector.shape_cast %slice3A_145 : vector<1x1536xf32> to vector<1536xf32>
    %mul3A_147 = arith.mulf %squeeze3A_146, %squeeze3A_146 : vector<1536xf32>
    %swap3A_148 = arith.constant 0 : index
    %swap3A_149 = arith.constant 6 : index
    %swap3A_150 = arith.constant 0 : index
    %swap3A_151 = vector.load %arg3[%swap3A_148, %swap3A_149, %swap3A_150] : memref<1x8x1536xf32, #tpu.memory_space<vmem>>, vector<1x1x1536xf32>
    %swap3A_152 = vector.shape_cast %swap3A_151 : vector<1x1x1536xf32> to vector<1536xf32>
    %swap3A_153 = vector.shape_cast %mul3A_147 : vector<1536xf32> to vector<1x1x1536xf32>
    tpu.vector_store %arg3[%swap3A_148, %swap3A_149, %swap3A_150], %swap3A_153 {strides = array<i32>} : memref<1x8x1536xf32, #tpu.memory_space<vmem>>, vector<1x1x1536xf32>,
    %get3A_154 = arith.constant 0 : index
    %get3A_155 = arith.constant 7 : index
    %get3A_156 = arith.constant 0 : index
    %get3A_157 = vector.load %arg1[%get3A_154, %get3A_155, %get3A_156] : memref<1x8x128xf32, #tpu.memory_space<vmem>>, vector<1x1x128xf32>
    %get3A_158 = vector.shape_cast %get3A_157 : vector<1x1x128xf32> to vector<128xf32>
    %broadcast_in_dim3A_159 = vector.shape_cast %get3A_158 : vector<128xf32> to vector<1x128xf32>
    %broadcast_in_dim3A_160 = vector.broadcast %broadcast_in_dim3A_159 : vector<1x128xf32> to vector<8x128xf32>
    %get3A_161 = arith.constant 7 : index
    %get3A_162 = arith.constant 0 : index
    %get3A_163 = arith.constant 0 : index
    %get3A_164 = vector.load %arg2[%get3A_161, %get3A_162, %get3A_163] : memref<8x1536x128xf32, #tpu.memory_space<vmem>>, vector<1x1536x128xf32>
    %get3A_165 = vector.shape_cast %get3A_164 : vector<1x1536x128xf32> to vector<1536x128xf32>
    %dot_general3A_166 = arith.constant dense<0.000000e+00> : vector<8x1536xf32>
    %dot_general3A_167 = tpu.matmul %broadcast_in_dim3A_160, %get3A_165, %dot_general3A_166 {dimension_numbers = #tpu.dot_dimension_numbers<[1], [1], [0], [0], [0, 0, 1, 0], [], []>, transpose_lhs_hint = false} : vector<8x128xf32>, vector<1536x128xf32>, vector<8x1536xf32> -> vector<8x1536xf32>
    %slice3A_168 = vector.extract_strided_slice %dot_general3A_167 {offsets = [0, 0], sizes = [1, 1536], strides = [1, 1]} : vector<8x1536xf32> to vector<1x1536xf32>
    %squeeze3A_169 = vector.shape_cast %slice3A_168 : vector<1x1536xf32> to vector<1536xf32>
    %mul3A_170 = arith.mulf %squeeze3A_169, %squeeze3A_169 : vector<1536xf32>
    %swap3A_171 = arith.constant 0 : index
    %swap3A_172 = arith.constant 7 : index
    %swap3A_173 = arith.constant 0 : index
    %swap3A_174 = vector.load %arg3[%swap3A_171, %swap3A_172, %swap3A_173] : memref<1x8x1536xf32, #tpu.memory_space<vmem>>, vector<1x1x1536xf32>
    %swap3A_175 = vector.shape_cast %swap3A_174 : vector<1x1x1536xf32> to vector<1536xf32>
    %swap3A_176 = vector.shape_cast %mul3A_170 : vector<1536xf32> to vector<1x1x1536xf32>
    tpu.vector_store %arg3[%swap3A_171, %swap3A_172, %swap3A_173], %swap3A_176 {strides = array<i32>} : memref<1x8x1536xf32, #tpu.memory_space<vmem>>, vector<1x1x1536xf32>,
    return
  }
  func.func @transform_0(%arg0: i32) -> (i32, i32, i32) {
    %c0_i32 = arith.constant 0 : i32
    %c0_i32_0 = arith.constant 0 : i32
    %c0_i32_1 = arith.constant 0 : i32
    return %arg0, %c0_i32, %c0_i32_0 : i32, i32, i32
  }
  func.func @transform_1(%arg0: i32) -> (i32, i32, i32) {
    %c0_i32 = arith.constant 0 : i32
    %c0_i32_0 = arith.constant 0 : i32
    %c0_i32_1 = arith.constant 0 : i32
    return %arg0, %c0_i32, %c0_i32_0 : i32, i32, i32
  }
  func.func @transform_2(%arg0: i32) -> (i32, i32, i32) {
    %c0_i32 = arith.constant 0 : i32
    %c0_i32_0 = arith.constant 0 : i32
    %c0_i32_1 = arith.constant 0 : i32
    return %arg0, %c0_i32, %c0_i32_0 : i32, i32, i32
  }
}

</mosaic_0001>

<sc_bundles>
// kernel: kernel.4.cloned.1.call-start
scs
__scs_entry_jumppad:
0x0: {  	(pc) =	sbr.rel $0x88, $3  }
0x1: {  	(tag) =	ssettag $0x0;
	lr =	simm.s32 $0x1  }
0x2: {  	[smem:$0x3F9F] =	sst lr;
	_ =	strace $0xD0000000  }
0x3: {  	_ = 	snop  }
0x4: {  	_ = 	snop  }
0x5: {  	_ = 	snop  }
0x6: {  	_ = 	snop  }
0x7: {  	_ = 	snop  }
__scs_overlays_trampoline_lowered:
0x8: {  	[smem:$0x3FAE] =	sst s0  }
0x9: {  	[smem:$0x3FAF] =	sst s1  }
0xa: {  	[smem:$0x3FB0] =	sst s2  }
0xb: {  	[smem:$0x3FB1] =	sst s3  }
0xc: {  	[smem:$0x3FB2] =	sst s4  }
0xd: {  	[smem:$0x3FB3] =	sst s5  }
0xe: {  	[smem:$0x3FB4] =	sst s6  }
0xf: {  	[smem:$0x3FB5] =	sst s7  }
0x10: {  	[smem:$0x3FB6] =	sst s8  }
0x11: {  	[smem:$0x3FB7] =	sst s9;
	s0 =	simm.s32 @!p0 $0x0  }
0x12: {  	s1 =	sld [smem:$0x3F9D];
	s0 =	simm.s32 @p0 $0x1  }
0x13: {  	[smem:$0x3FB8] =	sst s0;
	s0 =	simm.s32 @!p1 $0x0  }
0x14: {  	s2 =	sld [smem:$0x3F9C];
	s0 =	simm.s32 @p1 $0x1  }
0x15: {  	[smem:$0x3FB9] =	sst s0;
	s0 =	simm.s32 @!p2 $0x0  }
0x16: {  	s3 =	sld [smem:$0x3FDB];
	s0 =	simm.s32 @p2 $0x1  }
0x17: {  	s4 =	simm.s32 $0x1BF5;
	[smem:$0x3FBB] =	sst s0  }
0x18: {  	s0 =	sld [smem:$0x3F9E];
	_ =	swait.ge [sflag:s4], $0x0  }
0x19: {  	s7 =	sld [smem:$0x3F9F]  }
0x1a: {  	s8 =	sadd.s32 $0xFFFFE003, lr  }
0x1b: {  	s9 =	sadd.s32 $0xFFFFFEF7, lr;
	s5 =	simm.s32 $0xFFFFFFFF;
	p2 =	slt.u32 s8, $0xFFFFF086  }
0x1c: {  	p1 =	slt.u32 s9, $0xF7A;
	s5 =	simm.s32 @!p2 $0x0  }
0x1d: {  	s5 =	simm.s32 @p1 $0x1;
	p0 =	seq.s32 s7, s2  }
0x1e: {  	s7 =	smul.u32 @!p0 $0xF7A, s2;
	p2 =	seq.s32 @!p0 s5, $0x0  }
0x1f: {  	s9 =	smul.u32 $0xF7A, s1;
	s8 =	simm.s32 @!p0 $0x1BF5;
	p2 =	por !p2, p0  }
0x20: {  	[sflag:s8] =	ssyncset.s32 @!p0 $0xFFFFF086;
	s6 =	sadd.s32 @!p0 s3, s7;
	s7 =	simm.s32 @!p0 $0x108  }
0x21: {  	s3 =	sadd.s32 s3, s9;
	s6 =	sadd.s32 @!p0 $0x88, s6;
	s7 =	simm.s32 @p2 $0x1082  }
0x22: {  	[simem:s7], [sflag:s8] =	dma.local @!p0 [hbm:s6], $0xF7A  }
0x23: {  	s9 =	sor.u32 $0xD0000000, s2;
	s6 =	simm.s32 $0x108;
	_ =	swait.ge @!p0 [sflag:s8], $0x0  }
0x24: {  	s3 =	sadd.s32 $0x88, s3;
	s6 =	simm.s32 @!p1 $0x1082;
	[sflag:s4] =	ssyncset.s32 $0xFFFFF086  }
0x25: {  	[simem:s6], [sflag:s4] =	dma.local [hbm:s3], $0xF7A  }
0x26: {  	[smem:$0x3F9F] =	sst s1;
	(tag) =	ssettag s2;
	_ =	strace s9  }
0x27: {  	s1 =	sld [smem:$0x3FAF]  }
0x28: {  	s2 =	sld [smem:$0x3FB0]  }
0x29: {  	s4 =	sld [smem:$0x3FB2]  }
0x2a: {  	p0 =	seq.s32 s5, $0x0;
	s5 =	sld [smem:$0x3FB3]  }
0x2b: {  	s6 =	sld [smem:$0x3FB4]  }
0x2c: {  	s7 =	sld [smem:$0x3FB5]  }
0x2d: {  	s3 =	simm.s32 $0x108;
	s8 =	sld [smem:$0x3FB6]  }
0x2e: {  	s3 =	simm.s32 @!p0 $0x1082;
	s9 =	sld [smem:$0x3FB7]  }
0x2f: {  	lr =	sadd.s32 s0, s3;
	s0 =	sld [smem:$0x3FAE]  }
0x30: {  	s3 =	sld [smem:$0x3FB1]  }
0x31: {  	[smem:$0x3FBA] =	sst s10  }
0x32: {  	s10 =	sld [smem:$0x3FB8];
	_ =	sdelay $0x3  }
0x33: {  	p0 =	seq.s32 s10, $0x1;
	s10 =	sld [smem:$0x3FBA];
	_ =	sdelay $0x3  }
0x34: {  	[smem:$0x3FBA] =	sst s10  }
0x35: {  	s10 =	sld [smem:$0x3FB9];
	_ =	sdelay $0x3  }
0x36: {  	p1 =	seq.s32 s10, $0x1;
	s10 =	sld [smem:$0x3FBA];
	_ =	sdelay $0x3  }
0x37: {  	[smem:$0x3FBA] =	sst s10  }
0x38: {  	s10 =	sld [smem:$0x3FBB]  }
0x39: {  	_ = 	snop;
	(pc) =	sbr.ind lr, $3  }
0x3a: {  	_ = 	snop  }
0x3b: {  	_ = 	snop  }
0x3c: {  	p2 =	seq.s32 s10, $0x1;
	s10 =	sld [smem:$0x3FBA]  }
0x3d: {  	_ =	shalt  }
0x3e: {  	_ =	shalt  }
0x3f: {  	_ =	shalt  }
0x40: {  	_ =	shalt  }
0x41: {  	_ =	shalt  }
0x42: {  	_ =	shalt  }
0x43: {  	_ =	shalt  }
0x44: {  	_ =	shalt  }
0x45: {  	_ =	shalt  }
0x46: {  	_ =	shalt  }
0x47: {  	_ =	shalt  }
0x48: {  	_ =	shalt  }
0x49: {  	_ =	shalt  }
0x4a: {  	_ =	shalt  }
0x4b: {  	_ =	shalt  }
0x4c: {  	_ =	shalt  }
0x4d: {  	_ =	shalt  }
0x4e: {  	_ =	shalt  }
0x4f: {  	_ =	shalt  }
0x50: {  	_ =	shalt  }
0x51: {  	_ =	shalt  }
0x52: {  	_ =	shalt  }
0x53: {  	_ =	shalt  }
0x54: {  	_ =	shalt  }
0x55: {  	_ =	shalt  }
0x56: {  	_ =	shalt  }
0x57: {  	_ =	shalt  }
0x58: {  	_ =	shalt  }
0x59: {  	_ =	shalt  }
0x5a: {  	_ =	shalt  }
0x5b: {  	_ =	shalt  }
0x5c: {  	_ =	shalt  }
0x5d: {  	_ =	shalt  }
0x5e: {  	_ =	shalt  }
0x5f: {  	_ =	shalt  }
0x60: {  	_ =	shalt  }
0x61: {  	_ =	shalt  }
0x62: {  	_ =	shalt  }
0x63: {  	_ =	shalt  }
0x64: {  	_ =	shalt  }
0x65: {  	_ =	shalt  }
0x66: {  	_ =	shalt  }
0x67: {  	_ =	shalt  }
0x68: {  	_ =	shalt  }
0x69: {  	_ =	shalt  }
0x6a: {  	_ =	shalt  }
0x6b: {  	_ =	shalt  }
0x6c: {  	_ =	shalt  }
0x6d: {  	_ =	shalt  }
0x6e: {  	_ =	shalt  }
0x6f: {  	_ =	shalt  }
0x70: {  	_ =	shalt  }
0x71: {  	_ =	shalt  }
0x72: {  	_ =	shalt  }
0x73: {  	_ =	shalt  }
0x74: {  	_ =	shalt  }
0x75: {  	_ =	shalt  }
0x76: {  	_ =	shalt  }
0x77: {  	_ =	shalt  }
0x78: {  	_ =	shalt  }
0x79: {  	_ =	shalt  }
0x7a: {  	_ =	shalt  }
0x7b: {  	_ =	shalt  }
0x7c: {  	_ =	shalt  }
0x7d: {  	_ =	shalt  }
0x7e: {  	_ =	shalt  }
0x7f: {  	_ =	shalt  }
0x80: {  	_ =	shalt  }
0x81: {  	_ =	shalt  }
0x82: {  	_ =	shalt  }
0x83: {  	_ =	shalt  }
0x84: {  	_ =	shalt  }
0x85: {  	_ =	shalt  }
0x86: {  	_ =	shalt  }
0x87: {  	_ =	shalt  }
.Lfunc_end0:
.L_simem_size_0:
called_computation_lowered:
.L_overlay_start_0:
0x88: {  	s2 =	sld [smem:$0x3FD9]  }
0x89: {  	s3 =	sld [smem:$0x3FFE];
	_ =	sdelay $0x1  }
0x8a: {  	s1 =	srdreg.scid  }
0x8b: {  	s0 =	sand.u32 $0x1, s1  }
0x8c: {  	s18 =	sshll.u32 s0, $0xA;
	s2 =	sadd.s32 s3, s2  }
0x8d: {  	s2 =	sadd.s32 s2, s18  }
0x8e: {  	[smem:$0x3FC6] =	sst s2  }
0x8f: {  	_ = 	snop  }
0x90: {  	s2 =	sld [smem:$0x3FC9]  }
0x91: {  	s19 =	sld [smem:$0x3FC8]  }
0x92: {  	s4 =	sld [smem:$0x3FD0];
	(tm) =	ssettm $0x1  }
0x93: {  	s5 =	sld [smem:$0x3FFB];
	_ =	sdelay $0x3  }
0x94: {  	_ =	strace s5  }
0x95: {  	s5 =	sld [smem:$0x3FFC];
	_ =	sdelay $0x3  }
0x96: {  	_ =	strace s5  }
0x97: {  	s5 =	sld [smem:$0x3FFD];
	_ =	sdelay $0x3  }
0x98: {  	_ =	strace s5  }
0x99: {  	_ =	strace $0x8FFFFFFF  }
0x9a: {  	s20 =	sld [smem:$0x3FDB];
	_ =	sdelay $0x1  }
0x9b: {  	s6 =	simm.s32 $_scs_section_size  }
0x9c: {  	s7 =	simm.s32 $_size__tile_overlayer_lowered;
	s8 =	simm.s32 $_tile_overlayer_lowered  }
0x9d: {  	s23 =	simm.s32 $0x1BFF;
	s22 =	sshll.u32 s8, $0x1;
	s5 =	sadd.s32 s6, s20  }
0x9e: {  	s9 =	simm.s32 $0x0;
	s21 =	sshll.u32 s7, $0x1;
	s7 =	sadd.s32 s22, s5  }
0x9f: {  	[timem:s9], [sflag:s23] =	dma.local [hbm:s7], s21  }
0xa0: {  	_ =	swait.ge [sflag:s23], s21  }
0xa1: {  	s6 =	ssub.s32 $0x0, s21;
	[sflag:s23] =	ssyncset.done $0x0  }
0xa2: {  	[sflag:s23] =	ssyncadd.s32 s6;
	_ =	sdelay $0x1  }
0xa3: {  	s24 =	simm.s32 $0x1B8B  }
0xa4: {  	_ =	swait.ge [sflag:s24], $0x1  }
0xa5: {  	[sflag:s24] =	ssyncset.done $0x0  }
0xa6: {  	s25 =	simm.s32 $0x1B8E;
	[sflag:s24] =	ssyncadd.s32 $0xFFFFFFFF  }
0xa7: {  	s26 =	simm.s32 $execute0_lowered;
	[smem:$0x3FD2] =	sst s25  }
0xa8: {  	s6 =	sshll.u32 s26, $0x1;
	_ =	strace $0x80000046;
	[dreg:$0x1] =	wrdreg $0xFFFFFFFF  }
0xa9: {  	s28 =	simm.s32 $_size_execute0_lowered;
	s5 =	sadd.s32 s5, s6;
	[dreg:$0x0] =	wrdreg $0x0  }
0xaa: {  	s6 =	sshll.u32 s28, $0x1;
	[dreg:$0x2] =	wrdreg s5  }
0xab: {  	[dreg:$0x3] =	wrdreg s6  }
0xac: {  	[dreg:$0x4] =	wrdreg $0xC0  }
0xad: {  	_ =	task [dreg:s9], $0x5FFFF  }
0xae: {  	[dreg:$0x1] =	wrdreg $0xFFFFFFFF  }
0xaf: {  	[dreg:$0x0] =	wrdreg $0x60  }
0xb0: {  	[dreg:$0x2] =	wrdreg s2  }
0xb1: {  	[dreg:$0x3] =	wrdreg s19  }
0xb2: {  	[dreg:$0x4] =	wrdreg s4  }
0xb3: {  	[dreg:$0x5] =	wrdreg $0x9  }
0xb4: {  	_ =	task.clear_ibuf [dreg:s9], $0x6FFFF;
	_ =	strace $0x90000046  }
0xb5: {  	s29 =	simm.s32 $0x9;
	_ =	strace $0x80000048  }
0xb6: {  	_ =	swait.ge [sflag:s29], $0x1  }
0xb7: {  	[sflag:s29] =	ssyncadd.s32 $0xFFFFFFFF  }
0xb8: {  	_ =	strace $0x90000048  }
0xb9: {  	_ =	sfence  }
0xba: {  	s30 =	sld [smem:$0x0];
	_ =	sdelay $0x2  }
0xbb: {  	s31 =	sshll.u32 s1, $0xD;
	s1 =	sshrl.u32 s1, $0x2  }
0xbc: {  	s3 =	sand.u32 $0x4000, s31;
	s1 =	sadd.s32 s1, s30  }
0xbd: {  	s0 =	sor.u32 s3, s0;
	s1 =	sshll.u32 s1, $0x11  }
0xbe: {  	s0 =	sor.u32 s1, s0  }
0xbf: {  	s0 =	sadd.s32 $0x8F2B, s0  }
0xc0: {  	[sflag:s0] =	ssyncadd.remote.s32 $0x1  }
0xc1: {  	_ =	sfence.sel $0xFFFF  }
0xc2: {  	[dreg:$0x0] =	wrdreg $0xFFFFFFFF;
	(pc) =	sbr.abs _section_cstart, $3  }
0xc3: {  	[dreg:$0x1] =	wrdreg $0xFFFFFFFF  }
0xc4: {  	_ =	task.clear_ibuf [dreg:s9], $0x2FFFF;
	_ =	strace $0x9FFFFFFF  }
0xc5: {  	(tm) =	ssettm $0x7FFFFFFF  }
tec
execute0_lowered:
.L_overlay_start_1:
0x0: {  	(tag) =	ssettag $0x1  }
0x1: {  	v0 =	vimm.s32 $0xEFCDAB89;
	v1 =	vimm.s32 $0x67452301  }
0x2: {  	v2 =	vimm.s32 $0xDCFE98BA;
	s3 =	rddreg [dreg:$0x0];
	v3 =	vimm.s32 $0x54761032;
	v4 =	vimm.s32 $0xBA98FEDC  }
0x3: {  	s4 =	rddreg [dreg:$0x1];
	v5 =	vimm.s32 $0x32107654;
	v6 =	vimm.s32 $0xFEDCBA98;
	v7 =	vimm.s32 $0x76543210  }
0x4: {  	s5 =	rddreg [dreg:$0x2];
	vm0 =	vmmov $0x1;
	vm1 =	vmmov $0x3;
	vm2 =	vmmov $0x7  }
0x5: {  	s0 =	rddreg [dreg:$0x3];
	s1 =	stileid.u32;
	vm3 =	vmmov $0xf;
	vm4 =	vmmov $0x1f;
	vm5 =	vmmov $0x3f  }
0x6: {  	s2 =	simm.s32 $0x0;
	s6 =	srdreg.scid;
	vm6 =	vmmov $0x7f;
	vm7 =	vmmov $0xff;
	vm8 =	vmmov $0x1ff;
	s12 =	simm.s32 $0x0  }
0x7: {  	vm9 =	vmmov $0x3ff;
	vm10 =	vmmov $0x7ff;
	vm11 =	vmmov $0xfff;
	s7 =	sshll.u32 s1, $0x1;
	s6 =	sand.u32 $0x1, s6;
	s8 =	sshrl.u32 s1, $0x1  }
0x8: {  	vm12 =	vmmov $0x1fff;
	v0 =	vunpack.c.l.s4.s8 v0;
	v1 =	vunpack.c.l.s4.s8 v1;
	[smem:$0x7FF] =	sst s2;
	s7 =	sand.u32 $0x2, s7;
	s9 =	ssub.s32 $0x2, s6  }
0x9: {  	v2 =	vunpack.c.l.s4.s8 v2;
	v3 =	vunpack.c.l.s4.s8 v3;
	v4 =	vunpack.c.l.s4.s8 v4;
	s30 =	smul.u32 $0x30000, s8;
	_ =	strace $0x80000047;
	s6 =	sor.u32 s6, s7  }
0xa: {  	v5 =	vunpack.c.l.s4.s8 v5;
	v6 =	vunpack.c.l.s4.s8 v6;
	v7 =	vunpack.c.l.s4.s8 v7;
	s31 =	sshll.u32 s8, $0x4;
	s8 =	sshll.u32 s8, $0x7;
	s11 =	smul.u32 $0xC000, s6  }
0xb: {  	v0 =	vunpack.c.0.s8.s32 v0;
	v1 =	vunpack.c.0.s8.s32 v1;
	v2 =	vunpack.c.0.s8.s32 v2;
	s10 =	sshrl.u32 s9, $0x1;
	s3 =	sadd.s32 s31, s3;
	s6 =	smul.u32 $0xC00, s6  }
0xc: {  	v3 =	vunpack.c.0.s8.s32 v3;
	v4 =	vunpack.c.0.s8.s32 v4;
	v5 =	vunpack.c.0.s8.s32 v5;
	s9 =	ssub.s32 s9, s10;
	s3 =	sadd.s32 $0x180, s3;
	s10 =	simm.s32 $0x400  }
0xd: {  	vm13 =	vmmov $0x3fff;
	v0 =	vcombine.low v1, v0;
	v1 =	vunpack.c.0.s8.s32 v6;
	s7 =	sadd.s32 s11, s30;
	s6 =	sor.u32 s8, s6;
	s8 =	simm.s32 $0x1  }
0xe: {  	v2 =	vcombine.low v3, v2;
	v3 =	vcombine.low v5, v4;
	v4 =	vunpack.c.0.s8.s32 v7;
	s11 =	simm.s32 $0xC080;
	s7 =	sshrl.u32 s7, $0x3;
	s6 =	sshrl.u32 s6, $0x3  }
0xf: {  	vm14 =	vmmov $0x7fff;
	v0 =	vand.u32 $0xF, v0;
	v5 =	vand.u32 $0xF, v1;
	s4 =	sadd.s32 s4, s7;
	s5 =	sadd.s32 s5, s6;
	s6 =	smax.u32 s9, $0x1  }
0x10: {  	v1 =	vand.u32 $0xF, v2;
	v2 =	vand.u32 $0xF, v3;
	v3 =	vcombine.low v5, v4;
	s7 =	simm.s32 $0xC000;
	s9 =	simm.s32 $0x80;
	s4 =	sadd.s32 $0x90000, s4  }
.LBB2_1:
0x11: {  	[tilespmem:s7], [sflag:$0x1] =	stream.linear.gather [hbm4b:s3+s2], $0x80, $0x38;
	[tilespmem:$0xC200] =	vst v63  }
0x12: {  	_ =	swait.ge [sflag:s8], $0x80  }
0x13: {  	[sflag:s8] =	ssyncset.done $0x0  }
0x14: {  	[sflag:s8] =	ssyncadd.s32 $0xFFFFFF80  }
0x15: {  	[tilespmem:s2], [sflag:$0x1] =	stream.linear.gather [hbm4b:s4+s2], $0xC000, $0x38;
	[tilespmem:$0xC200] =	vst v63  }
0x16: {  	_ =	swait.ge [sflag:s8], $0xC000  }
0x17: {  	[sflag:s8] =	ssyncset.done $0x0  }
0x18: {  	[sflag:s8] =	ssyncadd.s32 $0xFFFF4000  }
0x19: {  	v10 =	vld [tilespmem:$0xC000]  }
0x1a: {  	v11 =	vld [tilespmem:$0xC010]  }
0x1b: {  	v9 =	vld [tilespmem:$0xC020]  }
0x1c: {  	v8 =	vld [tilespmem:$0xC030]  }
0x1d: {  	v7 =	vld [tilespmem:$0xC040]  }
0x1e: {  	v6 =	vld [tilespmem:$0xC050]  }
0x1f: {  	v5 =	vld [tilespmem:$0xC060]  }
0x20: {  	v4 =	vld [tilespmem:$0xC070]  }
0x21: {  	v12 =	vld [tilespmem:s10+$0x3F0]  }
0x22: {  	v13 =	vld [tilespmem:s10+$0x370]  }
0x23: {  	v14 =	vld [tilespmem:s10+$0x3E0]  }
0x24: {  	v15 =	vld [tilespmem:s10+$0x2F0]  }
0x25: {  	v16 =	vld [tilespmem:s10+$0x360]  }
0x26: {  	v17 =	vld [tilespmem:s10+$0x3D0]  }
0x27: {  	v18 =	vld [tilespmem:s10+$0x270]  }
0x28: {  	v19 =	vld [tilespmem:s10+$0x2E0]  }
0x29: {  	v20 =	vld [tilespmem:s10+$0x350]  }
0x2a: {  	v21 =	vld [tilespmem:s10+$0x3C0]  }
0x2b: {  	v22 =	vld [tilespmem:s10+$0x1F0]  }
0x2c: {  	v23 =	vld [tilespmem:s10+$0x260]  }
0x2d: {  	v24 =	vld [tilespmem:s10+$0x2D0]  }
0x2e: {  	v25 =	vld [tilespmem:s10+$0x340]  }
0x2f: {  	v26 =	vld [tilespmem:s10+$0x3B0]  }
0x30: {  	v27 =	vld [tilespmem:s10+$0x170]  }
0x31: {  	v28 =	vld [tilespmem:s10+$0x1E0]  }
0x32: {  	v29 =	vld [tilespmem:s10+$0x250]  }
0x33: {  	v30 =	vld [tilespmem:s10+$0x2C0]  }
0x34: {  	v31 =	vld [tilespmem:s10+$0x330]  }
0x35: {  	v32 =	vld [tilespmem:s10+$0x3A0]  }
0x36: {  	v33 =	vld [tilespmem:s10+$0xF0]  }
0x37: {  	v34 =	vld [tilespmem:s10+$0x160]  }
0x38: {  	v35 =	vld [tilespmem:s10+$0x1D0]  }
0x39: {  	v36 =	vld [tilespmem:s10+$0x240]  }
0x3a: {  	v37 =	vld [tilespmem:s10+$0x2B0]  }
0x3b: {  	v39 =	vld [tilespmem:s10+$0x380]  }
0x3c: {  	v40 =	vld [tilespmem:s10+$0x390]  }
0x3d: {  	v38 =	vld [tilespmem:s10+$0x320]  }
0x3e: {  	v41 =	vld [tilespmem:s10+$0x70]  }
0x3f: {  	v42 =	vld [tilespmem:s10+$0xE0];
	v12 =	vmul.f32 v12, v4;
	v13 =	vmul.f32 v13, v4  }
0x40: {  	v43 =	vld [tilespmem:s10+$0x150];
	v14 =	vmul.f32 v14, v5;
	v39 =	vmul.f32 v39, v10  }
0x41: {  	v47 =	vld [tilespmem:s10+$0x300];
	v40 =	vmul.f32 v40, v11;
	v15 =	vmul.f32 v15, v4  }
0x42: {  	v48 =	vld [tilespmem:s10+$0x310];
	v16 =	vmul.f32 v16, v5;
	v32 =	vmul.f32 v32, v9  }
0x43: {  	v44 =	vld [tilespmem:s10+$0x1C0];
	v17 =	vmul.f32 v17, v6;
	v49 =	vmul.f32 v18, v4  }
0x44: {  	v45 =	vld [tilespmem:s10+$0x230];
	v50 =	vmul.f32 v19, v5;
	v20 =	vmul.f32 v20, v6  }
0x45: {  	v51 =	vld [tilespmem:s10+$0x200];
	v26 =	vmul.f32 v26, v8;
	v21 =	vmul.f32 v21, v7  }
0x46: {  	v58 =	vld [tilespmem:s10+$0x220];
	v23 =	vmul.f32 v23, v5;
	v24 =	vmul.f32 v24, v6  }
0x47: {  	v46 =	vld [tilespmem:s10+$0x2A0];
	v47 =	vmul.f32 v47, v10;
	v48 =	vmul.f32 v48, v11  }
0x48: {  	v59 =	vld [tilespmem:s10+$0x1B0];
	v25 =	vmul.f32 v25, v7;
	v28 =	vmul.f32 v28, v5  }
0x49: {  	v63 =	vld [tilespmem:s10+$0x190];
	v38 =	vmul.f32 v38, v9;
	v29 =	vmul.f32 v29, v6  }
0x4a: {  	v19 =	vld [tilespmem:s10+$0x280];
	v31 =	vmul.f32 v31, v8;
	v60 =	vmul.f32 v51, v10;
	v39 =	vadd.f32 v40, v39  }
0x4b: {  	v61 =	vmul.f32 v58, v9;
	v53 =	vmul.f32 v36, v7;
	v36 =	vld [tilespmem:s10+$0x130]  }
0x4c: {  	v30 =	vmul.f32 v30, v7;
	v18 =	vadd.f32 v32, v39;
	v32 =	vmul.f32 v22, v4;
	v22 =	vld [tilespmem:s10+$0x290]  }
0x4d: {  	v52 =	vmul.f32 v45, v8;
	v34 =	vmul.f32 v34, v5;
	v45 =	vld [tilespmem:s10+$0x40]  }
0x4e: {  	v47 =	vadd.f32 v48, v47;
	v26 =	vadd.f32 v26, v18;
	v18 =	vmul.f32 v27, v4;
	v27 =	vld [tilespmem:s10+$0x210]  }
0x4f: {  	v35 =	vmul.f32 v35, v6;
	v54 =	vmul.f32 v63, v11;
	v63 =	vld [tilespmem:s10+$0x110]  }
0x50: {  	v41 =	vmul.f32 v41, v4;
	v51 =	vld [tilespmem:s10+$0xFFFFFE20];
	v38 =	vadd.f32 v38, v47;
	v21 =	vadd.f32 v21, v26  }
0x51: {  	v40 =	vld [tilespmem:s10+$0xFFFFFFF0];
	v19 =	vmul.f32 v19, v10;
	v22 =	vmul.f32 v22, v11  }
0x52: {  	v43 =	vmul.f32 v43, v6;
	v39 =	vld [tilespmem:s10+$0x60];
	v31 =	vadd.f32 v31, v38;
	v17 =	vadd.f32 v17, v21  }
0x53: {  	v38 =	vld [tilespmem:s10+$0xFFFFFFE0];
	v19 =	vadd.f32 v22, v19;
	v22 =	vmul.f32 v46, v9;
	v27 =	vmul.f32 v27, v11  }
0x54: {  	v36 =	vmul.f32 v36, v8;
	v26 =	vld [tilespmem:s10+$0xD0];
	v25 =	vadd.f32 v25, v31;
	v14 =	vadd.f32 v14, v17  }
0x55: {  	v31 =	vld [tilespmem:s10+$0x180];
	v19 =	vadd.f32 v22, v19;
	v22 =	vmul.f32 v37, v8;
	v27 =	vadd.f32 v27, v60  }
0x56: {  	v48 =	vld [tilespmem:s10+$0xFFFFFEE0];
	v45 =	vmul.f32 v45, v7;
	v20 =	vadd.f32 v20, v25;
	v12 =	vadd.f32 v12, v14  }
0x57: {  	v51 =	vmul.f32 v51, v9;
	v25 =	vld [tilespmem:s10+$0xC0];
	v22 =	vadd.f32 v22, v19;
	v27 =	vadd.f32 v61, v27  }
0x58: {  	v39 =	vmul.f32 v39, v5;
	v16 =	vadd.f32 v16, v20;
	v37 =	vld [tilespmem:s10+$0xFFFFFFD0];
	v62 =	vperm.xlane v12, v0  }
0x59: {  	v38 =	vmul.f32 v38, v5;
	v22 =	vadd.f32 v30, v22;
	v30 =	vld [tilespmem:s10+$0x1A0];
	v27 =	vadd.f32 v52, v27  }
0x5a: {  	v21 =	vld [tilespmem:s10+$0x140];
	v31 =	vmul.f32 v31, v10;
	v26 =	vmul.f32 v26, v6;
	v12 =	vadd.f32 v12, v62  }
0x5b: {  	v46 =	vld [tilespmem:s10+$0xFFFFFED0];
	v19 =	vmul.f32 v33, v4;
	v20 =	vadd.f32 v24, v22;
	v22 =	vadd.f32 v53, v27  }
0x5c: {  	v13 =	vadd.f32 v13, v16;
	v25 =	vmul.f32 v25, v7;
	v27 =	vld [tilespmem:s10+$0xFFFFFF60];
	v16 =	vperm.xlane v12, v1  }
0x5d: {  	v17 =	vld [tilespmem:s10+$0xFFFFFF70];
	v37 =	vmul.f32 v37, v6;
	v20 =	vadd.f32 v50, v20;
	v22 =	vadd.f32 v29, v22  }
0x5e: {  	v53 =	vld [tilespmem:s10+$0x90];
	v12 =	vadd.f32 v12, v16;
	v16 =	vadd.f32 v54, v31;
	v30 =	vmul.f32 v30, v9  }
0x5f: {  	v60 =	vld [tilespmem:s10+$0xA0];
	v29 =	vperm.xlane v13, v0;
	v50 =	vmul.f32 v63, v11;
	v15 =	vadd.f32 v15, v20  }
0x60: {  	v14 =	vld [tilespmem:s10+$0x50];
	v20 =	vadd.f32 v23, v22;
	v22 =	vmul.f32 v59, v8;
	v16 =	vadd.f32 v30, v16  }
0x61: {  	v31 =	vld [tilespmem:s10+$0xB0];
	v13 =	vadd.f32 v13, v29;
	v23 =	vperm.xlane v12, v2;
	v27 =	vmul.f32 v27, v5  }
0x62: {  	v29 =	vld [tilespmem:s10+$0x120];
	v30 =	vperm.xlane v15, v0;
	v16 =	vadd.f32 v22, v16;
	v22 =	vmul.f32 v44, v7  }
0x63: {  	v33 =	vld [tilespmem:s10+$0xFFFFFE70];
	v53 =	vmul.f32 v53, v11;
	v55 =	vadd.f32 v49, v20;
	v56 =	vperm.xlane v13, v1  }
0x64: {  	v61 =	vld [tilespmem:s10+$0x100];
	v49 =	vmul.f32 v60, v9;
	v15 =	vadd.f32 v15, v30;
	v16 =	vadd.f32 v22, v16  }
0x65: {  	v24 =	vld [tilespmem:s10+$0xFFFFFEF0];
	v30 =	vmul.f32 v42, v5;
	v57 =	vperm.xlane v55, v0;
	v13 =	vadd.f32 v13, v56  }
0x66: {  	v52 =	vld [tilespmem:s10+$0xFFFFFE60];
	v31 =	vmul.f32 v31, v8;
	v58 =	vperm.xlane v15, v1;
	v16 =	vadd.f32 v35, v16  }
0x67: {  	v20 =	vld [tilespmem:s10+$0xFFFFFF50];
	v22 =	vmul.f32 v40, v4;
	v29 =	vmul.f32 v29, v9;
	v42 =	vadd.f32 v55, v57  }
0x68: {  	v59 =	vperm.xlane v13, v2;
	v15 =	vadd.f32 v15, v58;
	v58 =	vld [tilespmem:s10+$0x80];
	v16 =	vadd.f32 v28, v16  }
0x69: {  	v12 =	vadd.f32 v12, v23;
	v23 =	vld [tilespmem:s10+$0x10];
	v35 =	vmul.f32 v61, v10;
	v62 =	vperm.xlane v42, v1  }
0x6a: {  	v28 =	vperm.xlane v15, v2;
	v32 =	vadd.f32 v32, v16;
	v16 =	vmul.f32 v24, v4;
	v24 =	vld [tilespmem:s10+$0x0]  }
0x6b: {  	v60 =	vld [tilespmem:s10+$0xFFFFFF90];
	v57 =	vmul.f32 v21, v7;
	v21 =	vmul.f32 v17, v4;
	v17 =	vadd.f32 v42, v62  }
0x6c: {  	v35 =	vadd.f32 v50, v35;
	v42 =	vmul.f32 v14, v6;
	v14 =	vadd.f32 v15, v28;
	v28 =	vld [tilespmem:s10+$0x20]  }
0x6d: {  	v44 =	vld [tilespmem:s10+$0xFFFFFFC0];
	v54 =	vperm.xlane v17, v2;
	v47 =	vmul.f32 v58, v10  }
0x6e: {  	v56 =	vld [tilespmem:s10+$0xFFFFFF20];
	v23 =	vmul.f32 v23, v11;
	v29 =	vadd.f32 v29, v35;
	v55 =	vperm.xlane v32, v0  }
0x6f: {  	v15 =	vadd.f32 v17, v54;
	v17 =	vld [tilespmem:s10+$0xFFFFFF80];
	v47 =	vadd.f32 v53, v47;
	v24 =	vmul.f32 v24, v10  }
0x70: {  	v40 =	vld [tilespmem:s10+$0x30];
	v20 =	vmul.f32 v20, v6;
	v29 =	vadd.f32 v36, v29;
	v32 =	vadd.f32 v32, v55  }
0x71: {  	v62 =	vld [tilespmem:s10+$0xFFFFFFA0];
	v23 =	vadd.f32 v23, v24;
	v24 =	vmul.f32 v28, v9;
	v28 =	vadd.f32 v49, v47  }
0x72: {  	v61 =	vld [tilespmem:s10+$0xFFFFFFB0];
	v13 =	vadd.f32 v13, v59;
	v29 =	vadd.f32 v57, v29;
	v59 =	vperm.xlane v32, v1  }
0x73: {  	v50 =	vld [tilespmem:s10+$0xFFFFFF40];
	v58 =	vmul.f32 v44, v7;
	v54 =	vmul.f32 v60, v11;
	v28 =	vadd.f32 v31, v28  }
0x74: {  	v55 =	vld [tilespmem:s10+$0xFFFFFF10];
	v29 =	vadd.f32 v43, v29;
	v32 =	vadd.f32 v32, v59;
	v63 =	vmul.f32 v17, v10  }
0x75: {  	v23 =	vadd.f32 v24, v23;
	v24 =	vmul.f32 v40, v8;
	v31 =	vld [tilespmem:s10+$0xFFFFFF00];
	v25 =	vadd.f32 v25, v28  }
0x76: {  	v36 =	vld [tilespmem:s10+$0xFFFFFDE0];
	v35 =	vmul.f32 v62, v9;
	v29 =	vadd.f32 v34, v29;
	v40 =	vadd.f32 v54, v63  }
0x77: {  	v44 =	vld [tilespmem:s10+$0xFFFFFE40];
	v57 =	vmul.f32 v61, v8;
	v23 =	vadd.f32 v24, v23;
	v25 =	vadd.f32 v26, v25  }
0x78: {  	v17 =	vmul.f32 v33, v4;
	v18 =	vadd.f32 v18, v29;
	v35 =	vadd.f32 v35, v40;
	v26 =	vld [tilespmem:s10+$0xFFFFFF30]  }
0x79: {  	v47 =	vperm.xlane v32, v2;
	v28 =	vld [tilespmem:s10+$0xFFFFFEC0];
	v23 =	vadd.f32 v45, v23;
	v25 =	vadd.f32 v30, v25  }
0x7a: {  	v59 =	vadd.f32 v57, v35;
	v57 =	vld [tilespmem:s10+$0xFFFFFE90];
	v30 =	vmul.f32 v31, v10;
	v31 =	vmul.f32 v55, v11  }
0x7b: {  	v24 =	vmul.f32 v48, v5;
	v23 =	vadd.f32 v42, v23;
	v42 =	vld [tilespmem:s10+$0xFFFFFDD0];
	v19 =	vadd.f32 v19, v25  }
0x7c: {  	v49 =	vld [tilespmem:s10+$0xFFFFFE50];
	v25 =	vperm.xlane v18, v0;
	v30 =	vadd.f32 v31, v30;
	v31 =	vmul.f32 v56, v9  }
0x7d: {  	v34 =	vld [tilespmem:s10+$0xFFFFFC40];
	v33 =	vadd.f32 v58, v59;
	v23 =	vadd.f32 v39, v23;
	v26 =	vmul.f32 v26, v8  }
0x7e: {  	v39 =	vld [tilespmem:s10+$0xFFFFFEB0];
	v60 =	vperm.xlane v19, v0;
	v18 =	vadd.f32 v18, v25;
	v30 =	vadd.f32 v31, v30  }
0x7f: {  	v29 =	vld [tilespmem:s10+$0xFFFFFC70];
	v31 =	vadd.f32 v37, v33;
	v37 =	vmul.f32 v28, v7;
	v53 =	vmul.f32 v57, v11  }
0x80: {  	v48 =	vld [tilespmem:s10+$0xFFFFFEA0];
	v23 =	vadd.f32 v41, v23;
	v28 =	vmul.f32 v42, v6;
	v62 =	vperm.xlane v18, v1  }
0x81: {  	v40 =	vld [tilespmem:s10+$0xFFFFFC30];
	v26 =	vadd.f32 v26, v30;
	v30 =	vmul.f32 v50, v7;
	v31 =	vadd.f32 v38, v31  }
0x82: {  	v45 =	vld [tilespmem:s10+$0xFFFFFC60];
	v61 =	vperm.xlane v23, v0;
	v19 =	vadd.f32 v19, v60;
	v63 =	vadd.f32 v18, v62  }
0x83: {  	v25 =	vld [tilespmem:s10+$0xFFFFFDC0];
	v54 =	vmul.f32 v39, v8;
	v18 =	vadd.f32 v30, v26;
	v22 =	vadd.f32 v22, v31  }
0x84: {  	v33 =	vld [tilespmem:s10+$0xFFFFFE30];
	v35 =	vadd.f32 v23, v61;
	v23 =	vperm.xlane v19, v1;
	v31 =	vmul.f32 v46, v6  }
0x85: {  	v41 =	vld [tilespmem:s10+$0xFFFFFD80];
	v30 =	vmul.f32 v49, v6;
	v18 =	vadd.f32 v20, v18;
	v20 =	vperm.xlane v22, v0  }
0x86: {  	v26 =	vperm.xlane v35, v1;
	v43 =	vadd.f32 v19, v23;
	v23 =	vmul.f32 v52, v5;
	v52 =	vld [tilespmem:s10+$0xFFFFFE80]  }
0x87: {  	v42 =	vld [tilespmem:s10+$0xFFFFFD90];
	v19 =	vperm.xlane v63, v2;
	v27 =	vadd.f32 v27, v18;
	v20 =	vadd.f32 v22, v20  }
0x88: {  	v58 =	vadd.f32 v35, v26;
	v59 =	vperm.xlane v43, v2;
	v26 =	vmul.f32 v36, v5;
	v22 =	vld [tilespmem:s10+$0xFFFFFE00]  }
0x89: {  	v60 =	vadd.f32 v21, v27;
	v21 =	vperm.xlane v20, v1;
	v27 =	vmul.f32 v29, v4;
	v29 =	vld [tilespmem:s10+$0xFFFFFE10]  }
0x8a: {  	v38 =	vld [tilespmem:s10+$0xFFFFFC50];
	v18 =	vadd.f32 v32, v47;
	v19 =	vadd.f32 v63, v19;
	v61 =	vperm.xlane v58, v2  }
0x8b: {  	v50 =	vld [tilespmem:s10+$0xFFFFFDB0];
	v36 =	vmul.f32 v44, v7;
	v52 =	vmul.f32 v52, v10;
	v63 =	vadd.f32 v20, v21  }
0x8c: {  	v39 =	vld [tilespmem:s10+$0xFFFFFD00];
	v62 =	vperm.xlane v60, v0;
	v20 =	vadd.f32 v43, v59;
	v21 =	vadd.f32 v58, v61  }
0x8d: {  	v46 =	vld [tilespmem:s10+$0xFFFFFC80];
	v59 =	vmul.f32 v48, v9;
	v58 =	vadd.f32 v53, v52;
	v61 =	vmul.f32 v22, v10  }
0x8e: {  	v35 =	vld [tilespmem:s10+$0xFFFFFDA0];
	v57 =	vperm.xlane v63, v2;
	v60 =	vadd.f32 v60, v62;
	v62 =	vmul.f32 v29, v11  }
0x8f: {  	v44 =	vld [tilespmem:s10+$0xFFFFFC00];
	v32 =	vmul.f32 v25, v7;
	v48 =	vmul.f32 v33, v8;
	v47 =	vadd.f32 v59, v58  }
0x90: {  	v43 =	vld [tilespmem:s10+$0xFFFFFC20];
	v22 =	vadd.f32 v63, v57;
	v63 =	vperm.xlane v60, v1;
	v53 =	vadd.f32 v62, v61  }
0x91: {  	v33 =	vmul.f32 v38, v6;
	v29 =	vmul.f32 v45, v5;
	v45 =	vld [tilespmem:s10+$0xFFFFFC10];
	v49 =	vadd.f32 v54, v47  }
0x92: {  	s15 =	simm.s32 $0x40;
	s14 =	simm.s32 $0x400;
	s13 =	simm.s32 $0x0;
	v38 =	vmul.f32 v50, v8;
	v47 =	vld [tilespmem:s10+$0xFFFFFC90];
	v25 =	vadd.f32 v60, v63;
	v50 =	vadd.f32 v51, v53  }
.LBB2_2:
0x93: {  	p0 =	sne.s32 s15, $0x5C0;
	v34 =	vmul.f32 v34, v7;
	v51 =	vld [tilespmem:s14+$0xFFFFFD10];
	v35 =	vmul.f32 v35, v9;
	v37 =	vadd.f32 v37, v49  }
0x94: {  	v40 =	vmul.f32 v40, v8;
	v41 =	vmul.f32 v41, v10;
	v49 =	vld [tilespmem:s14+$0xFFFFFCA0];
	v48 =	vadd.f32 v48, v50  }
0x95: {  	v43 =	vmul.f32 v43, v9;
	v42 =	vmul.f32 v42, v11;
	v50 =	vld [tilespmem:s14+$0xFFFFFD20];
	v31 =	vadd.f32 v31, v37  }
0x96: {  	v37 =	vmul.f32 v44, v10;
	v44 =	vmul.f32 v45, v11;
	v45 =	vld [tilespmem:s14+$0xFFFFFCB0];
	v36 =	vadd.f32 v36, v48  }
0x97: {  	v46 =	vmul.f32 v46, v10;
	v47 =	vmul.f32 v47, v11;
	v48 =	vld [tilespmem:s14+$0xFFFFFD30];
	v24 =	vadd.f32 v24, v31  }
0x98: {  	v39 =	vmul.f32 v39, v10;
	v31 =	vld [tilespmem:s14+$0xFFFFFCC0];
	v51 =	vmul.f32 v51, v11;
	v30 =	vadd.f32 v30, v36  }
0x99: {  	v36 =	vadd.f32 v44, v37;
	v37 =	vadd.f32 v47, v46;
	v44 =	vmul.f32 v49, v9;
	v46 =	vld [tilespmem:s14+$0xFFFFFD40]  }
0x9a: {  	v41 =	vadd.f32 v42, v41;
	v47 =	vld [tilespmem:s14+$0xFFFFFCD0];
	v39 =	vadd.f32 v51, v39;
	v49 =	vmul.f32 v50, v9  }
0x9b: {  	v36 =	vadd.f32 v43, v36;
	v37 =	vadd.f32 v44, v37;
	v42 =	vmul.f32 v45, v8;
	v43 =	vld [tilespmem:s14+$0xFFFFFD50]  }
0x9c: {  	v35 =	vadd.f32 v35, v41;
	v44 =	vld [tilespmem:s14+$0xFFFFFCE0];
	v39 =	vadd.f32 v49, v39;
	v45 =	vmul.f32 v48, v8  }
0x9d: {  	v36 =	vadd.f32 v40, v36;
	v37 =	vadd.f32 v42, v37;
	v31 =	vmul.f32 v31, v7;
	v40 =	vld [tilespmem:s14+$0xFFFFFD60]  }
0x9e: {  	v35 =	vadd.f32 v38, v35;
	v41 =	vld [tilespmem:s14+$0xFFFFFCF0];
	v39 =	vadd.f32 v45, v39;
	v42 =	vmul.f32 v46, v7  }
0x9f: {  	v34 =	vadd.f32 v34, v36;
	v31 =	vadd.f32 v31, v37;
	v36 =	vmul.f32 v47, v6;
	v37 =	vld [tilespmem:s14+$0xFFFFFD70]  }
0xa0: {  	v32 =	vadd.f32 v32, v35;
	v38 =	vadd.f32 v42, v39;
	v39 =	vmul.f32 v43, v6;
	v35 =	vld [tilespmem:s14+$0xFFFFFDF0]  }
0xa1: {  	v33 =	vadd.f32 v33, v34;
	v31 =	vadd.f32 v36, v31;
	v34 =	vmul.f32 v44, v5  }
0xa2: {  	v28 =	vadd.f32 v28, v32;
	v36 =	vadd.f32 v39, v38;
	v38 =	vmul.f32 v40, v5  }
0xa3: {  	v29 =	vadd.f32 v29, v33;
	v31 =	vadd.f32 v34, v31;
	v32 =	vmul.f32 v41, v4  }
0xa4: {  	v26 =	vadd.f32 v26, v28;
	v33 =	vadd.f32 v38, v36;
	v34 =	vmul.f32 v37, v4  }
0xa5: {  	v27 =	vadd.f32 v27, v29;
	v28 =	vadd.f32 v32, v31;
	v29 =	vmul.f32 v35, v4  }
0xa6: {  	v23 =	vadd.f32 v23, v30;
	v30 =	vperm.xlane v25, v2;
	v31 =	vadd.f32 v34, v33  }
0xa7: {  	v32 =	vperm.xlane v27, v0;
	v33 =	vperm.xlane v28, v0;
	v26 =	vadd.f32 v29, v26  }
0xa8: {  	v16 =	vadd.f32 v16, v24;
	v17 =	vadd.f32 v17, v23;
	v29 =	vperm.xlane v31, v0  }
0xa9: {  	v23 =	vadd.f32 v27, v32;
	v24 =	vadd.f32 v28, v33;
	v27 =	vperm.xlane v26, v0  }
0xaa: {  	v28 =	vadd.f32 v31, v29;
	v29 =	vperm.xlane v17, v0;
	v31 =	vperm.xlane v16, v0  }
0xab: {  	v32 =	vperm.xlane v23, v1;
	v33 =	vperm.xlane v24, v1;
	v26 =	vadd.f32 v26, v27  }
0xac: {  	v27 =	vperm.xlane v28, v1;
	v17 =	vadd.f32 v17, v29;
	v16 =	vadd.f32 v16, v31  }
0xad: {  	v23 =	vadd.f32 v23, v32;
	v24 =	vadd.f32 v24, v33;
	v29 =	vperm.xlane v26, v1  }
0xae: {  	v27 =	vadd.f32 v28, v27;
	v28 =	vperm.xlane v17, v1;
	v31 =	vperm.xlane v16, v1  }
0xaf: {  	v32 =	vperm.xlane v23, v2;
	v33 =	vperm.xlane v24, v2;
	v26 =	vadd.f32 v26, v29  }
0xb0: {  	v29 =	vperm.xlane v27, v2;
	v17 =	vadd.f32 v17, v28;
	v16 =	vadd.f32 v16, v31  }
0xb1: {  	v23 =	vadd.f32 v23, v32;
	v24 =	vadd.f32 v24, v33;
	v28 =	vperm.xlane v26, v2  }
0xb2: {  	v27 =	vadd.f32 v27, v29;
	v29 =	vperm.xlane v17, v2;
	v31 =	vperm.xlane v16, v2  }
0xb3: {  	v32 =	vperm.xlane v23, v3;
	v33 =	vperm.xlane v24, v3;
	v26 =	vadd.f32 v26, v28  }
0xb4: {  	v28 =	vperm.xlane v27, v3;
	v17 =	vadd.f32 v17, v29;
	v16 =	vadd.f32 v16, v31  }
0xb5: {  	v23 =	vadd.f32 v23, v32;
	v24 =	vadd.f32 v24, v33;
	v29 =	vperm.xlane v26, v3  }
0xb6: {  	v25 =	vadd.f32 v25, v30;
	v27 =	vadd.f32 v27, v28;
	v28 =	vperm.xlane v17, v3  }
0xb7: {  	v23 =	vsel vm0, v23, v24;
	v24 =	vadd.f32 v26, v29;
	v26 =	vperm.xlane v16, v3  }
0xb8: {  	v23 =	vsel vm1, v23, v27;
	v17 =	vadd.f32 v17, v28;
	v27 =	vperm.xlane v25, v3  }
0xb9: {  	v23 =	vsel vm2, v23, v24;
	v16 =	vadd.f32 v16, v26;
	v24 =	vperm.xlane v22, v3  }
0xba: {  	v17 =	vsel vm3, v23, v17;
	v23 =	vadd.f32 v25, v27;
	v25 =	vperm.xlane v21, v3  }
0xbb: {  	v16 =	vsel vm4, v17, v16;
	v17 =	vadd.f32 v22, v24;
	v22 =	vperm.xlane v20, v3  }
0xbc: {  	v16 =	vsel vm5, v16, v23;
	v21 =	vadd.f32 v21, v25;
	v23 =	vperm.xlane v19, v3  }
0xbd: {  	v16 =	vsel vm6, v16, v17;
	v17 =	vadd.f32 v20, v22;
	v20 =	vperm.xlane v18, v3  }
0xbe: {  	v16 =	vsel vm7, v16, v21;
	v19 =	vadd.f32 v19, v23;
	v21 =	vperm.xlane v15, v3  }
0xbf: {  	v16 =	vsel vm8, v16, v17;
	v17 =	vadd.f32 v18, v20;
	v18 =	vperm.xlane v14, v3  }
0xc0: {  	v16 =	vsel vm9, v16, v19;
	v15 =	vadd.f32 v15, v21;
	v19 =	vperm.xlane v13, v3  }
0xc1: {  	v16 =	vsel vm10, v16, v17;
	v14 =	vadd.f32 v14, v18;
	v17 =	vperm.xlane v12, v3  }
0xc2: {  	v15 =	vsel vm11, v16, v15;
	v13 =	vadd.f32 v13, v19  }
0xc3: {  	v14 =	vsel vm12, v15, v14;
	v12 =	vadd.f32 v12, v17  }
0xc4: {  	v13 =	vsel vm13, v14, v13  }
0xc5: {  	v12 =	vsel vm14, v13, v12  }
0xc6: {  	v12 =	vmul.f32 v12, v12  }
0xc7: {  	s16 =	sshra.s32 s13, $0x2;
	s13 =	smov.u32 s15  }
0xc8: {  	s14 =	sadd.s32 $0x800, s14;
	[tilespmem:s16+$0xC080] =	vst v12  }
0xc9: {  	v13 =	vld [tilespmem:s14+$0x3F0]  }
0xca: {  	v17 =	vld [tilespmem:s14+$0x370]  }
0xcb: {  	v18 =	vld [tilespmem:s14+$0x3E0]  }
0xcc: {  	v19 =	vld [tilespmem:s14+$0x2F0]  }
0xcd: {  	v20 =	vld [tilespmem:s14+$0x360]  }
0xce: {  	v21 =	vld [tilespmem:s14+$0x3D0]  }
0xcf: {  	v22 =	vld [tilespmem:s14+$0x270]  }
0xd0: {  	v23 =	vld [tilespmem:s14+$0x2E0]  }
0xd1: {  	v24 =	vld [tilespmem:s14+$0x350]  }
0xd2: {  	v25 =	vld [tilespmem:s14+$0x3C0]  }
0xd3: {  	v26 =	vld [tilespmem:s14+$0x1F0]  }
0xd4: {  	v27 =	vld [tilespmem:s14+$0x260]  }
0xd5: {  	v28 =	vld [tilespmem:s14+$0x2D0]  }
0xd6: {  	v29 =	vld [tilespmem:s14+$0x340]  }
0xd7: {  	v30 =	vld [tilespmem:s14+$0x3B0]  }
0xd8: {  	v31 =	vld [tilespmem:s14+$0x170]  }
0xd9: {  	v32 =	vld [tilespmem:s14+$0x1E0]  }
0xda: {  	v33 =	vld [tilespmem:s14+$0x250]  }
0xdb: {  	v34 =	vld [tilespmem:s14+$0x2C0]  }
0xdc: {  	v35 =	vld [tilespmem:s14+$0x330]  }
0xdd: {  	v36 =	vld [tilespmem:s14+$0x3A0]  }
0xde: {  	v37 =	vld [tilespmem:s14+$0xF0]  }
0xdf: {  	v38 =	vld [tilespmem:s14+$0x160]  }
0xe0: {  	v39 =	vld [tilespmem:s14+$0x1D0]  }
0xe1: {  	v40 =	vld [tilespmem:s14+$0x240]  }
0xe2: {  	v41 =	vld [tilespmem:s14+$0x2B0]  }
0xe3: {  	v42 =	vld [tilespmem:s14+$0x320]  }
0xe4: {  	v43 =	vld [tilespmem:s14+$0x380]  }
0xe5: {  	v44 =	vld [tilespmem:s14+$0x390]  }
0xe6: {  	v15 =	vld [tilespmem:s14+$0x70]  }
0xe7: {  	v14 =	vld [tilespmem:s14+$0xE0]  }
0xe8: {  	v12 =	vld [tilespmem:s14+$0x150]  }
0xe9: {  	v45 =	vmul.f32 v13, v4;
	v16 =	vld [tilespmem:s14+$0x1C0]  }
0xea: {  	v47 =	vmul.f32 v17, v4;
	v48 =	vmul.f32 v18, v5;
	v46 =	vld [tilespmem:s14+$0x230]  }
0xeb: {  	v13 =	vmul.f32 v43, v10;
	v17 =	vmul.f32 v44, v11;
	v49 =	vld [tilespmem:s14+$0x2A0]  }
0xec: {  	v20 =	vmul.f32 v20, v5;
	v43 =	vmul.f32 v19, v4;
	v18 =	vld [tilespmem:s14+$0x300]  }
0xed: {  	v36 =	vmul.f32 v36, v9;
	v44 =	vmul.f32 v21, v6;
	v13 =	vadd.f32 v17, v13;
	v19 =	vld [tilespmem:s14+$0x310]  }
0xee: {  	v22 =	vmul.f32 v22, v4;
	v50 =	vmul.f32 v23, v5;
	v17 =	vld [tilespmem:s14+$0xFFFFFFF0]  }
0xef: {  	v24 =	vmul.f32 v24, v6;
	v30 =	vmul.f32 v30, v8;
	v36 =	vadd.f32 v36, v13;
	v23 =	vld [tilespmem:s14+$0x280]  }
0xf0: {  	v25 =	vmul.f32 v25, v7;
	v13 =	vmul.f32 v26, v4;
	v26 =	vld [tilespmem:s14+$0x290]  }
0xf1: {  	v27 =	vmul.f32 v27, v5;
	v28 =	vmul.f32 v28, v6;
	v30 =	vadd.f32 v30, v36;
	v21 =	vld [tilespmem:s14+$0x60]  }
0xf2: {  	v51 =	vmul.f32 v18, v10;
	v36 =	vld [tilespmem:s14+$0x200];
	v19 =	vmul.f32 v19, v11  }
0xf3: {  	v29 =	vmul.f32 v29, v7;
	v18 =	vmul.f32 v31, v4;
	v25 =	vadd.f32 v25, v30;
	v31 =	vld [tilespmem:s14+$0x210]  }
0xf4: {  	v32 =	vmul.f32 v32, v5;
	v42 =	vmul.f32 v42, v9;
	v30 =	vld [tilespmem:s14+$0xD0];
	v19 =	vadd.f32 v19, v51  }
0xf5: {  	v23 =	vmul.f32 v23, v10;
	v25 =	vadd.f32 v44, v25;
	v51 =	vld [tilespmem:s14+$0x220];
	v26 =	vmul.f32 v26, v11  }
0xf6: {  	v33 =	vmul.f32 v33, v6;
	v35 =	vmul.f32 v35, v8;
	v44 =	vld [tilespmem:s14+$0x140];
	v19 =	vadd.f32 v42, v19  }
0xf7: {  	v25 =	vadd.f32 v48, v25;
	v42 =	vld [tilespmem:s14+$0x1B0];
	v23 =	vadd.f32 v26, v23;
	v26 =	vmul.f32 v49, v9  }
0xf8: {  	v36 =	vmul.f32 v36, v10;
	v48 =	vld [tilespmem:s14+$0xFFFFFF70];
	v31 =	vmul.f32 v31, v11;
	v19 =	vadd.f32 v35, v19  }
0xf9: {  	v25 =	vadd.f32 v45, v25;
	v35 =	vld [tilespmem:s14+$0xFFFFFFE0];
	v23 =	vadd.f32 v26, v23;
	v26 =	vmul.f32 v41, v8  }
0xfa: {  	v41 =	vld [tilespmem:s14+$0x50];
	v31 =	vadd.f32 v31, v36;
	v36 =	vmul.f32 v51, v9;
	v19 =	vadd.f32 v29, v19  }
0xfb: {  	v29 =	vld [tilespmem:s14+$0x180];
	v23 =	vadd.f32 v26, v23;
	v26 =	vmul.f32 v34, v7;
	v34 =	vperm.xlane v25, v0  }
0xfc: {  	v45 =	vld [tilespmem:s14+$0x190];
	v31 =	vadd.f32 v36, v31;
	v36 =	vmul.f32 v46, v8;
	v24 =	vadd.f32 v24, v19  }
0xfd: {  	v19 =	vmul.f32 v37, v4;
	v46 =	vld [tilespmem:s14+$0xC0];
	v26 =	vadd.f32 v26, v23;
	v25 =	vadd.f32 v25, v34  }
0xfe: {  	v34 =	vld [tilespmem:s14+$0x1A0];
	v31 =	vadd.f32 v36, v31;
	v36 =	vmul.f32 v40, v7;
	v20 =	vadd.f32 v20, v24  }
0xff: {  	v37 =	vmul.f32 v39, v6;
	v23 =	vmul.f32 v38, v5;
	v24 =	vld [tilespmem:s14+$0x130];
	v26 =	vadd.f32 v28, v26  }
0x100: {  	v28 =	vld [tilespmem:s14+$0xFFFFFEF0];
	v31 =	vadd.f32 v36, v31;
	v20 =	vadd.f32 v47, v20;
	v36 =	vperm.xlane v25, v1  }
0x101: {  	v29 =	vmul.f32 v29, v10;
	v38 =	vld [tilespmem:s14+$0xFFFFFF60];
	v39 =	vmul.f32 v45, v11;
	v26 =	vadd.f32 v50, v26  }
0x102: {  	v40 =	vld [tilespmem:s14+$0xFFFFFFD0];
	v31 =	vadd.f32 v33, v31;
	v33 =	vperm.xlane v20, v0;
	v36 =	vadd.f32 v25, v36  }
0x103: {  	v45 =	vld [tilespmem:s14+$0x40];
	v25 =	vadd.f32 v39, v29;
	v29 =	vmul.f32 v34, v9;
	v26 =	vadd.f32 v43, v26  }
0x104: {  	v34 =	vld [tilespmem:s14+$0xB0];
	v27 =	vadd.f32 v27, v31;
	v31 =	vadd.f32 v20, v33;
	v33 =	vperm.xlane v36, v2  }
0x105: {  	v39 =	vld [tilespmem:s14+$0x120];
	v20 =	vadd.f32 v29, v25;
	v29 =	vmul.f32 v42, v8;
	v42 =	vperm.xlane v26, v0  }
0x106: {  	v25 =	vmul.f32 v15, v4;
	v43 =	vld [tilespmem:s14+$0xFFFFFE70];
	v15 =	vadd.f32 v22, v27;
	v22 =	vperm.xlane v31, v1  }
0x107: {  	v16 =	vmul.f32 v16, v7;
	v47 =	vld [tilespmem:s14+$0xFFFFFEE0];
	v27 =	vadd.f32 v29, v20;
	v26 =	vadd.f32 v26, v42  }
0x108: {  	v42 =	vmul.f32 v14, v5;
	v20 =	vld [tilespmem:s14+$0xFFFFFF50];
	v14 =	vperm.xlane v15, v0;
	v31 =	vadd.f32 v31, v22  }
0x109: {  	v50 =	vmul.f32 v12, v6;
	v49 =	vld [tilespmem:s14+$0xFFFFFFC0];
	v12 =	vadd.f32 v16, v27;
	v16 =	vperm.xlane v26, v1  }
0x10a: {  	v22 =	vmul.f32 v17, v4;
	v17 =	vld [tilespmem:s14+$0x30];
	v14 =	vadd.f32 v15, v14;
	v15 =	vperm.xlane v31, v2  }
0x10b: {  	v51 =	vmul.f32 v21, v5;
	v52 =	vld [tilespmem:s14+$0xA0];
	v12 =	vadd.f32 v37, v12;
	v37 =	vadd.f32 v26, v16  }
0x10c: {  	v30 =	vmul.f32 v30, v6;
	v27 =	vld [tilespmem:s14+$0x100];
	v16 =	vperm.xlane v14, v1  }
0x10d: {  	v44 =	vmul.f32 v44, v7;
	v53 =	vld [tilespmem:s14+$0x110];
	v12 =	vadd.f32 v32, v12;
	v32 =	vperm.xlane v37, v2  }
0x10e: {  	v21 =	vmul.f32 v48, v4;
	v29 =	vmul.f32 v35, v5;
	v26 =	vld [tilespmem:s14+$0xFFFFFE60];
	v35 =	vadd.f32 v14, v16  }
0x10f: {  	v41 =	vmul.f32 v41, v6;
	v46 =	vmul.f32 v46, v7;
	v48 =	vld [tilespmem:s14+$0x80];
	v54 =	vadd.f32 v13, v12  }
0x110: {  	v24 =	vmul.f32 v24, v8;
	v55 =	vld [tilespmem:s14+$0x90];
	v56 =	vperm.xlane v35, v2  }
0x111: {  	v16 =	vmul.f32 v28, v4;
	v12 =	vadd.f32 v36, v33;
	v57 =	vld [tilespmem:s14+$0x0];
	v58 =	vperm.xlane v54, v0  }
0x112: {  	v13 =	vadd.f32 v31, v15;
	v36 =	vmul.f32 v27, v10;
	v33 =	vld [tilespmem:s14+$0x10];
	v53 =	vmul.f32 v53, v11  }
0x113: {  	v31 =	vmul.f32 v40, v6;
	v14 =	vadd.f32 v37, v32;
	v27 =	vmul.f32 v38, v5;
	v28 =	vld [tilespmem:s14+$0xFFFFFED0]  }
0x114: {  	v37 =	vmul.f32 v39, v9;
	v38 =	vadd.f32 v54, v58;
	v32 =	vld [tilespmem:s14+$0x20];
	v36 =	vadd.f32 v53, v36  }
0x115: {  	v15 =	vadd.f32 v35, v56;
	v40 =	vmul.f32 v48, v10;
	v39 =	vld [tilespmem:s14+$0xFFFFFF40];
	v48 =	vmul.f32 v55, v11  }
0x116: {  	v52 =	vmul.f32 v52, v9;
	v35 =	vld [tilespmem:s14+$0xFFFFFF80];
	v36 =	vadd.f32 v37, v36;
	v37 =	vperm.xlane v38, v1  }
0x117: {  	v54 =	vmul.f32 v57, v10;
	v53 =	vld [tilespmem:s14+$0xFFFFFF90];
	v33 =	vmul.f32 v33, v11;
	v40 =	vadd.f32 v48, v40  }
0x118: {  	v34 =	vmul.f32 v34, v8;
	v48 =	vld [tilespmem:s14+$0xFFFFFFB0];
	v24 =	vadd.f32 v24, v36;
	v36 =	vadd.f32 v38, v37  }
0x119: {  	v37 =	vld [tilespmem:s14+$0xFFFFFFA0];
	v33 =	vadd.f32 v33, v54;
	v32 =	vmul.f32 v32, v9;
	v38 =	vadd.f32 v52, v40  }
0x11a: {  	v45 =	vmul.f32 v45, v7;
	v40 =	vld [tilespmem:s14+$0xFFFFFDE0];
	v24 =	vadd.f32 v44, v24;
	v44 =	vperm.xlane v36, v2  }
0x11b: {  	v52 =	vld [tilespmem:s14+$0xFFFFFE50];
	v32 =	vadd.f32 v32, v33;
	v33 =	vmul.f32 v17, v8;
	v34 =	vadd.f32 v34, v38  }
0x11c: {  	v35 =	vmul.f32 v35, v10;
	v38 =	vld [tilespmem:s14+$0xFFFFFF00];
	v53 =	vmul.f32 v53, v11;
	v24 =	vadd.f32 v50, v24  }
0x11d: {  	v17 =	vmul.f32 v43, v4;
	v43 =	vld [tilespmem:s14+$0xFFFFFF10];
	v32 =	vadd.f32 v33, v32;
	v33 =	vadd.f32 v46, v34  }
0x11e: {  	v46 =	vld [tilespmem:s14+$0xFFFFFEC0];
	v34 =	vadd.f32 v53, v35;
	v35 =	vmul.f32 v37, v9;
	v23 =	vadd.f32 v23, v24  }
0x11f: {  	v24 =	vmul.f32 v47, v5;
	v37 =	vld [tilespmem:s14+$0xFFFFFF20];
	v32 =	vadd.f32 v45, v32;
	v30 =	vadd.f32 v30, v33  }
0x120: {  	v33 =	vld [tilespmem:s14+$0xFFFFFF30];
	v34 =	vadd.f32 v35, v34;
	v35 =	vmul.f32 v48, v8;
	v18 =	vadd.f32 v18, v23  }
0x121: {  	v23 =	vmul.f32 v49, v7;
	v45 =	vld [tilespmem:s14+$0xFFFFFC70];
	v32 =	vadd.f32 v41, v32;
	v30 =	vadd.f32 v42, v30  }
0x122: {  	v38 =	vmul.f32 v38, v10;
	v41 =	vld [tilespmem:s14+$0xFFFFFDD0];
	v42 =	vmul.f32 v43, v11;
	v34 =	vadd.f32 v35, v34  }
0x123: {  	v43 =	vld [tilespmem:s14+$0xFFFFFE40];
	v32 =	vadd.f32 v51, v32;
	v19 =	vadd.f32 v19, v30;
	v30 =	vperm.xlane v18, v0  }
0x124: {  	v47 =	vld [tilespmem:s14+$0xFFFFFEB0];
	v35 =	vadd.f32 v42, v38;
	v37 =	vmul.f32 v37, v9;
	v23 =	vadd.f32 v23, v34  }
0x125: {  	v38 =	vld [tilespmem:s14+$0xFFFFFC60];
	v25 =	vadd.f32 v25, v32;
	v32 =	vperm.xlane v19, v0;
	v18 =	vadd.f32 v18, v30  }
0x126: {  	v33 =	vmul.f32 v33, v8;
	v48 =	vld [tilespmem:s14+$0xFFFFFDC0];
	v30 =	vadd.f32 v37, v35;
	v23 =	vadd.f32 v31, v23  }
0x127: {  	v49 =	vld [tilespmem:s14+$0xFFFFFE30];
	v31 =	vperm.xlane v25, v0;
	v19 =	vadd.f32 v19, v32;
	v32 =	vperm.xlane v18, v1  }
0x128: {  	v50 =	vld [tilespmem:s14+$0xFFFFFEA0];
	v30 =	vadd.f32 v33, v30;
	v33 =	vmul.f32 v39, v7;
	v23 =	vadd.f32 v29, v23  }
0x129: {  	v51 =	vld [tilespmem:s14+$0xFFFFFC50];
	v25 =	vadd.f32 v25, v31;
	v29 =	vperm.xlane v19, v1;
	v32 =	vadd.f32 v18, v32  }
0x12a: {  	v20 =	vmul.f32 v20, v6;
	v53 =	vld [tilespmem:s14+$0xFFFFFDB0];
	v18 =	vadd.f32 v33, v30;
	v22 =	vadd.f32 v22, v23  }
0x12b: {  	v33 =	vld [tilespmem:s14+$0xFFFFFE20];
	v30 =	vperm.xlane v25, v1;
	v29 =	vadd.f32 v19, v29;
	v19 =	vperm.xlane v32, v2  }
0x12c: {  	v23 =	vmul.f32 v26, v5;
	v39 =	vld [tilespmem:s14+$0xFFFFFE80];
	v18 =	vadd.f32 v20, v18;
	v20 =	vperm.xlane v22, v0  }
0x12d: {  	v31 =	vmul.f32 v28, v6;
	v42 =	vld [tilespmem:s14+$0xFFFFFE90];
	v25 =	vadd.f32 v25, v30;
	v54 =	vperm.xlane v29, v2  }
0x12e: {  	v26 =	vmul.f32 v40, v5;
	v34 =	vld [tilespmem:s14+$0xFFFFFC40];
	v27 =	vadd.f32 v27, v18;
	v20 =	vadd.f32 v22, v20  }
0x12f: {  	v37 =	vmul.f32 v46, v7;
	v30 =	vmul.f32 v52, v6;
	v18 =	vadd.f32 v36, v44;
	v35 =	vld [tilespmem:s14+$0xFFFFFDA0]  }
0x130: {  	v46 =	vperm.xlane v25, v2;
	v22 =	vld [tilespmem:s14+$0xFFFFFE00];
	v44 =	vadd.f32 v21, v27;
	v21 =	vperm.xlane v20, v1  }
0x131: {  	v28 =	vmul.f32 v41, v6;
	v19 =	vadd.f32 v32, v19;
	v27 =	vmul.f32 v45, v4;
	v45 =	vld [tilespmem:s14+$0xFFFFFE10]  }
0x132: {  	v36 =	vmul.f32 v43, v7;
	v40 =	vld [tilespmem:s14+$0xFFFFFC30];
	v32 =	vperm.xlane v44, v0;
	v52 =	vadd.f32 v20, v21  }
0x133: {  	v39 =	vmul.f32 v39, v10;
	v55 =	vmul.f32 v42, v11;
	v20 =	vadd.f32 v29, v54;
	v41 =	vld [tilespmem:s14+$0xFFFFFD80]  }
0x134: {  	v47 =	vmul.f32 v47, v8;
	v21 =	vadd.f32 v25, v46;
	v42 =	vld [tilespmem:s14+$0xFFFFFD90];
	v29 =	vperm.xlane v52, v2  }
0x135: {  	v46 =	vmul.f32 v50, v9;
	v25 =	vadd.f32 v55, v39;
	v50 =	vadd.f32 v44, v32;
	v43 =	vld [tilespmem:s14+$0xFFFFFC20]  }
.Ltmp0:
0x136: {  	v54 =	vmul.f32 v22, v10;
	v39 =	vld [tilespmem:s14+$0xFFFFFD00];
	v55 =	vmul.f32 v45, v11;
	v22 =	vadd.f32 v52, v29;
	(pc) =	sbr.rel @p0 .LBB2_2-.Ltmp0, $4  }
0x137: {  	v29 =	vmul.f32 v38, v5;
	v25 =	vadd.f32 v46, v25;
	v38 =	vperm.xlane v50, v1;
	v44 =	vld [tilespmem:s14+$0xFFFFFC00]  }
0x138: {  	v32 =	vmul.f32 v48, v7;
	v45 =	vld [tilespmem:s14+$0xFFFFFC10];
	v52 =	vadd.f32 v55, v54;
	v54 =	vmul.f32 v33, v9  }
0x139: {  	v48 =	vmul.f32 v49, v8;
	v49 =	vadd.f32 v47, v25;
	v25 =	vadd.f32 v50, v38;
	v46 =	vld [tilespmem:s14+$0xFFFFFC80]  }
0x13a: {  	s15 =	sadd.s32 $0x40, s15;
	v33 =	vmul.f32 v51, v6;
	v38 =	vmul.f32 v53, v8;
	v47 =	vld [tilespmem:s14+$0xFFFFFC90];
	v50 =	vadd.f32 v54, v52  }
0x13b: {  	v34 =	vmul.f32 v34, v7;
	v51 =	vld [tilespmem:s14+$0xFFFFFD10]  }
0x13c: {  	v35 =	vmul.f32 v35, v9;
	v37 =	vadd.f32 v37, v49;
	v57 =	vld [tilespmem:s14+$0xFFFFFCA0];
	v41 =	vmul.f32 v41, v10  }
0x13d: {  	v43 =	vmul.f32 v43, v9;
	v58 =	vld [tilespmem:s14+$0xFFFFFD20];
	v42 =	vmul.f32 v42, v11;
	v48 =	vadd.f32 v48, v50  }
0x13e: {  	v59 =	vmul.f32 v44, v10;
	v31 =	vadd.f32 v31, v37;
	v60 =	vmul.f32 v45, v11  }
0x13f: {  	v61 =	vld [tilespmem:s14+$0xFFFFFCB0];
	v63 =	vmul.f32 v39, v10;
	v36 =	vadd.f32 v36, v48;
	v46 =	vmul.f32 v46, v10  }
0x140: {  	v62 =	vld [tilespmem:s14+$0xFFFFFD30];
	v47 =	vmul.f32 v47, v11;
	v24 =	vadd.f32 v24, v31;
	v52 =	vadd.f32 v60, v59  }
0x141: {  	v31 =	vld [tilespmem:s14+$0xFFFFFCC0];
	v51 =	vmul.f32 v51, v11;
	v30 =	vadd.f32 v30, v36;
	v54 =	vmul.f32 v57, v9  }
0x142: {  	v55 =	vld [tilespmem:s14+$0xFFFFFD40];
	v57 =	vmul.f32 v58, v9;
	v58 =	vadd.f32 v42, v41;
	v53 =	vadd.f32 v47, v46  }
0x143: {  	v40 =	vmul.f32 v40, v8;
	v56 =	vld [tilespmem:s14+$0xFFFFFCD0];
	v36 =	vadd.f32 v43, v52;
	v10 =	vadd.f32 v51, v63  }
0x144: {  	v60 =	vld [tilespmem:s14+$0xFFFFFD50];
	v59 =	vmul.f32 v61, v8;
	v16 =	vadd.f32 v16, v24;
	v37 =	vadd.f32 v54, v53  }
0x145: {  	v61 =	vld [tilespmem:s14+$0xFFFFFCE0];
	v62 =	vmul.f32 v62, v8;
	v63 =	vadd.f32 v35, v58;
	v9 =	vadd.f32 v57, v10  }
0x146: {  	v47 =	vld [tilespmem:s14+$0xFFFFFD60];
	v43 =	vadd.f32 v40, v36;
	v31 =	vmul.f32 v31, v7;
	v45 =	vadd.f32 v59, v37  }
0x147: {  	v48 =	vld [tilespmem:s14+$0xFFFFFCF0];
	v49 =	vmul.f32 v55, v7;
	v50 =	vadd.f32 v38, v63;
	v8 =	vadd.f32 v62, v9  }
0x148: {  	v53 =	vmul.f32 v56, v6;
	v54 =	vld [tilespmem:s14+$0xFFFFFD70];
	v51 =	vadd.f32 v34, v43;
	v52 =	vadd.f32 v31, v45  }
0x149: {  	v55 =	vmul.f32 v60, v6;
	v57 =	vld [tilespmem:s14+$0xFFFFFDF0];
	v56 =	vadd.f32 v32, v50;
	v7 =	vadd.f32 v49, v8  }
0x14a: {  	v58 =	vmul.f32 v61, v5;
	v10 =	vadd.f32 v33, v51;
	v11 =	vadd.f32 v53, v52  }
0x14b: {  	v5 =	vmul.f32 v47, v5;
	v59 =	vadd.f32 v28, v56;
	v6 =	vadd.f32 v55, v7  }
0x14c: {  	v62 =	vmul.f32 v48, v4;
	v60 =	vadd.f32 v29, v10;
	v61 =	vadd.f32 v58, v11  }
0x14d: {  	v63 =	vmul.f32 v54, v4;
	v7 =	vadd.f32 v26, v59;
	v5 =	vadd.f32 v5, v6  }
0x14e: {  	v4 =	vmul.f32 v57, v4;
	v8 =	vadd.f32 v27, v60;
	v10 =	vadd.f32 v62, v61  }
0x14f: {  	v28 =	vadd.f32 v23, v30;
	v5 =	vadd.f32 v63, v5  }
0x150: {  	v4 =	vadd.f32 v4, v7;
	v30 =	vperm.xlane v8, v0;
	v31 =	vperm.xlane v10, v0  }
0x151: {  	v35 =	vperm.xlane v16, v0;
	v6 =	vadd.f32 v17, v28;
	v32 =	vperm.xlane v5, v0  }
0x152: {  	v33 =	vperm.xlane v4, v0;
	v8 =	vadd.f32 v8, v30;
	v10 =	vadd.f32 v10, v31  }
0x153: {  	v39 =	vadd.f32 v16, v35;
	v34 =	vperm.xlane v6, v0;
	v5 =	vadd.f32 v5, v32  }
0x154: {  	v4 =	vadd.f32 v4, v33;
	v36 =	vperm.xlane v8, v1;
	v37 =	vperm.xlane v10, v1  }
0x155: {  	v29 =	vperm.xlane v25, v2;
	v6 =	vadd.f32 v6, v34;
	v38 =	vperm.xlane v5, v1  }
0x156: {  	v40 =	vperm.xlane v4, v1;
	v8 =	vadd.f32 v8, v36;
	v10 =	vadd.f32 v10, v37  }
0x157: {  	v17 =	vperm.xlane v39, v1;
	v41 =	vperm.xlane v6, v1;
	v5 =	vadd.f32 v5, v38  }
0x158: {  	v4 =	vadd.f32 v4, v40;
	v23 =	vperm.xlane v8, v2;
	v24 =	vperm.xlane v10, v2  }
0x159: {  	v7 =	vadd.f32 v39, v17;
	v6 =	vadd.f32 v6, v41;
	v42 =	vperm.xlane v5, v2  }
0x15a: {  	v43 =	vperm.xlane v4, v2;
	v8 =	vadd.f32 v8, v23;
	v10 =	vadd.f32 v10, v24  }
0x15b: {  	v17 =	vperm.xlane v7, v2;
	v44 =	vperm.xlane v6, v2;
	v5 =	vadd.f32 v5, v42  }
0x15c: {  	v4 =	vadd.f32 v4, v43;
	v23 =	vperm.xlane v8, v3;
	v24 =	vperm.xlane v10, v3  }
0x15d: {  	v7 =	vadd.f32 v7, v17;
	v6 =	vadd.f32 v6, v44;
	v45 =	vperm.xlane v5, v3  }
0x15e: {  	v46 =	vperm.xlane v4, v3;
	v8 =	vadd.f32 v8, v23;
	v10 =	vadd.f32 v10, v24  }
0x15f: {  	v9 =	vadd.f32 v25, v29;
	v47 =	vperm.xlane v6, v3;
	v5 =	vadd.f32 v5, v45  }
0x160: {  	v48 =	vperm.xlane v7, v3;
	v4 =	vadd.f32 v4, v46;
	v8 =	vsel vm0, v8, v10  }
0x161: {  	v49 =	vperm.xlane v9, v3;
	v6 =	vadd.f32 v6, v47;
	v5 =	vsel vm1, v8, v5  }
0x162: {  	v50 =	vperm.xlane v22, v3;
	v4 =	vsel vm2, v5, v4;
	v5 =	vadd.f32 v7, v48  }
0x163: {  	v52 =	vperm.xlane v21, v3;
	v51 =	vadd.f32 v9, v49;
	v4 =	vsel vm3, v4, v6  }
0x164: {  	v53 =	vperm.xlane v20, v3;
	v4 =	vsel vm4, v4, v5;
	v5 =	vadd.f32 v22, v50  }
0x165: {  	v55 =	vperm.xlane v19, v3;
	v54 =	vadd.f32 v21, v52;
	v4 =	vsel vm5, v4, v51  }
0x166: {  	v56 =	vperm.xlane v18, v3;
	v4 =	vsel vm6, v4, v5;
	v5 =	vadd.f32 v20, v53  }
0x167: {  	v58 =	vperm.xlane v15, v3;
	v57 =	vadd.f32 v19, v55;
	v4 =	vsel vm7, v4, v54  }
0x168: {  	v59 =	vperm.xlane v14, v3;
	v4 =	vsel vm8, v4, v5;
	v5 =	vadd.f32 v18, v56  }
0x169: {  	v60 =	vadd.f32 v15, v58;
	v61 =	vperm.xlane v13, v3;
	v4 =	vsel vm9, v4, v57  }
0x16a: {  	v62 =	vperm.xlane v12, v3;
	v4 =	vsel vm10, v4, v5;
	v5 =	vadd.f32 v14, v59  }
0x16b: {  	v63 =	vadd.f32 v13, v61;
	v4 =	vsel vm11, v4, v60  }
0x16c: {  	v4 =	vsel vm12, v4, v5;
	v5 =	vadd.f32 v12, v62  }
0x16d: {  	v4 =	vsel vm13, v4, v63  }
0x16e: {  	v4 =	vsel vm14, v4, v5  }
0x16f: {  	s12 =	sadd.s32 $0x1, s12;
	v4 =	vmul.f32 v4, v4  }
0x170: {  	s13 =	sshra.s32 s13, $0x2;
	p0 =	sne.s32 s12, s6  }
.Ltmp1:
0x171: {  	[tilespmem:s13+$0xC080] =	vst v4;
	(pc) =	sbr.rel @p0 .LBB2_1-.Ltmp1, $4  }
0x172: {  	[hbm4b:s5+s9] =	stream.strided.scatter [tilespmem:s11], [sflag:$0x1], $0x180, s10, s9, $0x38;
	[tilespmem:$0xC200] =	vst v63  }
0x173: {  	_ =	swait.ge [sflag:s8], $0x180  }
0x174: {  	[sflag:s8] =	ssyncset.done $0x0  }
0x175: {  	[sflag:s8] =	ssyncadd.s32 $0xFFFFFE80  }
0x176: {  	_ =	sfence.sel $0x180000  }
0x177: {  	[bflag:$0x0] =	sbarrier.arrive $0xFFFF  }
0x178: {  	p0 =	sne.s32 s1, $0x0;
	_ =	strace $0x90000047  }
0x179: {  	s0 =	sadd.s32 @!p0 $0x100000, s0;
	[bflag:$0x2] =	sbarrier.arrive $0xFFFF  }
0x17a: {  	[sflag:s0] =	ssyncadd.tile.s32 @!p0 $0x1;
	_ =	shalt  }
.Lfunc_end2:
_tile_overlayer_lowered:
.L_overlay_start_2:
0x17b: {  	(tag) =	ssettag $0x2  }
0x17c: {  	s0 =	rddreg [dreg:$0x0];
	s2 =	stileid.u32  }
0x17d: {  	s1 =	rddreg [dreg:$0x1];
	p0 =	sne.s32 s2, $0x0  }
0x17e: {  	s3 =	rddreg [dreg:$0x2];
	[bflag:$0x3] =	sbarrier.arrive $0xFFFF;
	s2 =	simm.s32 @!p0 $0x1C01  }
0x17f: {  	[timem:s3], [sflag:s2] =	dma.local @!p0 [hbm:s0], s1  }
0x180: {  	s0 =	simm.s32 @!p0 $0x1  }
0x181: {  	_ =	swait.ge @!p0 [sflag:s0], s1  }
0x182: {  	s1 =	ssub.s32 @!p0 $0x0, s1;
	[sflag:s0] =	ssyncset.done @!p0 $0x0  }
0x183: {  	[sflag:s0] =	ssyncadd.s32 @!p0 s1  }
0x184: {  	[bflag:$0x3] =	sbarrier.arrive $0xFFFF  }
0x185: {  	_ =	shalt  }

</sc_bundles>
